<compile_context>
chip_gen: v7x
topology: tpu7x:2x2x1
jax: 0.10.2.dev20260603
libtpu: 0.0.44.dev20260713+nightly
codegen_flags: <defaults>
</compile_context>

<pallas_src>
import functools

import jax
import jax.numpy as jnp
from jax import lax
from jax.experimental import pallas as pl
from jax.experimental.pallas import tpu as pltpu
from jax.experimental.pallas import tpu_sc as plsc

_NC = 2
_NS = 16
_K = 80
_SLOPE = 0.2


def _lrelu(t):
    return jnp.where(t >= 0, t, _SLOPE * t)



def _a1_body(x_ref, w_ref, ms_ref, md_ref, *out_refs):
    x = x_ref[...]
    xp = jnp.dot(x, w_ref[...], preferred_element_type=jnp.float32)
    for j in range(8):
        out_refs[j][...] = xp[:, j * 64:(j + 1) * 64]
    a_s = jnp.dot(xp, ms_ref[...], preferred_element_type=jnp.float32)
    a_d = jnp.dot(xp, md_ref[...], preferred_element_type=jnp.float32)
    pad = jnp.zeros((x.shape[0], 16 - a_s.shape[1]), jnp.float32)
    out_refs[8][...] = jnp.concatenate([a_s, pad], axis=1)
    out_refs[9][...] = jnp.concatenate([a_d, pad], axis=1)


def _a2_body(ea_ref, we_ref, me_ref, aep_ref):
    ve = jnp.dot(we_ref[...], me_ref[...], preferred_element_type=jnp.float32)
    ae = jnp.dot(ea_ref[...], ve, preferred_element_type=jnp.float32)
    pad = jnp.zeros((ae.shape[0], 16 - 2 * ae.shape[1]), jnp.float32)
    aep_ref[...] = jnp.concatenate([ae, ae, pad], axis=1)


def _b_body(h, p0_ref, p1_ref, asp_ref, adp_ref, *refs):
    xps = refs[:8]
    dinvp_ref, oloop_ref = refs[8], refs[9]
    acc = p0_ref[...] + p1_ref[...]
    ssum = acc[:, 0:h]
    aesum = acc[:, h:2 * h]
    cnt = acc[:, 2 * h:2 * h + 1]
    ae_loop = aesum / jnp.maximum(cnt, 1.0)
    tl = asp_ref[:, 0:h] + adp_ref[:, 0:h] + ae_loop
    s_loop = jnp.exp(_lrelu(tl))
    denom = ssum + s_loop
    dinv = 1.0 / (denom + 1e-16)
    wl = s_loop * dinv
    pad = jnp.zeros((acc.shape[0], 16 - h), jnp.float32)
    dinvp_ref[...] = jnp.concatenate([dinv, pad], axis=1)
    o_lo = wl[:, 0:1] * xps[0][...]
    o_hi = wl[:, 0:1] * xps[1][...]
    for hh in range(1, h):
        o_lo = o_lo + wl[:, hh:hh + 1] * xps[2 * hh][...]
        o_hi = o_hi + wl[:, hh:hh + 1] * xps[2 * hh + 1][...]
    oloop_ref[...] = jnp.concatenate([o_lo, o_hi], axis=1)


def _c_body(inv_h, x_ref, pl0_ref, pl1_ref, ph0_ref, ph1_ref, oloop_ref,
            bias_ref, out_ref):
    lo = pl0_ref[...] + pl1_ref[...]
    hi = ph0_ref[...] + ph1_ref[...]
    p = jnp.concatenate([lo, hi], axis=1) + oloop_ref[...]
    out_ref[...] = x_ref[...] + p * inv_h + bias_ref[...]



def _sc1_body(n, e, ei_hbm, aep_hbm, asp_hbm, adp_hbm,
              sflat_hbm, part1_hbm,
              bufs, stage_v, acc_sh, sems):
    cid = lax.axis_index("c")
    sid = lax.axis_index("s")
    tid = sid * _NC + cid
    ept = e // (_NC * _NS)
    nchunk = ept // _K
    nzw = 10
    rows_w = n // nzw
    ln = lax.iota(jnp.int32, 16)
    sem_g, sem_f, sem_s = sems

    @pl.when(sid < nzw)
    def _zero():
        def _zrow(r, _):
            stage_v[r, :] = jnp.zeros((16,), jnp.float32)
            return 0
        lax.fori_loop(0, rows_w, _zrow, 0)
        pltpu.sync_copy(stage_v, acc_sh.at[pl.ds(sid * rows_w, rows_w)])
    plsc.subcore_barrier()

    def _lin(j, b):
        base = tid * ept + j * _K
        ei_v, aep_v, _, _, _, _, _ = bufs[b]
        pltpu.sync_copy(ei_hbm.at[:, pl.ds(base, _K)], ei_v)
        pltpu.sync_copy(aep_hbm.at[pl.ds(base, _K)], aep_v)

    def _gath_start(b):
        ei_v, _, as_v, ad_v, _, _, _ = bufs[b]
        pltpu.async_copy(asp_hbm.at[ei_v.at[0]], as_v, sem_g[b])
        pltpu.async_copy(adp_hbm.at[ei_v.at[1]], ad_v, sem_g[b])

    def _gath_wait(b):
        ei_v, _, as_v, ad_v, _, _, _ = bufs[b]
        pltpu.make_async_copy(asp_hbm.at[ei_v.at[0]], as_v, sem_g[b]).wait()
        pltpu.make_async_copy(adp_hbm.at[ei_v.at[1]], ad_v, sem_g[b]).wait()

    def _outs_wait(b):
        _, _, _, _, scat_v, sflat_v, dsc_v = bufs[b]
        pltpu.make_async_copy(sflat_v, sflat_hbm.at[pl.ds(0, _K * 4)],
                              sem_f[b]).wait()
        pltpu.make_async_copy(scat_v, acc_sh.at[dsc_v], sem_s[b]).wait()

    def _compute(j, b, not_first):
        base = tid * ept + j * _K
        ei_v, aep_v, as_v, ad_v, scat_v, sflat_v, dsc_v = bufs[b]

        @pl.when(not_first)
        def _():
            _outs_wait(b)

        def _dcp(g, _):
            dsc_v[pl.ds(g * 16, 16)] = ei_v[1, pl.ds(g * 16, 16)]
            return 0
        lax.fori_loop(0, _K // 16, _dcp, 0)

        def _edge(k, _):
            aep = aep_v[k, :]
            t = as_v[k, :] + ad_v[k, :] + aep
            s16 = jnp.exp(_lrelu(t))
            ones16 = jnp.full((16,), 1.0, dtype=jnp.float32)
            zero16 = jnp.zeros((16,), jnp.float32)
            row = jnp.where(ln < 4, s16,
                            jnp.where(ln < 8, aep,
                                      jnp.where(ln == 8, ones16, zero16)))
            scat_v[k, :] = row
            return 0
        lax.fori_loop(0, _K, _edge, 0)

        def _pack(g, _):
            ridx = g * 4 + (ln >> 2)
            cidx = ln & 3
            sflat_v[pl.ds(g * 16, 16)] = plsc.load_gather(scat_v, [ridx, cidx])
            return 0
        lax.fori_loop(0, _K // 4, _pack, 0)

        pltpu.async_copy(sflat_v, sflat_hbm.at[pl.ds(base * 4, _K * 4)],
                         sem_f[b])
        pltpu.async_copy(scat_v, acc_sh.at[dsc_v], sem_s[b], add=True)

    _lin(0, 0)
    _gath_start(0)

    def _iter(i, _):
        for b in range(2):
            j = 2 * i + b

            @pl.when(j + 1 < nchunk)
            def _():
                _lin(j + 1, 1 - b)
                _gath_start(1 - b)

            @pl.when(j < nchunk)
            def _():
                _gath_wait(b)
                _compute(j, b, j >= 2)
        return 0
    lax.fori_loop(0, (nchunk + 1) // 2, _iter, 0)
    _outs_wait(0)
    _outs_wait(1)

    plsc.subcore_barrier()

    @pl.when(sid < nzw)
    def _read():
        r0 = sid * rows_w
        pltpu.sync_copy(acc_sh.at[pl.ds(r0, rows_w)], stage_v)
        pltpu.sync_copy(stage_v, part1_hbm.at[pl.ds(cid * n + r0, rows_w)])


def _sc2_body(n, e, ei_hbm, sflat_hbm, dinvp_hbm, xpcat_hbm,
              pout_hbm,
              bufs, zstage_v, out_sh, sems):
    cid = lax.axis_index("c")
    sid = lax.axis_index("s")
    tid = sid * _NC + cid
    ept = e // (_NC * _NS)
    nchunk = ept // _K
    nzw = 10
    rows_w = n // nzw
    zrows = zstage_v.shape[0]
    ln = lax.iota(jnp.int32, 16)
    sem_g, sem_s = sems

    def _lin(j, b):
        base = tid * ept + j * _K
        ei_v, _, _, sflat_v, _, _, _, _ = bufs[b]
        pltpu.sync_copy(ei_hbm.at[:, pl.ds(base, _K)], ei_v)
        pltpu.sync_copy(sflat_hbm.at[pl.ds(base * 4, _K * 4)], sflat_v)

    def _gath_start(p, b):
        ei_v, idx4_v, _, _, _, dinv_v, rows, _ = bufs[b]
        pltpu.async_copy(dinvp_hbm.at[ei_v.at[1]], dinv_v, sem_g[b])

        def _ix(g, _):
            v = ei_v[0, pl.ds(g * 16, 16)]
            for h in range(4):
                idx4_v[pl.ds(h * _K + g * 16, 16)] = v + (2 * h + p) * n
            return 0
        lax.fori_loop(0, _K // 16, _ix, 0)
        for h in range(4):
            pltpu.async_copy(xpcat_hbm.at[idx4_v.at[pl.ds(h * _K, _K)]],
                             rows[h], sem_g[b])

    def _gath_wait(p, b):
        ei_v, idx4_v, _, _, _, dinv_v, rows, _ = bufs[b]
        pltpu.make_async_copy(dinvp_hbm.at[ei_v.at[1]], dinv_v,
                              sem_g[b]).wait()
        for h in range(4):
            pltpu.make_async_copy(xpcat_hbm.at[idx4_v.at[pl.ds(h * _K, _K)]],
                                  rows[h], sem_g[b]).wait()

    def _scat_wait(b):
        _, _, dsc_v, _, _, _, _, msg_v = bufs[b]
        pltpu.make_async_copy(msg_v, out_sh.at[dsc_v], sem_s[b]).wait()

    def _compute(b, not_first):
        ei_v, _, dsc_v, sflat_v, w_v, dinv_v, rows, msg_v = bufs[b]

        def _wg(g, _):
            ridx = g * 4 + (ln >> 2)
            hidx = ln & 3
            dv = plsc.load_gather(dinv_v, [ridx, hidx])
            w_v[pl.ds(g * 16, 16)] = sflat_v[pl.ds(g * 16, 16)] * dv
            return 0
        lax.fori_loop(0, _K // 4, _wg, 0)

        @pl.when(not_first)
        def _():
            _scat_wait(b)

        def _dcp(g, _):
            dsc_v[pl.ds(g * 16, 16)] = ei_v[1, pl.ds(g * 16, 16)]
            return 0
        lax.fori_loop(0, _K // 16, _dcp, 0)

        def _edge(k, _):
            acc = [jnp.zeros((16,), jnp.float32) for _ in range(4)]
            for h in range(4):
                wvec = plsc.load_gather(
                    w_v, [jnp.full((16,), 4 * k + h, dtype=jnp.int32)])
                for g in range(4):
                    acc[g] = acc[g] + wvec * rows[h][k, pl.ds(g * 16, 16)]
            for g in range(4):
                msg_v[k, pl.ds(g * 16, 16)] = acc[g]
            return 0
        lax.fori_loop(0, _K, _edge, 0)
        pltpu.async_copy(msg_v, out_sh.at[dsc_v], sem_s[b], add=True)

    def _phase(p, _):
        @pl.when(sid < nzw)
        def _zero():
            def _zrow(r, _):
                for g in range(4):
                    zstage_v[r, pl.ds(g * 16, 16)] = jnp.zeros((16,),
                                                               jnp.float32)
                return 0
            lax.fori_loop(0, zrows, _zrow, 0)
            for j in range(rows_w // zrows):
                pltpu.sync_copy(
                    zstage_v,
                    out_sh.at[pl.ds(sid * rows_w + j * zrows, zrows)])
        plsc.subcore_barrier()

        _lin(0, 0)
        _gath_start(p, 0)

        def _iter(i, _):
            for b in range(2):
                j = 2 * i + b

                @pl.when(j + 1 < nchunk)
                def _():
                    _lin(j + 1, 1 - b)
                    _gath_start(p, 1 - b)

                @pl.when(j < nchunk)
                def _():
                    _gath_wait(p, b)
                    _compute(b, j >= 2)
            return 0
        lax.fori_loop(0, (nchunk + 1) // 2, _iter, 0)
        _scat_wait(0)
        _scat_wait(1)

        plsc.subcore_barrier()

        @pl.when(sid < nzw)
        def _read():
            rr = sid * rows_w
            for j in range(rows_w // zrows):
                pltpu.sync_copy(out_sh.at[pl.ds(rr + j * zrows, zrows)],
                                zstage_v)
                ro = (p * _NC + cid) * n + rr + j * zrows
                pltpu.sync_copy(zstage_v, pout_hbm.at[pl.ds(ro, zrows)])
        plsc.subcore_barrier()
        return 0
    lax.fori_loop(0, 2, _phase, 0)



def kernel(x, edge_index, edge_attr, W, att_src, att_dst, W_edge, att_edge,
           bias):
    n, d = x.shape
    e = edge_index.shape[1]
    h = att_src.shape[1]
    c = att_src.shape[2]
    ed = W_edge.shape[0]
    assert h == 4 and c == 128 and d == 128
    assert e % (_NC * _NS * _K) == 0 and n % 2000 == 0

    eye_h = jnp.eye(h, dtype=jnp.float32)
    m_src = (att_src[0][:, :, None] * eye_h[:, None, :]).reshape(h * c, h)
    m_dst = (att_dst[0][:, :, None] * eye_h[:, None, :]).reshape(h * c, h)
    m_edge = (att_edge[0][:, :, None] * eye_h[:, None, :]).reshape(h * c, h)

    bn = 1000
    gn = n // bn
    be = e // 40
    ge = e // be

    a1_out = pl.pallas_call(
        _a1_body,
        grid=(gn,),
        in_specs=[
            pl.BlockSpec((bn, d), lambda i: (i, 0)),
            pl.BlockSpec((d, h * c), lambda i: (0, 0)),
            pl.BlockSpec((h * c, h), lambda i: (0, 0)),
            pl.BlockSpec((h * c, h), lambda i: (0, 0)),
        ],
        out_specs=[pl.BlockSpec((bn, 64), lambda i: (i, 0))] * 8
        + [pl.BlockSpec((bn, 16), lambda i: (i, 0))] * 2,
        out_shape=[jax.ShapeDtypeStruct((n, 64), jnp.float32)] * 8
        + [jax.ShapeDtypeStruct((n, 16), jnp.float32)] * 2,
    )(x, W, m_src, m_dst)
    xps = a1_out[:8]
    asp, adp = a1_out[8], a1_out[9]

    aep = pl.pallas_call(
        _a2_body,
        grid=(ge,),
        in_specs=[
            pl.BlockSpec((be, ed), lambda i: (i, 0)),
            pl.BlockSpec((ed, h * c), lambda i: (0, 0)),
            pl.BlockSpec((h * c, h), lambda i: (0, 0)),
        ],
        out_specs=pl.BlockSpec((be, 16), lambda i: (i, 0)),
        out_shape=jax.ShapeDtypeStruct((e, 16), jnp.float32),
    )(edge_attr, W_edge, m_edge)

    mesh = plsc.VectorSubcoreMesh(core_axis_name="c", subcore_axis_name="s")
    sc_params = pltpu.CompilerParams(use_tc_tiling_on_sc=False,
                                     needs_layout_passes=False)

    sflat, part1 = pl.kernel(
        functools.partial(_sc1_body, n, e),
        out_type=(
            jax.ShapeDtypeStruct((4 * e,), jnp.float32),
            jax.ShapeDtypeStruct((_NC * n, 16), jnp.float32),
        ),
        mesh=mesh,
        compiler_params=sc_params,
        scratch_types=[
            tuple(
                (pltpu.VMEM((2, _K), jnp.int32),
                 pltpu.VMEM((_K, 16), jnp.float32),
                 pltpu.VMEM((_K, 16), jnp.float32),
                 pltpu.VMEM((_K, 16), jnp.float32),
                 pltpu.VMEM((_K, 16), jnp.float32),
                 pltpu.VMEM((4 * _K,), jnp.float32),
                 pltpu.VMEM((_K,), jnp.int32))
                for _ in range(2)),
            pltpu.VMEM((n // 10, 16), jnp.float32),
            pltpu.MemorySpace.VMEM_SHARED((n, 16), jnp.float32),
            ((pltpu.SemaphoreType.DMA, pltpu.SemaphoreType.DMA),
             (pltpu.SemaphoreType.DMA, pltpu.SemaphoreType.DMA),
             (pltpu.SemaphoreType.DMA, pltpu.SemaphoreType.DMA)),
        ],
    )(edge_index, aep, asp, adp)

    dinvp, oloop = pl.pallas_call(
        functools.partial(_b_body, h),
        grid=(gn,),
        in_specs=[
            pl.BlockSpec((bn, 16), lambda i: (i, 0)),
            pl.BlockSpec((bn, 16), lambda i: (i + gn, 0)),
            pl.BlockSpec((bn, 16), lambda i: (i, 0)),
            pl.BlockSpec((bn, 16), lambda i: (i, 0)),
        ] + [pl.BlockSpec((bn, 64), lambda i: (i, 0))] * 8,
        out_specs=[
            pl.BlockSpec((bn, 16), lambda i: (i, 0)),
            pl.BlockSpec((bn, c), lambda i: (i, 0)),
        ],
        out_shape=[
            jax.ShapeDtypeStruct((n, 16), jnp.float32),
            jax.ShapeDtypeStruct((n, c), jnp.float32),
        ],
    )(part1, part1, asp, adp, *xps)

    xpcat = jnp.concatenate(xps, axis=0)
    pout = pl.kernel(
        functools.partial(_sc2_body, n, e),
        out_type=jax.ShapeDtypeStruct((4 * n, 64), jnp.float32),
        mesh=mesh,
        compiler_params=sc_params,
        scratch_types=[
            tuple(
                (pltpu.VMEM((2, _K), jnp.int32),
                 pltpu.VMEM((4 * _K,), jnp.int32),
                 pltpu.VMEM((_K,), jnp.int32),
                 pltpu.VMEM((4 * _K,), jnp.float32),
                 pltpu.VMEM((4 * _K,), jnp.float32),
                 pltpu.VMEM((_K, 16), jnp.float32),
                 tuple(pltpu.VMEM((_K, 64), jnp.float32)
                       for _ in range(4)),
                 pltpu.VMEM((_K, 64), jnp.float32))
                for _ in range(2)),
            pltpu.VMEM((200, 64), jnp.float32),
            pltpu.MemorySpace.VMEM_SHARED((n, 64), jnp.float32),
            ((pltpu.SemaphoreType.DMA, pltpu.SemaphoreType.DMA),
             (pltpu.SemaphoreType.DMA, pltpu.SemaphoreType.DMA)),
        ],
    )(edge_index, sflat, dinvp, xpcat)

    out = pl.pallas_call(
        functools.partial(_c_body, 1.0 / h),
        grid=(gn,),
        in_specs=[
            pl.BlockSpec((bn, d), lambda i: (i, 0)),
            pl.BlockSpec((bn, 64), lambda i: (i, 0)),
            pl.BlockSpec((bn, 64), lambda i: (i + gn, 0)),
            pl.BlockSpec((bn, 64), lambda i: (i + 2 * gn, 0)),
            pl.BlockSpec((bn, 64), lambda i: (i + 3 * gn, 0)),
            pl.BlockSpec((bn, c), lambda i: (i, 0)),
            pl.BlockSpec((1, d), lambda i: (0, 0)),
        ],
        out_specs=pl.BlockSpec((bn, d), lambda i: (i, 0)),
        out_shape=jax.ShapeDtypeStruct((n, d), jnp.float32),
    )(x, pout, pout, pout, pout, oloop, bias.reshape(1, d))

    return out

# --- scband reference (transcript-rebuilt; emitter-appended) ---
"""Pipeline reference for scband-gator-gatv2-sc-38319698215463 (READ-ONLY COPY).

The authoritative reference and input builder live on the scoring server;
editing this copy changes nothing except your own understanding.
"""

import jax, jax.numpy as jnp
import numpy as np

N = 10000
E = 320000
D = 128
H = 4
C = 128
ED = 16


def setup_inputs(seed: int = 0) -> dict:
    key = jax.random.key(seed)
    ks = jax.random.split(key, 10)
    x = jax.random.normal(ks[0], (N, D), dtype=jnp.float32)
    edge_index = jax.random.randint(ks[1], (2, E), 0, N, dtype=jnp.int32)
    edge_attr = jax.random.normal(ks[2], (E, ED), dtype=jnp.float32)
    W = jax.random.normal(ks[3], (D, H * C), dtype=jnp.float32) * (1.0 / np.sqrt(D))
    att_src = jax.random.normal(ks[4], (1, H, C), dtype=jnp.float32) * (1.0 / np.sqrt(C))
    att_dst = jax.random.normal(ks[5], (1, H, C), dtype=jnp.float32) * (1.0 / np.sqrt(C))
    W_edge = jax.random.normal(ks[6], (ED, H * C), dtype=jnp.float32) * (1.0 / np.sqrt(ED))
    att_edge = jax.random.normal(ks[7], (1, H, C), dtype=jnp.float32) * (1.0 / np.sqrt(C))
    bias = jnp.zeros((D,), dtype=jnp.float32)
    return {"x": x, "edge_index": edge_index, "edge_attr": edge_attr, "W": W,
            "att_src": att_src, "att_dst": att_dst, "W_edge": W_edge,
            "att_edge": att_edge, "bias": bias}


def reference(x, edge_index, edge_attr, W, att_src, att_dst, W_edge, att_edge, bias):
    src = edge_index[0]
    dst = edge_index[1]
    # add_self_loops with fill_value='mean': loop edge_attr = mean of incoming edge_attr per dst node
    seg_sum = jax.ops.segment_sum(edge_attr, dst, num_segments=N)
    cnt = jax.ops.segment_sum(jnp.ones((E, 1), dtype=jnp.float32), dst, num_segments=N)
    loop_attr = seg_sum / jnp.maximum(cnt, 1.0)
    loops = jnp.arange(N, dtype=src.dtype)
    ei_src = jnp.concatenate([src, loops], axis=0)
    ei_dst = jnp.concatenate([dst, loops], axis=0)
    ea = jnp.concatenate([edge_attr, loop_attr], axis=0)

    xp = (x @ W).reshape(N, H, C)
    a_src = (xp * att_src).sum(-1)  # [N, H]
    a_dst = (xp * att_dst).sum(-1)  # [N, H]
    ep = (ea @ W_edge).reshape(-1, H, C)
    a_e = (ep * att_edge).sum(-1)   # [E+N, H]

    alpha = a_src[ei_src] + a_dst[ei_dst] + a_e
    alpha = jax.nn.leaky_relu(alpha, negative_slope=0.2)
    amax = jax.ops.segment_max(alpha, ei_dst, num_segments=N)
    alpha = jnp.exp(alpha - amax[ei_dst])
    denom = jax.ops.segment_sum(alpha, ei_dst, num_segments=N)
    alpha = alpha / (denom[ei_dst] + 1e-16)

    msg = xp[ei_src] * alpha[..., None]          # [E+N, H, C]
    out = jax.ops.segment_sum(msg, ei_dst, num_segments=N)  # [N, H, C]
    out = out.mean(axis=1) + bias                # concat=False -> head mean
    return x + out                               # residual (in==out dims)

if __name__ == "__main__":
    import jax
    _d = setup_inputs()
    print(jax.jit(kernel)(*tuple(_d.values())))

</pallas_src>

<mosaic_0001>
#map = affine_map<(d0, d1) -> (0, 0)>
#map1 = affine_map<(d0, d1) -> (0)>
module attributes {stable_mosaic.version = 14 : i64} {
  func.func @_sc2_body(%arg0: i32, %arg1: i32, %arg2: memref<2x320000xi32, #tpu.memory_space<hbm>>, %arg3: memref<1280000xf32, #tpu.memory_space<hbm>>, %arg4: memref<10000x16xf32, #tpu.memory_space<hbm>>, %arg5: memref<80000x64xf32, #tpu.memory_space<hbm>>, %arg6: memref<40000x64xf32, #tpu.memory_space<hbm>>, %arg7: memref<2x80xi32, #tpu.memory_space<vmem>>, %arg8: memref<320xi32, #tpu.memory_space<vmem>>, %arg9: memref<80xi32, #tpu.memory_space<vmem>>, %arg10: memref<320xf32, #tpu.memory_space<vmem>>, %arg11: memref<320xf32, #tpu.memory_space<vmem>>, %arg12: memref<80x16xf32, #tpu.memory_space<vmem>>, %arg13: memref<80x64xf32, #tpu.memory_space<vmem>>, %arg14: memref<80x64xf32, #tpu.memory_space<vmem>>, %arg15: memref<80x64xf32, #tpu.memory_space<vmem>>, %arg16: memref<80x64xf32, #tpu.memory_space<vmem>>, %arg17: memref<80x64xf32, #tpu.memory_space<vmem>>, %arg18: memref<2x80xi32, #tpu.memory_space<vmem>>, %arg19: memref<320xi32, #tpu.memory_space<vmem>>, %arg20: memref<80xi32, #tpu.memory_space<vmem>>, %arg21: memref<320xf32, #tpu.memory_space<vmem>>, %arg22: memref<320xf32, #tpu.memory_space<vmem>>, %arg23: memref<80x16xf32, #tpu.memory_space<vmem>>, %arg24: memref<80x64xf32, #tpu.memory_space<vmem>>, %arg25: memref<80x64xf32, #tpu.memory_space<vmem>>, %arg26: memref<80x64xf32, #tpu.memory_space<vmem>>, %arg27: memref<80x64xf32, #tpu.memory_space<vmem>>, %arg28: memref<80x64xf32, #tpu.memory_space<vmem>>, %arg29: memref<200x64xf32, #tpu.memory_space<vmem>>, %arg30: memref<10000x64xf32, #tpu.memory_space<vmem_shared>>, %arg31: memref<!tpu.dma_semaphore, #tpu.memory_space<semaphore_mem>>, %arg32: memref<!tpu.dma_semaphore, #tpu.memory_space<semaphore_mem>>, %arg33: memref<!tpu.dma_semaphore, #tpu.memory_space<semaphore_mem>>, %arg34: memref<!tpu.dma_semaphore, #tpu.memory_space<semaphore_mem>>) attributes {dimension_semantics = [#tpu.dimension_semantics<core_parallel>, #tpu.dimension_semantics<subcore_parallel>], iteration_bounds = array<i64: 2, 16>, scalar_prefetch = 0 : i64, scratch_operands = 28 : i64, tpu.core_type = #tpu.core_type<sc_vector_subcore>, window_params = [{transform_indices = #map}, {transform_indices = #map1}, {transform_indices = #map}, {transform_indices = #map}, {transform_indices = #map}]} {
    %mul3A = arith.constant 2 : i32
    %mul3A_0 = arith.muli %arg1, %mul3A : i32
    %add3A = arith.addi %mul3A_0, %arg0 : i32
    %iota3A = tpu.iota {dimensions = array<i32: 0>} : vector<16xi32>
    %scan3A = arith.constant 0 : i32
    %scan3A_1 = arith.constant 0 : i32
    %scan3A_2 = arith.constant 2 : i32
    %scan3A_3 = arith.addi %scan3A_1, %scan3A_2 : i32
    %scan3A_4 = arith.constant 1 : i32
    %scan3A_5 = scf.for %scan3A_7 = %scan3A_1 to %scan3A_3 step %scan3A_4 iter_args(%scan3A_8 = %scan3A) -> (i32)  : i32 {
      %lt3A = arith.constant 10 : i32
      %lt3A_9 = arith.cmpi slt, %arg1, %lt3A : i32
      %convert_element_type3A = arith.extui %lt3A_9 : i1 to i32
      %cond3A = arith.constant 0 : i32
      %cond3A_10 = arith.cmpi ne, %convert_element_type3A, %cond3A : i32
      scf.if %cond3A_10 {
        %scan3A_70 = arith.constant 0 : i32
        %scan3A_71 = arith.constant 0 : i32
        %scan3A_72 = arith.constant 200 : i32
        %scan3A_73 = arith.addi %scan3A_71, %scan3A_72 : i32
        %scan3A_74 = arith.constant 1 : i32
        %scan3A_75 = scf.for %scan3A_97 = %scan3A_71 to %scan3A_73 step %scan3A_74 iter_args(%scan3A_98 = %scan3A_70) -> (i32)  : i32 {
          %broadcast_in_dim3A = arith.constant 0.000000e+00 : f32
          %broadcast_in_dim3A_99 = vector.broadcast %broadcast_in_dim3A : f32 to vector<16xf32>
          %swap3A = arith.index_cast %scan3A_97 : i32 to index
          %swap3A_100 = arith.constant 0 : index
          %swap3A_101 = tpu.vector_load %arg29[%swap3A, %swap3A_100] {strides = array<i32>} : memref<200x64xf32, #tpu.memory_space<vmem>>, vector<16xf32>,
          tpu.vector_store %arg29[%swap3A, %swap3A_100], %broadcast_in_dim3A_99 {strides = array<i32>} : memref<200x64xf32, #tpu.memory_space<vmem>>, vector<16xf32>,
          %broadcast_in_dim3A_102 = arith.constant 0.000000e+00 : f32
          %broadcast_in_dim3A_103 = vector.broadcast %broadcast_in_dim3A_102 : f32 to vector<16xf32>
          %swap3A_104 = arith.index_cast %scan3A_97 : i32 to index
          %swap3A_105 = arith.constant 16 : index
          %swap3A_106 = tpu.vector_load %arg29[%swap3A_104, %swap3A_105] {strides = array<i32>} : memref<200x64xf32, #tpu.memory_space<vmem>>, vector<16xf32>,
          tpu.vector_store %arg29[%swap3A_104, %swap3A_105], %broadcast_in_dim3A_103 {strides = array<i32>} : memref<200x64xf32, #tpu.memory_space<vmem>>, vector<16xf32>,
          %broadcast_in_dim3A_107 = arith.constant 0.000000e+00 : f32
          %broadcast_in_dim3A_108 = vector.broadcast %broadcast_in_dim3A_107 : f32 to vector<16xf32>
          %swap3A_109 = arith.index_cast %scan3A_97 : i32 to index
          %swap3A_110 = arith.constant 32 : index
          %swap3A_111 = tpu.vector_load %arg29[%swap3A_109, %swap3A_110] {strides = array<i32>} : memref<200x64xf32, #tpu.memory_space<vmem>>, vector<16xf32>,
          tpu.vector_store %arg29[%swap3A_109, %swap3A_110], %broadcast_in_dim3A_108 {strides = array<i32>} : memref<200x64xf32, #tpu.memory_space<vmem>>, vector<16xf32>,
          %broadcast_in_dim3A_112 = arith.constant 0.000000e+00 : f32
          %broadcast_in_dim3A_113 = vector.broadcast %broadcast_in_dim3A_112 : f32 to vector<16xf32>
          %swap3A_114 = arith.index_cast %scan3A_97 : i32 to index
          %swap3A_115 = arith.constant 48 : index
          %swap3A_116 = tpu.vector_load %arg29[%swap3A_114, %swap3A_115] {strides = array<i32>} : memref<200x64xf32, #tpu.memory_space<vmem>>, vector<16xf32>,
          tpu.vector_store %arg29[%swap3A_114, %swap3A_115], %broadcast_in_dim3A_113 {strides = array<i32>} : memref<200x64xf32, #tpu.memory_space<vmem>>, vector<16xf32>,
          %scan3A_117 = arith.constant 0 : i32
          scf.yield %scan3A_117 : i32
        }
        %scan3A_76 = arith.constant 200 : i32
        %mul3A_77 = arith.constant 1000 : i32
        %mul3A_78 = arith.muli %arg1, %mul3A_77 : i32
        %add3A_79 = arith.constant 0 : i32
        %add3A_80 = arith.addi %mul3A_78, %add3A_79 : i32
        "tpu.region"() ({
          %run_scoped3A = tpu.sem_alloc : memref<!tpu.dma_semaphore, #tpu.memory_space<semaphore_mem>>
          %dma_start3A_97 = arith.constant 0 : i32
          %dma_start3A_98 = tpu.memref_slice %arg30[%add3A_80, %dma_start3A_97] : memref<10000x64xf32, #tpu.memory_space<vmem_shared>> -> memref<200x64xf32, #tpu.memory_space<vmem_shared>>
          %dma_start3A_99 = arith.constant 0 : i32
          %dma_start3A_100 = tpu.memref_slice %arg30[%add3A_80, %dma_start3A_99] : memref<10000x64xf32, #tpu.memory_space<vmem_shared>> -> memref<200x64xf32, #tpu.memory_space<vmem_shared>>
          tpu.enqueue_dma source(%arg29 : memref<200x64xf32, #tpu.memory_space<vmem>>) target(%dma_start3A_100 : memref<200x64xf32, #tpu.memory_space<vmem_shared>>) target_semaphore(%run_scoped3A : memref<!tpu.dma_semaphore, #tpu.memory_space<semaphore_mem>>)
          %dma_wait3A_101 = arith.constant 0 : i32
          %dma_wait3A_102 = tpu.memref_slice %arg30[%add3A_80, %dma_wait3A_101] : memref<10000x64xf32, #tpu.memory_space<vmem_shared>> -> memref<200x64xf32, #tpu.memory_space<vmem_shared>>
          %dma_wait3A_103 = arith.constant 0 : i32
          %dma_wait3A_104 = tpu.memref_slice %arg30[%add3A_80, %dma_wait3A_103] : memref<10000x64xf32, #tpu.memory_space<vmem_shared>> -> memref<200x64xf32, #tpu.memory_space<vmem_shared>>
          tpu.wait_dma2 semaphore(%run_scoped3A : memref<!tpu.dma_semaphore, #tpu.memory_space<semaphore_mem>>) src(%arg29 : memref<200x64xf32, #tpu.memory_space<vmem>>) dst(%dma_wait3A_104 : memref<200x64xf32, #tpu.memory_space<vmem_shared>>)
          tpu.yield
        }) : () -> ()
        %mul3A_81 = arith.constant 1000 : i32
        %mul3A_82 = arith.muli %arg1, %mul3A_81 : i32
        %add3A_83 = arith.constant 200 : i32
        %add3A_84 = arith.addi %mul3A_82, %add3A_83 : i32
        "tpu.region"() ({
          %run_scoped3A = tpu.sem_alloc : memref<!tpu.dma_semaphore, #tpu.memory_space<semaphore_mem>>
          %dma_start3A_97 = arith.constant 0 : i32
          %dma_start3A_98 = tpu.memref_slice %arg30[%add3A_84, %dma_start3A_97] : memref<10000x64xf32, #tpu.memory_space<vmem_shared>> -> memref<200x64xf32, #tpu.memory_space<vmem_shared>>
          %dma_start3A_99 = arith.constant 0 : i32
          %dma_start3A_100 = tpu.memref_slice %arg30[%add3A_84, %dma_start3A_99] : memref<10000x64xf32, #tpu.memory_space<vmem_shared>> -> memref<200x64xf32, #tpu.memory_space<vmem_shared>>
          tpu.enqueue_dma source(%arg29 : memref<200x64xf32, #tpu.memory_space<vmem>>) target(%dma_start3A_100 : memref<200x64xf32, #tpu.memory_space<vmem_shared>>) target_semaphore(%run_scoped3A : memref<!tpu.dma_semaphore, #tpu.memory_space<semaphore_mem>>)
          %dma_wait3A_101 = arith.constant 0 : i32
          %dma_wait3A_102 = tpu.memref_slice %arg30[%add3A_84, %dma_wait3A_101] : memref<10000x64xf32, #tpu.memory_space<vmem_shared>> -> memref<200x64xf32, #tpu.memory_space<vmem_shared>>
          %dma_wait3A_103 = arith.constant 0 : i32
          %dma_wait3A_104 = tpu.memref_slice %arg30[%add3A_84, %dma_wait3A_103] : memref<10000x64xf32, #tpu.memory_space<vmem_shared>> -> memref<200x64xf32, #tpu.memory_space<vmem_shared>>
          tpu.wait_dma2 semaphore(%run_scoped3A : memref<!tpu.dma_semaphore, #tpu.memory_space<semaphore_mem>>) src(%arg29 : memref<200x64xf32, #tpu.memory_space<vmem>>) dst(%dma_wait3A_104 : memref<200x64xf32, #tpu.memory_space<vmem_shared>>)
          tpu.yield
        }) : () -> ()
        %mul3A_85 = arith.constant 1000 : i32
        %mul3A_86 = arith.muli %arg1, %mul3A_85 : i32
        %add3A_87 = arith.constant 400 : i32
        %add3A_88 = arith.addi %mul3A_86, %add3A_87 : i32
        "tpu.region"() ({
          %run_scoped3A = tpu.sem_alloc : memref<!tpu.dma_semaphore, #tpu.memory_space<semaphore_mem>>
          %dma_start3A_97 = arith.constant 0 : i32
          %dma_start3A_98 = tpu.memref_slice %arg30[%add3A_88, %dma_start3A_97] : memref<10000x64xf32, #tpu.memory_space<vmem_shared>> -> memref<200x64xf32, #tpu.memory_space<vmem_shared>>
          %dma_start3A_99 = arith.constant 0 : i32
          %dma_start3A_100 = tpu.memref_slice %arg30[%add3A_88, %dma_start3A_99] : memref<10000x64xf32, #tpu.memory_space<vmem_shared>> -> memref<200x64xf32, #tpu.memory_space<vmem_shared>>
          tpu.enqueue_dma source(%arg29 : memref<200x64xf32, #tpu.memory_space<vmem>>) target(%dma_start3A_100 : memref<200x64xf32, #tpu.memory_space<vmem_shared>>) target_semaphore(%run_scoped3A : memref<!tpu.dma_semaphore, #tpu.memory_space<semaphore_mem>>)
          %dma_wait3A_101 = arith.constant 0 : i32
          %dma_wait3A_102 = tpu.memref_slice %arg30[%add3A_88, %dma_wait3A_101] : memref<10000x64xf32, #tpu.memory_space<vmem_shared>> -> memref<200x64xf32, #tpu.memory_space<vmem_shared>>
          %dma_wait3A_103 = arith.constant 0 : i32
          %dma_wait3A_104 = tpu.memref_slice %arg30[%add3A_88, %dma_wait3A_103] : memref<10000x64xf32, #tpu.memory_space<vmem_shared>> -> memref<200x64xf32, #tpu.memory_space<vmem_shared>>
          tpu.wait_dma2 semaphore(%run_scoped3A : memref<!tpu.dma_semaphore, #tpu.memory_space<semaphore_mem>>) src(%arg29 : memref<200x64xf32, #tpu.memory_space<vmem>>) dst(%dma_wait3A_104 : memref<200x64xf32, #tpu.memory_space<vmem_shared>>)
          tpu.yield
        }) : () -> ()
        %mul3A_89 = arith.constant 1000 : i32
        %mul3A_90 = arith.muli %arg1, %mul3A_89 : i32
        %add3A_91 = arith.constant 600 : i32
        %add3A_92 = arith.addi %mul3A_90, %add3A_91 : i32
        "tpu.region"() ({
          %run_scoped3A = tpu.sem_alloc : memref<!tpu.dma_semaphore, #tpu.memory_space<semaphore_mem>>
          %dma_start3A_97 = arith.constant 0 : i32
          %dma_start3A_98 = tpu.memref_slice %arg30[%add3A_92, %dma_start3A_97] : memref<10000x64xf32, #tpu.memory_space<vmem_shared>> -> memref<200x64xf32, #tpu.memory_space<vmem_shared>>
          %dma_start3A_99 = arith.constant 0 : i32
          %dma_start3A_100 = tpu.memref_slice %arg30[%add3A_92, %dma_start3A_99] : memref<10000x64xf32, #tpu.memory_space<vmem_shared>> -> memref<200x64xf32, #tpu.memory_space<vmem_shared>>
          tpu.enqueue_dma source(%arg29 : memref<200x64xf32, #tpu.memory_space<vmem>>) target(%dma_start3A_100 : memref<200x64xf32, #tpu.memory_space<vmem_shared>>) target_semaphore(%run_scoped3A : memref<!tpu.dma_semaphore, #tpu.memory_space<semaphore_mem>>)
          %dma_wait3A_101 = arith.constant 0 : i32
          %dma_wait3A_102 = tpu.memref_slice %arg30[%add3A_92, %dma_wait3A_101] : memref<10000x64xf32, #tpu.memory_space<vmem_shared>> -> memref<200x64xf32, #tpu.memory_space<vmem_shared>>
          %dma_wait3A_103 = arith.constant 0 : i32
          %dma_wait3A_104 = tpu.memref_slice %arg30[%add3A_92, %dma_wait3A_103] : memref<10000x64xf32, #tpu.memory_space<vmem_shared>> -> memref<200x64xf32, #tpu.memory_space<vmem_shared>>
          tpu.wait_dma2 semaphore(%run_scoped3A : memref<!tpu.dma_semaphore, #tpu.memory_space<semaphore_mem>>) src(%arg29 : memref<200x64xf32, #tpu.memory_space<vmem>>) dst(%dma_wait3A_104 : memref<200x64xf32, #tpu.memory_space<vmem_shared>>)
          tpu.yield
        }) : () -> ()
        %mul3A_93 = arith.constant 1000 : i32
        %mul3A_94 = arith.muli %arg1, %mul3A_93 : i32
        %add3A_95 = arith.constant 800 : i32
        %add3A_96 = arith.addi %mul3A_94, %add3A_95 : i32
        "tpu.region"() ({
          %run_scoped3A = tpu.sem_alloc : memref<!tpu.dma_semaphore, #tpu.memory_space<semaphore_mem>>
          %dma_start3A_97 = arith.constant 0 : i32
          %dma_start3A_98 = tpu.memref_slice %arg30[%add3A_96, %dma_start3A_97] : memref<10000x64xf32, #tpu.memory_space<vmem_shared>> -> memref<200x64xf32, #tpu.memory_space<vmem_shared>>
          %dma_start3A_99 = arith.constant 0 : i32
          %dma_start3A_100 = tpu.memref_slice %arg30[%add3A_96, %dma_start3A_99] : memref<10000x64xf32, #tpu.memory_space<vmem_shared>> -> memref<200x64xf32, #tpu.memory_space<vmem_shared>>
          tpu.enqueue_dma source(%arg29 : memref<200x64xf32, #tpu.memory_space<vmem>>) target(%dma_start3A_100 : memref<200x64xf32, #tpu.memory_space<vmem_shared>>) target_semaphore(%run_scoped3A : memref<!tpu.dma_semaphore, #tpu.memory_space<semaphore_mem>>)
          %dma_wait3A_101 = arith.constant 0 : i32
          %dma_wait3A_102 = tpu.memref_slice %arg30[%add3A_96, %dma_wait3A_101] : memref<10000x64xf32, #tpu.memory_space<vmem_shared>> -> memref<200x64xf32, #tpu.memory_space<vmem_shared>>
          %dma_wait3A_103 = arith.constant 0 : i32
          %dma_wait3A_104 = tpu.memref_slice %arg30[%add3A_96, %dma_wait3A_103] : memref<10000x64xf32, #tpu.memory_space<vmem_shared>> -> memref<200x64xf32, #tpu.memory_space<vmem_shared>>
          tpu.wait_dma2 semaphore(%run_scoped3A : memref<!tpu.dma_semaphore, #tpu.memory_space<semaphore_mem>>) src(%arg29 : memref<200x64xf32, #tpu.memory_space<vmem>>) dst(%dma_wait3A_104 : memref<200x64xf32, #tpu.memory_space<vmem_shared>>)
          tpu.yield
        }) : () -> ()
      } else {
      }
      %barrier3A = arith.constant 0 : index
      tpu.barrier barrier_id(%barrier3A)
      %mul3A_11 = arith.constant 10000 : i32
      %mul3A_12 = arith.muli %add3A, %mul3A_11 : i32
      %add3A_13 = arith.constant 0 : i32
      %add3A_14 = arith.addi %mul3A_12, %add3A_13 : i32
      "tpu.region"() ({
        %run_scoped3A = tpu.sem_alloc : memref<!tpu.dma_semaphore, #tpu.memory_space<semaphore_mem>>
        %dma_start3A_70 = arith.constant 0 : i32
        %dma_start3A_71 = tpu.memref_slice %arg2[%dma_start3A_70, %add3A_14] : memref<2x320000xi32, #tpu.memory_space<hbm>> -> memref<2x80xi32, #tpu.memory_space<hbm>>
        %dma_start3A_72 = arith.constant 0 : i32
        %dma_start3A_73 = tpu.memref_slice %arg2[%dma_start3A_72, %add3A_14] : memref<2x320000xi32, #tpu.memory_space<hbm>> -> memref<2x80xi32, #tpu.memory_space<hbm>>
        tpu.enqueue_dma source(%dma_start3A_73 : memref<2x80xi32, #tpu.memory_space<hbm>>) target(%arg7 : memref<2x80xi32, #tpu.memory_space<vmem>>) target_semaphore(%run_scoped3A : memref<!tpu.dma_semaphore, #tpu.memory_space<semaphore_mem>>)
        %dma_wait3A_74 = arith.constant 0 : i32
        %dma_wait3A_75 = tpu.memref_slice %arg2[%dma_wait3A_74, %add3A_14] : memref<2x320000xi32, #tpu.memory_space<hbm>> -> memref<2x80xi32, #tpu.memory_space<hbm>>
        %dma_wait3A_76 = arith.constant 0 : i32
        %dma_wait3A_77 = tpu.memref_slice %arg2[%dma_wait3A_76, %add3A_14] : memref<2x320000xi32, #tpu.memory_space<hbm>> -> memref<2x80xi32, #tpu.memory_space<hbm>>
        tpu.wait_dma2 semaphore(%run_scoped3A : memref<!tpu.dma_semaphore, #tpu.memory_space<semaphore_mem>>) src(%dma_wait3A_77 : memref<2x80xi32, #tpu.memory_space<hbm>>) dst(%arg7 : memref<2x80xi32, #tpu.memory_space<vmem>>)
        tpu.yield
      }) : () -> ()
      %mul3A_15 = arith.constant 4 : i32
      %mul3A_16 = arith.muli %add3A_14, %mul3A_15 : i32
      "tpu.region"() ({
        %run_scoped3A = tpu.sem_alloc : memref<!tpu.dma_semaphore, #tpu.memory_space<semaphore_mem>>
        %dma_start3A_70 = tpu.memref_slice %arg3[%mul3A_16] : memref<1280000xf32, #tpu.memory_space<hbm>> -> memref<320xf32, #tpu.memory_space<hbm>>
        %dma_start3A_71 = tpu.memref_slice %arg3[%mul3A_16] : memref<1280000xf32, #tpu.memory_space<hbm>> -> memref<320xf32, #tpu.memory_space<hbm>>
        tpu.enqueue_dma source(%dma_start3A_71 : memref<320xf32, #tpu.memory_space<hbm>>) target(%arg10 : memref<320xf32, #tpu.memory_space<vmem>>) target_semaphore(%run_scoped3A : memref<!tpu.dma_semaphore, #tpu.memory_space<semaphore_mem>>)
        %dma_wait3A_72 = tpu.memref_slice %arg3[%mul3A_16] : memref<1280000xf32, #tpu.memory_space<hbm>> -> memref<320xf32, #tpu.memory_space<hbm>>
        %dma_wait3A_73 = tpu.memref_slice %arg3[%mul3A_16] : memref<1280000xf32, #tpu.memory_space<hbm>> -> memref<320xf32, #tpu.memory_space<hbm>>
        tpu.wait_dma2 semaphore(%run_scoped3A : memref<!tpu.dma_semaphore, #tpu.memory_space<semaphore_mem>>) src(%dma_wait3A_73 : memref<320xf32, #tpu.memory_space<hbm>>) dst(%arg10 : memref<320xf32, #tpu.memory_space<vmem>>)
        tpu.yield
      }) : () -> ()
      %dma_start3A = arith.constant 1 : i32
      %dma_start3A_17 = arith.constant 0 : i32
      %dma_start3A_18 = tpu.memref_slice %arg7[%dma_start3A, %dma_start3A_17] : memref<2x80xi32, #tpu.memory_space<vmem>> -> memref<1x80xi32, #tpu.memory_space<vmem>>
      %dma_start3A_19 = tpu.memref_squeeze %dma_start3A_18 : memref<1x80xi32, #tpu.memory_space<vmem>> -> memref<80xi32, #tpu.memory_space<vmem>>
      %dma_start3A_20 = arith.constant 0 : i32
      %dma_start3A_21 = arith.constant 0 : i32
      %dma_start3A_22 = tpu.memref_slice %arg4[%dma_start3A_20, %dma_start3A_21] : memref<10000x16xf32, #tpu.memory_space<hbm>> -> memref<10000x16xf32, #tpu.memory_space<hbm>>
      tpu.enqueue_indirect_dma source(%dma_start3A_22 : memref<10000x16xf32, #tpu.memory_space<hbm>>) target(%arg12 : memref<80x16xf32, #tpu.memory_space<vmem>>) offsets(%dma_start3A_19 : memref<80xi32, #tpu.memory_space<vmem>>) semaphore(%arg31 : memref<!tpu.dma_semaphore, #tpu.memory_space<semaphore_mem>>)
      %scan3A_23 = arith.constant 0 : i32
      %scan3A_24 = arith.constant 0 : i32
      %scan3A_25 = arith.constant 5 : i32
      %scan3A_26 = arith.addi %scan3A_24, %scan3A_25 : i32
      %scan3A_27 = arith.constant 1 : i32
      %scan3A_28 = scf.for %scan3A_70 = %scan3A_24 to %scan3A_26 step %scan3A_27 iter_args(%scan3A_71 = %scan3A_23) -> (i32)  : i32 {
        %mul3A_72 = arith.constant 16 : i32
        %mul3A_73 = arith.muli %scan3A_70, %mul3A_72 : i32
        %get3A = arith.constant 0 : i32
        %get3A_74 = arith.index_cast %get3A : i32 to index
        %get3A_75 = arith.index_cast %mul3A_73 : i32 to index
        %get3A_76 = tpu.vector_load %arg7[%get3A_74, %get3A_75] {strides = array<i32>} : memref<2x80xi32, #tpu.memory_space<vmem>>, vector<16xi32>,
        %add3A_77 = arith.constant 0 : i32
        %add3A_78 = arith.addi %add3A_77, %scan3A_7 : i32
        %mul3A_79 = arith.constant 10000 : i32
        %mul3A_80 = arith.muli %add3A_78, %mul3A_79 : i32
        %add3A_81 = vector.broadcast %mul3A_80 : i32 to vector<16xi32>
        %add3A_82 = arith.addi %get3A_76, %add3A_81 : vector<16xi32>
        %mul3A_83 = arith.constant 16 : i32
        %mul3A_84 = arith.muli %scan3A_70, %mul3A_83 : i32
        %add3A_85 = arith.constant 0 : i32
        %add3A_86 = arith.addi %add3A_85, %mul3A_84 : i32
        %swap3A = arith.index_cast %add3A_86 : i32 to index
        %swap3A_87 = tpu.vector_load %arg8[%swap3A] {strides = array<i32>} : memref<320xi32, #tpu.memory_space<vmem>>, vector<16xi32>,
        tpu.vector_store %arg8[%swap3A], %add3A_82 {strides = array<i32>} : memref<320xi32, #tpu.memory_space<vmem>>, vector<16xi32>,
        %add3A_88 = arith.constant 2 : i32
        %add3A_89 = arith.addi %add3A_88, %scan3A_7 : i32
        %mul3A_90 = arith.constant 10000 : i32
        %mul3A_91 = arith.muli %add3A_89, %mul3A_90 : i32
        %add3A_92 = vector.broadcast %mul3A_91 : i32 to vector<16xi32>
        %add3A_93 = arith.addi %get3A_76, %add3A_92 : vector<16xi32>
        %mul3A_94 = arith.constant 16 : i32
        %mul3A_95 = arith.muli %scan3A_70, %mul3A_94 : i32
        %add3A_96 = arith.constant 80 : i32
        %add3A_97 = arith.addi %add3A_96, %mul3A_95 : i32
        %swap3A_98 = arith.index_cast %add3A_97 : i32 to index
        %swap3A_99 = tpu.vector_load %arg8[%swap3A_98] {strides = array<i32>} : memref<320xi32, #tpu.memory_space<vmem>>, vector<16xi32>,
        tpu.vector_store %arg8[%swap3A_98], %add3A_93 {strides = array<i32>} : memref<320xi32, #tpu.memory_space<vmem>>, vector<16xi32>,
        %add3A_100 = arith.constant 4 : i32
        %add3A_101 = arith.addi %add3A_100, %scan3A_7 : i32
        %mul3A_102 = arith.constant 10000 : i32
        %mul3A_103 = arith.muli %add3A_101, %mul3A_102 : i32
        %add3A_104 = vector.broadcast %mul3A_103 : i32 to vector<16xi32>
        %add3A_105 = arith.addi %get3A_76, %add3A_104 : vector<16xi32>
        %mul3A_106 = arith.constant 16 : i32
        %mul3A_107 = arith.muli %scan3A_70, %mul3A_106 : i32
        %add3A_108 = arith.constant 160 : i32
        %add3A_109 = arith.addi %add3A_108, %mul3A_107 : i32
        %swap3A_110 = arith.index_cast %add3A_109 : i32 to index
        %swap3A_111 = tpu.vector_load %arg8[%swap3A_110] {strides = array<i32>} : memref<320xi32, #tpu.memory_space<vmem>>, vector<16xi32>,
        tpu.vector_store %arg8[%swap3A_110], %add3A_105 {strides = array<i32>} : memref<320xi32, #tpu.memory_space<vmem>>, vector<16xi32>,
        %add3A_112 = arith.constant 6 : i32
        %add3A_113 = arith.addi %add3A_112, %scan3A_7 : i32
        %mul3A_114 = arith.constant 10000 : i32
        %mul3A_115 = arith.muli %add3A_113, %mul3A_114 : i32
        %add3A_116 = vector.broadcast %mul3A_115 : i32 to vector<16xi32>
        %add3A_117 = arith.addi %get3A_76, %add3A_116 : vector<16xi32>
        %mul3A_118 = arith.constant 16 : i32
        %mul3A_119 = arith.muli %scan3A_70, %mul3A_118 : i32
        %add3A_120 = arith.constant 240 : i32
        %add3A_121 = arith.addi %add3A_120, %mul3A_119 : i32
        %swap3A_122 = arith.index_cast %add3A_121 : i32 to index
        %swap3A_123 = tpu.vector_load %arg8[%swap3A_122] {strides = array<i32>} : memref<320xi32, #tpu.memory_space<vmem>>, vector<16xi32>,
        tpu.vector_store %arg8[%swap3A_122], %add3A_117 {strides = array<i32>} : memref<320xi32, #tpu.memory_space<vmem>>, vector<16xi32>,
        %scan3A_124 = arith.constant 0 : i32
        scf.yield %scan3A_124 : i32
      }
      %scan3A_29 = arith.constant 5 : i32
      %dma_start3A_30 = arith.constant 0 : i32
      %dma_start3A_31 = tpu.memref_slice %arg8[%dma_start3A_30] : memref<320xi32, #tpu.memory_space<vmem>> -> memref<80xi32, #tpu.memory_space<vmem>>
      %dma_start3A_32 = arith.constant 0 : i32
      %dma_start3A_33 = arith.constant 0 : i32
      %dma_start3A_34 = tpu.memref_slice %arg5[%dma_start3A_32, %dma_start3A_33] : memref<80000x64xf32, #tpu.memory_space<hbm>> -> memref<80000x64xf32, #tpu.memory_space<hbm>>
      tpu.enqueue_indirect_dma source(%dma_start3A_34 : memref<80000x64xf32, #tpu.memory_space<hbm>>) target(%arg13 : memref<80x64xf32, #tpu.memory_space<vmem>>) offsets(%dma_start3A_31 : memref<80xi32, #tpu.memory_space<vmem>>) semaphore(%arg31 : memref<!tpu.dma_semaphore, #tpu.memory_space<semaphore_mem>>)
      %dma_start3A_35 = arith.constant 80 : i32
      %dma_start3A_36 = tpu.memref_slice %arg8[%dma_start3A_35] : memref<320xi32, #tpu.memory_space<vmem>> -> memref<80xi32, #tpu.memory_space<vmem>>
      %dma_start3A_37 = arith.constant 0 : i32
      %dma_start3A_38 = arith.constant 0 : i32
      %dma_start3A_39 = tpu.memref_slice %arg5[%dma_start3A_37, %dma_start3A_38] : memref<80000x64xf32, #tpu.memory_space<hbm>> -> memref<80000x64xf32, #tpu.memory_space<hbm>>
      tpu.enqueue_indirect_dma source(%dma_start3A_39 : memref<80000x64xf32, #tpu.memory_space<hbm>>) target(%arg14 : memref<80x64xf32, #tpu.memory_space<vmem>>) offsets(%dma_start3A_36 : memref<80xi32, #tpu.memory_space<vmem>>) semaphore(%arg31 : memref<!tpu.dma_semaphore, #tpu.memory_space<semaphore_mem>>)
      %dma_start3A_40 = arith.constant 160 : i32
      %dma_start3A_41 = tpu.memref_slice %arg8[%dma_start3A_40] : memref<320xi32, #tpu.memory_space<vmem>> -> memref<80xi32, #tpu.memory_space<vmem>>
      %dma_start3A_42 = arith.constant 0 : i32
      %dma_start3A_43 = arith.constant 0 : i32
      %dma_start3A_44 = tpu.memref_slice %arg5[%dma_start3A_42, %dma_start3A_43] : memref<80000x64xf32, #tpu.memory_space<hbm>> -> memref<80000x64xf32, #tpu.memory_space<hbm>>
      tpu.enqueue_indirect_dma source(%dma_start3A_44 : memref<80000x64xf32, #tpu.memory_space<hbm>>) target(%arg15 : memref<80x64xf32, #tpu.memory_space<vmem>>) offsets(%dma_start3A_41 : memref<80xi32, #tpu.memory_space<vmem>>) semaphore(%arg31 : memref<!tpu.dma_semaphore, #tpu.memory_space<semaphore_mem>>)
      %dma_start3A_45 = arith.constant 240 : i32
      %dma_start3A_46 = tpu.memref_slice %arg8[%dma_start3A_45] : memref<320xi32, #tpu.memory_space<vmem>> -> memref<80xi32, #tpu.memory_space<vmem>>
      %dma_start3A_47 = arith.constant 0 : i32
      %dma_start3A_48 = arith.constant 0 : i32
      %dma_start3A_49 = tpu.memref_slice %arg5[%dma_start3A_47, %dma_start3A_48] : memref<80000x64xf32, #tpu.memory_space<hbm>> -> memref<80000x64xf32, #tpu.memory_space<hbm>>
      tpu.enqueue_indirect_dma source(%dma_start3A_49 : memref<80000x64xf32, #tpu.memory_space<hbm>>) target(%arg16 : memref<80x64xf32, #tpu.memory_space<vmem>>) offsets(%dma_start3A_46 : memref<80xi32, #tpu.memory_space<vmem>>) semaphore(%arg31 : memref<!tpu.dma_semaphore, #tpu.memory_space<semaphore_mem>>)
      %scan3A_50 = arith.constant 0 : i32
      %scan3A_51 = arith.constant 0 : i32
      %scan3A_52 = arith.constant 63 : i32
      %scan3A_53 = arith.addi %scan3A_51, %scan3A_52 : i32
      %scan3A_54 = arith.constant 1 : i32
      %scan3A_55 = scf.for %scan3A_70 = %scan3A_51 to %scan3A_53 step %scan3A_54 iter_args(%scan3A_71 = %scan3A_50) -> (i32)  : i32 {
        %mul3A_72 = arith.constant 2 : i32
        %mul3A_73 = arith.muli %mul3A_72, %scan3A_70 : i32
        %add3A_74 = arith.constant 0 : i32
        %add3A_75 = arith.addi %mul3A_73, %add3A_74 : i32
        %add3A_76 = arith.constant 1 : i32
        %add3A_77 = arith.addi %add3A_75, %add3A_76 : i32
        %lt3A_78 = arith.constant 125 : i32
        %lt3A_79 = arith.cmpi slt, %add3A_77, %lt3A_78 : i32
        %convert_element_type3A_80 = arith.extui %lt3A_79 : i1 to i32
        %cond3A_81 = arith.constant 0 : i32
        %cond3A_82 = arith.cmpi ne, %convert_element_type3A_80, %cond3A_81 : i32
        scf.if %cond3A_82 {
          %add3A_105 = arith.constant 1 : i32
          %add3A_106 = arith.addi %add3A_75, %add3A_105 : i32
          %mul3A_107 = arith.constant 10000 : i32
          %mul3A_108 = arith.muli %add3A, %mul3A_107 : i32
          %mul3A_109 = arith.constant 80 : i32
          %mul3A_110 = arith.muli %add3A_106, %mul3A_109 : i32
          %add3A_111 = arith.addi %mul3A_108, %mul3A_110 : i32
          "tpu.region"() ({
            %run_scoped3A = tpu.sem_alloc : memref<!tpu.dma_semaphore, #tpu.memory_space<semaphore_mem>>
            %dma_start3A_148 = arith.constant 0 : i32
            %dma_start3A_149 = tpu.memref_slice %arg2[%dma_start3A_148, %add3A_111] : memref<2x320000xi32, #tpu.memory_space<hbm>> -> memref<2x80xi32, #tpu.memory_space<hbm>>
            %dma_start3A_150 = arith.constant 0 : i32
            %dma_start3A_151 = tpu.memref_slice %arg2[%dma_start3A_150, %add3A_111] : memref<2x320000xi32, #tpu.memory_space<hbm>> -> memref<2x80xi32, #tpu.memory_space<hbm>>
            tpu.enqueue_dma source(%dma_start3A_151 : memref<2x80xi32, #tpu.memory_space<hbm>>) target(%arg18 : memref<2x80xi32, #tpu.memory_space<vmem>>) target_semaphore(%run_scoped3A : memref<!tpu.dma_semaphore, #tpu.memory_space<semaphore_mem>>)
            %dma_wait3A_152 = arith.constant 0 : i32
            %dma_wait3A_153 = tpu.memref_slice %arg2[%dma_wait3A_152, %add3A_111] : memref<2x320000xi32, #tpu.memory_space<hbm>> -> memref<2x80xi32, #tpu.memory_space<hbm>>
            %dma_wait3A_154 = arith.constant 0 : i32
            %dma_wait3A_155 = tpu.memref_slice %arg2[%dma_wait3A_154, %add3A_111] : memref<2x320000xi32, #tpu.memory_space<hbm>> -> memref<2x80xi32, #tpu.memory_space<hbm>>
            tpu.wait_dma2 semaphore(%run_scoped3A : memref<!tpu.dma_semaphore, #tpu.memory_space<semaphore_mem>>) src(%dma_wait3A_155 : memref<2x80xi32, #tpu.memory_space<hbm>>) dst(%arg18 : memref<2x80xi32, #tpu.memory_space<vmem>>)
            tpu.yield
          }) : () -> ()
          %mul3A_112 = arith.constant 4 : i32
          %mul3A_113 = arith.muli %add3A_111, %mul3A_112 : i32
          "tpu.region"() ({
            %run_scoped3A = tpu.sem_alloc : memref<!tpu.dma_semaphore, #tpu.memory_space<semaphore_mem>>
            %dma_start3A_148 = tpu.memref_slice %arg3[%mul3A_113] : memref<1280000xf32, #tpu.memory_space<hbm>> -> memref<320xf32, #tpu.memory_space<hbm>>
            %dma_start3A_149 = tpu.memref_slice %arg3[%mul3A_113] : memref<1280000xf32, #tpu.memory_space<hbm>> -> memref<320xf32, #tpu.memory_space<hbm>>
            tpu.enqueue_dma source(%dma_start3A_149 : memref<320xf32, #tpu.memory_space<hbm>>) target(%arg21 : memref<320xf32, #tpu.memory_space<vmem>>) target_semaphore(%run_scoped3A : memref<!tpu.dma_semaphore, #tpu.memory_space<semaphore_mem>>)
            %dma_wait3A_150 = tpu.memref_slice %arg3[%mul3A_113] : memref<1280000xf32, #tpu.memory_space<hbm>> -> memref<320xf32, #tpu.memory_space<hbm>>
            %dma_wait3A_151 = tpu.memref_slice %arg3[%mul3A_113] : memref<1280000xf32, #tpu.memory_space<hbm>> -> memref<320xf32, #tpu.memory_space<hbm>>
            tpu.wait_dma2 semaphore(%run_scoped3A : memref<!tpu.dma_semaphore, #tpu.memory_space<semaphore_mem>>) src(%dma_wait3A_151 : memref<320xf32, #tpu.memory_space<hbm>>) dst(%arg21 : memref<320xf32, #tpu.memory_space<vmem>>)
            tpu.yield
          }) : () -> ()
          %dma_start3A_114 = arith.constant 1 : i32
          %dma_start3A_115 = arith.constant 0 : i32
          %dma_start3A_116 = tpu.memref_slice %arg18[%dma_start3A_114, %dma_start3A_115] : memref<2x80xi32, #tpu.memory_space<vmem>> -> memref<1x80xi32, #tpu.memory_space<vmem>>
          %dma_start3A_117 = tpu.memref_squeeze %dma_start3A_116 : memref<1x80xi32, #tpu.memory_space<vmem>> -> memref<80xi32, #tpu.memory_space<vmem>>
          %dma_start3A_118 = arith.constant 0 : i32
          %dma_start3A_119 = arith.constant 0 : i32
          %dma_start3A_120 = tpu.memref_slice %arg4[%dma_start3A_118, %dma_start3A_119] : memref<10000x16xf32, #tpu.memory_space<hbm>> -> memref<10000x16xf32, #tpu.memory_space<hbm>>
          tpu.enqueue_indirect_dma source(%dma_start3A_120 : memref<10000x16xf32, #tpu.memory_space<hbm>>) target(%arg23 : memref<80x16xf32, #tpu.memory_space<vmem>>) offsets(%dma_start3A_117 : memref<80xi32, #tpu.memory_space<vmem>>) semaphore(%arg32 : memref<!tpu.dma_semaphore, #tpu.memory_space<semaphore_mem>>)
          %scan3A_121 = arith.constant 0 : i32
          %scan3A_122 = arith.constant 0 : i32
          %scan3A_123 = arith.constant 5 : i32
          %scan3A_124 = arith.addi %scan3A_122, %scan3A_123 : i32
          %scan3A_125 = arith.constant 1 : i32
          %scan3A_126 = scf.for %scan3A_148 = %scan3A_122 to %scan3A_124 step %scan3A_125 iter_args(%scan3A_149 = %scan3A_121) -> (i32)  : i32 {
            %mul3A_150 = arith.constant 16 : i32
            %mul3A_151 = arith.muli %scan3A_148, %mul3A_150 : i32
            %get3A = arith.constant 0 : i32
            %get3A_152 = arith.index_cast %get3A : i32 to index
            %get3A_153 = arith.index_cast %mul3A_151 : i32 to index
            %get3A_154 = tpu.vector_load %arg18[%get3A_152, %get3A_153] {strides = array<i32>} : memref<2x80xi32, #tpu.memory_space<vmem>>, vector<16xi32>,
            %add3A_155 = arith.constant 0 : i32
            %add3A_156 = arith.addi %add3A_155, %scan3A_7 : i32
            %mul3A_157 = arith.constant 10000 : i32
            %mul3A_158 = arith.muli %add3A_156, %mul3A_157 : i32
            %add3A_159 = vector.broadcast %mul3A_158 : i32 to vector<16xi32>
            %add3A_160 = arith.addi %get3A_154, %add3A_159 : vector<16xi32>
            %mul3A_161 = arith.constant 16 : i32
            %mul3A_162 = arith.muli %scan3A_148, %mul3A_161 : i32
            %add3A_163 = arith.constant 0 : i32
            %add3A_164 = arith.addi %add3A_163, %mul3A_162 : i32
            %swap3A = arith.index_cast %add3A_164 : i32 to index
            %swap3A_165 = tpu.vector_load %arg19[%swap3A] {strides = array<i32>} : memref<320xi32, #tpu.memory_space<vmem>>, vector<16xi32>,
            tpu.vector_store %arg19[%swap3A], %add3A_160 {strides = array<i32>} : memref<320xi32, #tpu.memory_space<vmem>>, vector<16xi32>,
            %add3A_166 = arith.constant 2 : i32
            %add3A_167 = arith.addi %add3A_166, %scan3A_7 : i32
            %mul3A_168 = arith.constant 10000 : i32
            %mul3A_169 = arith.muli %add3A_167, %mul3A_168 : i32
            %add3A_170 = vector.broadcast %mul3A_169 : i32 to vector<16xi32>
            %add3A_171 = arith.addi %get3A_154, %add3A_170 : vector<16xi32>
            %mul3A_172 = arith.constant 16 : i32
            %mul3A_173 = arith.muli %scan3A_148, %mul3A_172 : i32
            %add3A_174 = arith.constant 80 : i32
            %add3A_175 = arith.addi %add3A_174, %mul3A_173 : i32
            %swap3A_176 = arith.index_cast %add3A_175 : i32 to index
            %swap3A_177 = tpu.vector_load %arg19[%swap3A_176] {strides = array<i32>} : memref<320xi32, #tpu.memory_space<vmem>>, vector<16xi32>,
            tpu.vector_store %arg19[%swap3A_176], %add3A_171 {strides = array<i32>} : memref<320xi32, #tpu.memory_space<vmem>>, vector<16xi32>,
            %add3A_178 = arith.constant 4 : i32
            %add3A_179 = arith.addi %add3A_178, %scan3A_7 : i32
            %mul3A_180 = arith.constant 10000 : i32
            %mul3A_181 = arith.muli %add3A_179, %mul3A_180 : i32
            %add3A_182 = vector.broadcast %mul3A_181 : i32 to vector<16xi32>
            %add3A_183 = arith.addi %get3A_154, %add3A_182 : vector<16xi32>
            %mul3A_184 = arith.constant 16 : i32
            %mul3A_185 = arith.muli %scan3A_148, %mul3A_184 : i32
            %add3A_186 = arith.constant 160 : i32
            %add3A_187 = arith.addi %add3A_186, %mul3A_185 : i32
            %swap3A_188 = arith.index_cast %add3A_187 : i32 to index
            %swap3A_189 = tpu.vector_load %arg19[%swap3A_188] {strides = array<i32>} : memref<320xi32, #tpu.memory_space<vmem>>, vector<16xi32>,
            tpu.vector_store %arg19[%swap3A_188], %add3A_183 {strides = array<i32>} : memref<320xi32, #tpu.memory_space<vmem>>, vector<16xi32>,
            %add3A_190 = arith.constant 6 : i32
            %add3A_191 = arith.addi %add3A_190, %scan3A_7 : i32
            %mul3A_192 = arith.constant 10000 : i32
            %mul3A_193 = arith.muli %add3A_191, %mul3A_192 : i32
            %add3A_194 = vector.broadcast %mul3A_193 : i32 to vector<16xi32>
            %add3A_195 = arith.addi %get3A_154, %add3A_194 : vector<16xi32>
            %mul3A_196 = arith.constant 16 : i32
            %mul3A_197 = arith.muli %scan3A_148, %mul3A_196 : i32
            %add3A_198 = arith.constant 240 : i32
            %add3A_199 = arith.addi %add3A_198, %mul3A_197 : i32
            %swap3A_200 = arith.index_cast %add3A_199 : i32 to index
            %swap3A_201 = tpu.vector_load %arg19[%swap3A_200] {strides = array<i32>} : memref<320xi32, #tpu.memory_space<vmem>>, vector<16xi32>,
            tpu.vector_store %arg19[%swap3A_200], %add3A_195 {strides = array<i32>} : memref<320xi32, #tpu.memory_space<vmem>>, vector<16xi32>,
            %scan3A_202 = arith.constant 0 : i32
            scf.yield %scan3A_202 : i32
          }
          %scan3A_127 = arith.constant 5 : i32
          %dma_start3A_128 = arith.constant 0 : i32
          %dma_start3A_129 = tpu.memref_slice %arg19[%dma_start3A_128] : memref<320xi32, #tpu.memory_space<vmem>> -> memref<80xi32, #tpu.memory_space<vmem>>
          %dma_start3A_130 = arith.constant 0 : i32
          %dma_start3A_131 = arith.constant 0 : i32
          %dma_start3A_132 = tpu.memref_slice %arg5[%dma_start3A_130, %dma_start3A_131] : memref<80000x64xf32, #tpu.memory_space<hbm>> -> memref<80000x64xf32, #tpu.memory_space<hbm>>
          tpu.enqueue_indirect_dma source(%dma_start3A_132 : memref<80000x64xf32, #tpu.memory_space<hbm>>) target(%arg24 : memref<80x64xf32, #tpu.memory_space<vmem>>) offsets(%dma_start3A_129 : memref<80xi32, #tpu.memory_space<vmem>>) semaphore(%arg32 : memref<!tpu.dma_semaphore, #tpu.memory_space<semaphore_mem>>)
          %dma_start3A_133 = arith.constant 80 : i32
          %dma_start3A_134 = tpu.memref_slice %arg19[%dma_start3A_133] : memref<320xi32, #tpu.memory_space<vmem>> -> memref<80xi32, #tpu.memory_space<vmem>>
          %dma_start3A_135 = arith.constant 0 : i32
          %dma_start3A_136 = arith.constant 0 : i32
          %dma_start3A_137 = tpu.memref_slice %arg5[%dma_start3A_135, %dma_start3A_136] : memref<80000x64xf32, #tpu.memory_space<hbm>> -> memref<80000x64xf32, #tpu.memory_space<hbm>>
          tpu.enqueue_indirect_dma source(%dma_start3A_137 : memref<80000x64xf32, #tpu.memory_space<hbm>>) target(%arg25 : memref<80x64xf32, #tpu.memory_space<vmem>>) offsets(%dma_start3A_134 : memref<80xi32, #tpu.memory_space<vmem>>) semaphore(%arg32 : memref<!tpu.dma_semaphore, #tpu.memory_space<semaphore_mem>>)
          %dma_start3A_138 = arith.constant 160 : i32
          %dma_start3A_139 = tpu.memref_slice %arg19[%dma_start3A_138] : memref<320xi32, #tpu.memory_space<vmem>> -> memref<80xi32, #tpu.memory_space<vmem>>
          %dma_start3A_140 = arith.constant 0 : i32
          %dma_start3A_141 = arith.constant 0 : i32
          %dma_start3A_142 = tpu.memref_slice %arg5[%dma_start3A_140, %dma_start3A_141] : memref<80000x64xf32, #tpu.memory_space<hbm>> -> memref<80000x64xf32, #tpu.memory_space<hbm>>
          tpu.enqueue_indirect_dma source(%dma_start3A_142 : memref<80000x64xf32, #tpu.memory_space<hbm>>) target(%arg26 : memref<80x64xf32, #tpu.memory_space<vmem>>) offsets(%dma_start3A_139 : memref<80xi32, #tpu.memory_space<vmem>>) semaphore(%arg32 : memref<!tpu.dma_semaphore, #tpu.memory_space<semaphore_mem>>)
          %dma_start3A_143 = arith.constant 240 : i32
          %dma_start3A_144 = tpu.memref_slice %arg19[%dma_start3A_143] : memref<320xi32, #tpu.memory_space<vmem>> -> memref<80xi32, #tpu.memory_space<vmem>>
          %dma_start3A_145 = arith.constant 0 : i32
          %dma_start3A_146 = arith.constant 0 : i32
          %dma_start3A_147 = tpu.memref_slice %arg5[%dma_start3A_145, %dma_start3A_146] : memref<80000x64xf32, #tpu.memory_space<hbm>> -> memref<80000x64xf32, #tpu.memory_space<hbm>>
          tpu.enqueue_indirect_dma source(%dma_start3A_147 : memref<80000x64xf32, #tpu.memory_space<hbm>>) target(%arg27 : memref<80x64xf32, #tpu.memory_space<vmem>>) offsets(%dma_start3A_144 : memref<80xi32, #tpu.memory_space<vmem>>) semaphore(%arg32 : memref<!tpu.dma_semaphore, #tpu.memory_space<semaphore_mem>>)
        } else {
        }
        %lt3A_83 = arith.constant 125 : i32
        %lt3A_84 = arith.cmpi slt, %add3A_75, %lt3A_83 : i32
        %convert_element_type3A_85 = arith.extui %lt3A_84 : i1 to i32
        %cond3A_86 = arith.constant 0 : i32
        %cond3A_87 = arith.cmpi ne, %convert_element_type3A_85, %cond3A_86 : i32
        scf.if %cond3A_87 {
          %dma_wait3A_105 = arith.constant 1 : i32
          %dma_wait3A_106 = arith.constant 0 : i32
          %dma_wait3A_107 = tpu.memref_slice %arg7[%dma_wait3A_105, %dma_wait3A_106] : memref<2x80xi32, #tpu.memory_space<vmem>> -> memref<1x80xi32, #tpu.memory_space<vmem>>
          %dma_wait3A_108 = tpu.memref_squeeze %dma_wait3A_107 : memref<1x80xi32, #tpu.memory_space<vmem>> -> memref<80xi32, #tpu.memory_space<vmem>>
          %dma_wait3A_109 = arith.constant 0 : i32
          %dma_wait3A_110 = arith.constant 0 : i32
          %dma_wait3A_111 = tpu.memref_slice %arg4[%dma_wait3A_109, %dma_wait3A_110] : memref<10000x16xf32, #tpu.memory_space<hbm>> -> memref<10000x16xf32, #tpu.memory_space<hbm>>
          tpu.wait_indirect_dma semaphore(%arg31 : memref<!tpu.dma_semaphore, #tpu.memory_space<semaphore_mem>>) src(%dma_wait3A_111 : memref<10000x16xf32, #tpu.memory_space<hbm>>) dst(%arg12 : memref<80x16xf32, #tpu.memory_space<vmem>>)
          %dma_wait3A_112 = arith.constant 0 : i32
          %dma_wait3A_113 = tpu.memref_slice %arg8[%dma_wait3A_112] : memref<320xi32, #tpu.memory_space<vmem>> -> memref<80xi32, #tpu.memory_space<vmem>>
          %dma_wait3A_114 = arith.constant 0 : i32
          %dma_wait3A_115 = arith.constant 0 : i32
          %dma_wait3A_116 = tpu.memref_slice %arg5[%dma_wait3A_114, %dma_wait3A_115] : memref<80000x64xf32, #tpu.memory_space<hbm>> -> memref<80000x64xf32, #tpu.memory_space<hbm>>
          tpu.wait_indirect_dma semaphore(%arg31 : memref<!tpu.dma_semaphore, #tpu.memory_space<semaphore_mem>>) src(%dma_wait3A_116 : memref<80000x64xf32, #tpu.memory_space<hbm>>) dst(%arg13 : memref<80x64xf32, #tpu.memory_space<vmem>>)
          %dma_wait3A_117 = arith.constant 80 : i32
          %dma_wait3A_118 = tpu.memref_slice %arg8[%dma_wait3A_117] : memref<320xi32, #tpu.memory_space<vmem>> -> memref<80xi32, #tpu.memory_space<vmem>>
          %dma_wait3A_119 = arith.constant 0 : i32
          %dma_wait3A_120 = arith.constant 0 : i32
          %dma_wait3A_121 = tpu.memref_slice %arg5[%dma_wait3A_119, %dma_wait3A_120] : memref<80000x64xf32, #tpu.memory_space<hbm>> -> memref<80000x64xf32, #tpu.memory_space<hbm>>
          tpu.wait_indirect_dma semaphore(%arg31 : memref<!tpu.dma_semaphore, #tpu.memory_space<semaphore_mem>>) src(%dma_wait3A_121 : memref<80000x64xf32, #tpu.memory_space<hbm>>) dst(%arg14 : memref<80x64xf32, #tpu.memory_space<vmem>>)
          %dma_wait3A_122 = arith.constant 160 : i32
          %dma_wait3A_123 = tpu.memref_slice %arg8[%dma_wait3A_122] : memref<320xi32, #tpu.memory_space<vmem>> -> memref<80xi32, #tpu.memory_space<vmem>>
          %dma_wait3A_124 = arith.constant 0 : i32
          %dma_wait3A_125 = arith.constant 0 : i32
          %dma_wait3A_126 = tpu.memref_slice %arg5[%dma_wait3A_124, %dma_wait3A_125] : memref<80000x64xf32, #tpu.memory_space<hbm>> -> memref<80000x64xf32, #tpu.memory_space<hbm>>
          tpu.wait_indirect_dma semaphore(%arg31 : memref<!tpu.dma_semaphore, #tpu.memory_space<semaphore_mem>>) src(%dma_wait3A_126 : memref<80000x64xf32, #tpu.memory_space<hbm>>) dst(%arg15 : memref<80x64xf32, #tpu.memory_space<vmem>>)
          %dma_wait3A_127 = arith.constant 240 : i32
          %dma_wait3A_128 = tpu.memref_slice %arg8[%dma_wait3A_127] : memref<320xi32, #tpu.memory_space<vmem>> -> memref<80xi32, #tpu.memory_space<vmem>>
          %dma_wait3A_129 = arith.constant 0 : i32
          %dma_wait3A_130 = arith.constant 0 : i32
          %dma_wait3A_131 = tpu.memref_slice %arg5[%dma_wait3A_129, %dma_wait3A_130] : memref<80000x64xf32, #tpu.memory_space<hbm>> -> memref<80000x64xf32, #tpu.memory_space<hbm>>
          tpu.wait_indirect_dma semaphore(%arg31 : memref<!tpu.dma_semaphore, #tpu.memory_space<semaphore_mem>>) src(%dma_wait3A_131 : memref<80000x64xf32, #tpu.memory_space<hbm>>) dst(%arg16 : memref<80x64xf32, #tpu.memory_space<vmem>>)
          %ge3A = arith.constant 2 : i32
          %ge3A_132 = arith.cmpi sge, %add3A_75, %ge3A : i32
          %scan3A_133 = arith.constant 0 : i32
          %scan3A_134 = arith.constant 0 : i32
          %scan3A_135 = arith.constant 20 : i32
          %scan3A_136 = arith.addi %scan3A_134, %scan3A_135 : i32
          %scan3A_137 = arith.constant 1 : i32
          %scan3A_138 = scf.for %scan3A_160 = %scan3A_134 to %scan3A_136 step %scan3A_137 iter_args(%scan3A_161 = %scan3A_133) -> (i32)  : i32 {
            %mul3A_162 = arith.constant 4 : i32
            %mul3A_163 = arith.muli %scan3A_160, %mul3A_162 : i32
            %shift_right_arithmetic3A = arith.constant 2 : i32
            %shift_right_arithmetic3A_164 = vector.broadcast %shift_right_arithmetic3A : i32 to vector<16xi32>
            %shift_right_arithmetic3A_165 = arith.shrsi %iota3A, %shift_right_arithmetic3A_164 : vector<16xi32>
            %add3A_166 = vector.broadcast %mul3A_163 : i32 to vector<16xi32>
            %add3A_167 = arith.addi %add3A_166, %shift_right_arithmetic3A_165 : vector<16xi32>
            %and3A = arith.constant 3 : i32
            %and3A_168 = vector.broadcast %and3A : i32 to vector<16xi32>
            %and3A_169 = arith.andi %iota3A, %and3A_168 : vector<16xi32>
            %gather3A = tpu.vector_load_idx %arg12[%add3A_167, %and3A_169] : memref<80x16xf32, #tpu.memory_space<vmem>>[vector<16xi32>, vector<16xi32>], vector<16xf32>,
            %mul3A_170 = arith.constant 16 : i32
            %mul3A_171 = arith.muli %scan3A_160, %mul3A_170 : i32
            %get3A = arith.index_cast %mul3A_171 : i32 to index
            %get3A_172 = tpu.vector_load %arg10[%get3A] {strides = array<i32>} : memref<320xf32, #tpu.memory_space<vmem>>, vector<16xf32>,
            %mul3A_173 = arith.mulf %get3A_172, %gather3A : vector<16xf32>
            %mul3A_174 = arith.constant 16 : i32
            %mul3A_175 = arith.muli %scan3A_160, %mul3A_174 : i32
            %swap3A = arith.index_cast %mul3A_175 : i32 to index
            %swap3A_176 = tpu.vector_load %arg11[%swap3A] {strides = array<i32>} : memref<320xf32, #tpu.memory_space<vmem>>, vector<16xf32>,
            tpu.vector_store %arg11[%swap3A], %mul3A_173 {strides = array<i32>} : memref<320xf32, #tpu.memory_space<vmem>>, vector<16xf32>,
            %scan3A_177 = arith.constant 0 : i32
            scf.yield %scan3A_177 : i32
          }
          %scan3A_139 = arith.constant 20 : i32
          %convert_element_type3A_140 = arith.extui %ge3A_132 : i1 to i32
          %cond3A_141 = arith.constant 0 : i32
          %cond3A_142 = arith.cmpi ne, %convert_element_type3A_140, %cond3A_141 : i32
          scf.if %cond3A_142 {
            %dma_wait3A_160 = arith.constant 0 : i32
            %dma_wait3A_161 = arith.constant 0 : i32
            %dma_wait3A_162 = tpu.memref_slice %arg30[%dma_wait3A_160, %dma_wait3A_161] : memref<10000x64xf32, #tpu.memory_space<vmem_shared>> -> memref<10000x64xf32, #tpu.memory_space<vmem_shared>>
            tpu.wait_indirect_dma semaphore(%arg33 : memref<!tpu.dma_semaphore, #tpu.memory_space<semaphore_mem>>) src(%arg17 : memref<80x64xf32, #tpu.memory_space<vmem>>) dst(%dma_wait3A_162 : memref<10000x64xf32, #tpu.memory_space<vmem_shared>>)
          } else {
          }
          %scan3A_143 = arith.constant 0 : i32
          %scan3A_144 = arith.constant 0 : i32
          %scan3A_145 = arith.constant 5 : i32
          %scan3A_146 = arith.addi %scan3A_144, %scan3A_145 : i32
          %scan3A_147 = arith.constant 1 : i32
          %scan3A_148 = scf.for %scan3A_160 = %scan3A_144 to %scan3A_146 step %scan3A_147 iter_args(%scan3A_161 = %scan3A_143) -> (i32)  : i32 {
            %mul3A_162 = arith.constant 16 : i32
            %mul3A_163 = arith.muli %scan3A_160, %mul3A_162 : i32
            %get3A = arith.constant 1 : i32
            %get3A_164 = arith.index_cast %get3A : i32 to index
            %get3A_165 = arith.index_cast %mul3A_163 : i32 to index
            %get3A_166 = tpu.vector_load %arg7[%get3A_164, %get3A_165] {strides = array<i32>} : memref<2x80xi32, #tpu.memory_space<vmem>>, vector<16xi32>,
            %mul3A_167 = arith.constant 16 : i32
            %mul3A_168 = arith.muli %scan3A_160, %mul3A_167 : i32
            %swap3A = arith.index_cast %mul3A_168 : i32 to index
            %swap3A_169 = tpu.vector_load %arg9[%swap3A] {strides = array<i32>} : memref<80xi32, #tpu.memory_space<vmem>>, vector<16xi32>,
            tpu.vector_store %arg9[%swap3A], %get3A_166 {strides = array<i32>} : memref<80xi32, #tpu.memory_space<vmem>>, vector<16xi32>,
            %scan3A_170 = arith.constant 0 : i32
            scf.yield %scan3A_170 : i32
          }
          %scan3A_149 = arith.constant 5 : i32
          %scan3A_150 = arith.constant 0 : i32
          %scan3A_151 = arith.constant 0 : i32
          %scan3A_152 = arith.constant 80 : i32
          %scan3A_153 = arith.addi %scan3A_151, %scan3A_152 : i32
          %scan3A_154 = arith.constant 1 : i32
          %scan3A_155 = scf.for %scan3A_160 = %scan3A_151 to %scan3A_153 step %scan3A_154 iter_args(%scan3A_161 = %scan3A_150) -> (i32)  : i32 {
            %broadcast_in_dim3A = arith.constant 0.000000e+00 : f32
            %broadcast_in_dim3A_162 = vector.broadcast %broadcast_in_dim3A : f32 to vector<16xf32>
            %broadcast_in_dim3A_163 = arith.constant 0.000000e+00 : f32
            %broadcast_in_dim3A_164 = vector.broadcast %broadcast_in_dim3A_163 : f32 to vector<16xf32>
            %broadcast_in_dim3A_165 = arith.constant 0.000000e+00 : f32
            %broadcast_in_dim3A_166 = vector.broadcast %broadcast_in_dim3A_165 : f32 to vector<16xf32>
            %broadcast_in_dim3A_167 = arith.constant 0.000000e+00 : f32
            %broadcast_in_dim3A_168 = vector.broadcast %broadcast_in_dim3A_167 : f32 to vector<16xf32>
            %mul3A_169 = arith.constant 4 : i32
            %mul3A_170 = arith.muli %mul3A_169, %scan3A_160 : i32
            %add3A_171 = arith.constant 0 : i32
            %add3A_172 = arith.addi %mul3A_170, %add3A_171 : i32
            %broadcast_in_dim3A_173 = vector.broadcast %add3A_172 : i32 to vector<16xi32>
            %gather3A = tpu.vector_load_idx %arg11[%broadcast_in_dim3A_173] : memref<320xf32, #tpu.memory_space<vmem>>[vector<16xi32>], vector<16xf32>,
            %get3A = arith.index_cast %scan3A_160 : i32 to index
            %get3A_174 = arith.constant 0 : index
            %get3A_175 = tpu.vector_load %arg13[%get3A, %get3A_174] {strides = array<i32>} : memref<80x64xf32, #tpu.memory_space<vmem>>, vector<16xf32>,
            %mul3A_176 = arith.mulf %gather3A, %get3A_175 : vector<16xf32>
            %add3A_177 = arith.addf %broadcast_in_dim3A_162, %mul3A_176 : vector<16xf32>
            %get3A_178 = arith.index_cast %scan3A_160 : i32 to index
            %get3A_179 = arith.constant 16 : index
            %get3A_180 = tpu.vector_load %arg13[%get3A_178, %get3A_179] {strides = array<i32>} : memref<80x64xf32, #tpu.memory_space<vmem>>, vector<16xf32>,
            %mul3A_181 = arith.mulf %gather3A, %get3A_180 : vector<16xf32>
            %add3A_182 = arith.addf %broadcast_in_dim3A_164, %mul3A_181 : vector<16xf32>
            %get3A_183 = arith.index_cast %scan3A_160 : i32 to index
            %get3A_184 = arith.constant 32 : index
            %get3A_185 = tpu.vector_load %arg13[%get3A_183, %get3A_184] {strides = array<i32>} : memref<80x64xf32, #tpu.memory_space<vmem>>, vector<16xf32>,
            %mul3A_186 = arith.mulf %gather3A, %get3A_185 : vector<16xf32>
            %add3A_187 = arith.addf %broadcast_in_dim3A_166, %mul3A_186 : vector<16xf32>
            %get3A_188 = arith.index_cast %scan3A_160 : i32 to index
            %get3A_189 = arith.constant 48 : index
            %get3A_190 = tpu.vector_load %arg13[%get3A_188, %get3A_189] {strides = array<i32>} : memref<80x64xf32, #tpu.memory_space<vmem>>, vector<16xf32>,
            %mul3A_191 = arith.mulf %gather3A, %get3A_190 : vector<16xf32>
            %add3A_192 = arith.addf %broadcast_in_dim3A_168, %mul3A_191 : vector<16xf32>
            %mul3A_193 = arith.constant 4 : i32
            %mul3A_194 = arith.muli %mul3A_193, %scan3A_160 : i32
            %add3A_195 = arith.constant 1 : i32
            %add3A_196 = arith.addi %mul3A_194, %add3A_195 : i32
            %broadcast_in_dim3A_197 = vector.broadcast %add3A_196 : i32 to vector<16xi32>
            %gather3A_198 = tpu.vector_load_idx %arg11[%broadcast_in_dim3A_197] : memref<320xf32, #tpu.memory_space<vmem>>[vector<16xi32>], vector<16xf32>,
            %get3A_199 = arith.index_cast %scan3A_160 : i32 to index
            %get3A_200 = arith.constant 0 : index
            %get3A_201 = tpu.vector_load %arg14[%get3A_199, %get3A_200] {strides = array<i32>} : memref<80x64xf32, #tpu.memory_space<vmem>>, vector<16xf32>,
            %mul3A_202 = arith.mulf %gather3A_198, %get3A_201 : vector<16xf32>
            %add3A_203 = arith.addf %add3A_177, %mul3A_202 : vector<16xf32>
            %get3A_204 = arith.index_cast %scan3A_160 : i32 to index
            %get3A_205 = arith.constant 16 : index
            %get3A_206 = tpu.vector_load %arg14[%get3A_204, %get3A_205] {strides = array<i32>} : memref<80x64xf32, #tpu.memory_space<vmem>>, vector<16xf32>,
            %mul3A_207 = arith.mulf %gather3A_198, %get3A_206 : vector<16xf32>
            %add3A_208 = arith.addf %add3A_182, %mul3A_207 : vector<16xf32>
            %get3A_209 = arith.index_cast %scan3A_160 : i32 to index
            %get3A_210 = arith.constant 32 : index
            %get3A_211 = tpu.vector_load %arg14[%get3A_209, %get3A_210] {strides = array<i32>} : memref<80x64xf32, #tpu.memory_space<vmem>>, vector<16xf32>,
            %mul3A_212 = arith.mulf %gather3A_198, %get3A_211 : vector<16xf32>
            %add3A_213 = arith.addf %add3A_187, %mul3A_212 : vector<16xf32>
            %get3A_214 = arith.index_cast %scan3A_160 : i32 to index
            %get3A_215 = arith.constant 48 : index
            %get3A_216 = tpu.vector_load %arg14[%get3A_214, %get3A_215] {strides = array<i32>} : memref<80x64xf32, #tpu.memory_space<vmem>>, vector<16xf32>,
            %mul3A_217 = arith.mulf %gather3A_198, %get3A_216 : vector<16xf32>
            %add3A_218 = arith.addf %add3A_192, %mul3A_217 : vector<16xf32>
            %mul3A_219 = arith.constant 4 : i32
            %mul3A_220 = arith.muli %mul3A_219, %scan3A_160 : i32
            %add3A_221 = arith.constant 2 : i32
            %add3A_222 = arith.addi %mul3A_220, %add3A_221 : i32
            %broadcast_in_dim3A_223 = vector.broadcast %add3A_222 : i32 to vector<16xi32>
            %gather3A_224 = tpu.vector_load_idx %arg11[%broadcast_in_dim3A_223] : memref<320xf32, #tpu.memory_space<vmem>>[vector<16xi32>], vector<16xf32>,
            %get3A_225 = arith.index_cast %scan3A_160 : i32 to index
            %get3A_226 = arith.constant 0 : index
            %get3A_227 = tpu.vector_load %arg15[%get3A_225, %get3A_226] {strides = array<i32>} : memref<80x64xf32, #tpu.memory_space<vmem>>, vector<16xf32>,
            %mul3A_228 = arith.mulf %gather3A_224, %get3A_227 : vector<16xf32>
            %add3A_229 = arith.addf %add3A_203, %mul3A_228 : vector<16xf32>
            %get3A_230 = arith.index_cast %scan3A_160 : i32 to index
            %get3A_231 = arith.constant 16 : index
            %get3A_232 = tpu.vector_load %arg15[%get3A_230, %get3A_231] {strides = array<i32>} : memref<80x64xf32, #tpu.memory_space<vmem>>, vector<16xf32>,
            %mul3A_233 = arith.mulf %gather3A_224, %get3A_232 : vector<16xf32>
            %add3A_234 = arith.addf %add3A_208, %mul3A_233 : vector<16xf32>
            %get3A_235 = arith.index_cast %scan3A_160 : i32 to index
            %get3A_236 = arith.constant 32 : index
            %get3A_237 = tpu.vector_load %arg15[%get3A_235, %get3A_236] {strides = array<i32>} : memref<80x64xf32, #tpu.memory_space<vmem>>, vector<16xf32>,
            %mul3A_238 = arith.mulf %gather3A_224, %get3A_237 : vector<16xf32>
            %add3A_239 = arith.addf %add3A_213, %mul3A_238 : vector<16xf32>
            %get3A_240 = arith.index_cast %scan3A_160 : i32 to index
            %get3A_241 = arith.constant 48 : index
            %get3A_242 = tpu.vector_load %arg15[%get3A_240, %get3A_241] {strides = array<i32>} : memref<80x64xf32, #tpu.memory_space<vmem>>, vector<16xf32>,
            %mul3A_243 = arith.mulf %gather3A_224, %get3A_242 : vector<16xf32>
            %add3A_244 = arith.addf %add3A_218, %mul3A_243 : vector<16xf32>
            %mul3A_245 = arith.constant 4 : i32
            %mul3A_246 = arith.muli %mul3A_245, %scan3A_160 : i32
            %add3A_247 = arith.constant 3 : i32
            %add3A_248 = arith.addi %mul3A_246, %add3A_247 : i32
            %broadcast_in_dim3A_249 = vector.broadcast %add3A_248 : i32 to vector<16xi32>
            %gather3A_250 = tpu.vector_load_idx %arg11[%broadcast_in_dim3A_249] : memref<320xf32, #tpu.memory_space<vmem>>[vector<16xi32>], vector<16xf32>,
            %get3A_251 = arith.index_cast %scan3A_160 : i32 to index
            %get3A_252 = arith.constant 0 : index
            %get3A_253 = tpu.vector_load %arg16[%get3A_251, %get3A_252] {strides = array<i32>} : memref<80x64xf32, #tpu.memory_space<vmem>>, vector<16xf32>,
            %mul3A_254 = arith.mulf %gather3A_250, %get3A_253 : vector<16xf32>
            %add3A_255 = arith.addf %add3A_229, %mul3A_254 : vector<16xf32>
            %get3A_256 = arith.index_cast %scan3A_160 : i32 to index
            %get3A_257 = arith.constant 16 : index
            %get3A_258 = tpu.vector_load %arg16[%get3A_256, %get3A_257] {strides = array<i32>} : memref<80x64xf32, #tpu.memory_space<vmem>>, vector<16xf32>,
            %mul3A_259 = arith.mulf %gather3A_250, %get3A_258 : vector<16xf32>
            %add3A_260 = arith.addf %add3A_234, %mul3A_259 : vector<16xf32>
            %get3A_261 = arith.index_cast %scan3A_160 : i32 to index
            %get3A_262 = arith.constant 32 : index
            %get3A_263 = tpu.vector_load %arg16[%get3A_261, %get3A_262] {strides = array<i32>} : memref<80x64xf32, #tpu.memory_space<vmem>>, vector<16xf32>,
            %mul3A_264 = arith.mulf %gather3A_250, %get3A_263 : vector<16xf32>
            %add3A_265 = arith.addf %add3A_239, %mul3A_264 : vector<16xf32>
            %get3A_266 = arith.index_cast %scan3A_160 : i32 to index
            %get3A_267 = arith.constant 48 : index
            %get3A_268 = tpu.vector_load %arg16[%get3A_266, %get3A_267] {strides = array<i32>} : memref<80x64xf32, #tpu.memory_space<vmem>>, vector<16xf32>,
            %mul3A_269 = arith.mulf %gather3A_250, %get3A_268 : vector<16xf32>
            %add3A_270 = arith.addf %add3A_244, %mul3A_269 : vector<16xf32>
            %swap3A = arith.index_cast %scan3A_160 : i32 to index
            %swap3A_271 = arith.constant 0 : index
            %swap3A_272 = tpu.vector_load %arg17[%swap3A, %swap3A_271] {strides = array<i32>} : memref<80x64xf32, #tpu.memory_space<vmem>>, vector<16xf32>,
            tpu.vector_store %arg17[%swap3A, %swap3A_271], %add3A_255 {strides = array<i32>} : memref<80x64xf32, #tpu.memory_space<vmem>>, vector<16xf32>,
            %swap3A_273 = arith.index_cast %scan3A_160 : i32 to index
            %swap3A_274 = arith.constant 16 : index
            %swap3A_275 = tpu.vector_load %arg17[%swap3A_273, %swap3A_274] {strides = array<i32>} : memref<80x64xf32, #tpu.memory_space<vmem>>, vector<16xf32>,
            tpu.vector_store %arg17[%swap3A_273, %swap3A_274], %add3A_260 {strides = array<i32>} : memref<80x64xf32, #tpu.memory_space<vmem>>, vector<16xf32>,
            %swap3A_276 = arith.index_cast %scan3A_160 : i32 to index
            %swap3A_277 = arith.constant 32 : index
            %swap3A_278 = tpu.vector_load %arg17[%swap3A_276, %swap3A_277] {strides = array<i32>} : memref<80x64xf32, #tpu.memory_space<vmem>>, vector<16xf32>,
            tpu.vector_store %arg17[%swap3A_276, %swap3A_277], %add3A_265 {strides = array<i32>} : memref<80x64xf32, #tpu.memory_space<vmem>>, vector<16xf32>,
            %swap3A_279 = arith.index_cast %scan3A_160 : i32 to index
            %swap3A_280 = arith.constant 48 : index
            %swap3A_281 = tpu.vector_load %arg17[%swap3A_279, %swap3A_280] {strides = array<i32>} : memref<80x64xf32, #tpu.memory_space<vmem>>, vector<16xf32>,
            tpu.vector_store %arg17[%swap3A_279, %swap3A_280], %add3A_270 {strides = array<i32>} : memref<80x64xf32, #tpu.memory_space<vmem>>, vector<16xf32>,
            %scan3A_282 = arith.constant 0 : i32
            scf.yield %scan3A_282 : i32
          }
          %scan3A_156 = arith.constant 80 : i32
          %dma_start3A_157 = arith.constant 0 : i32
          %dma_start3A_158 = arith.constant 0 : i32
          %dma_start3A_159 = tpu.memref_slice %arg30[%dma_start3A_157, %dma_start3A_158] : memref<10000x64xf32, #tpu.memory_space<vmem_shared>> -> memref<10000x64xf32, #tpu.memory_space<vmem_shared>>
          tpu.enqueue_indirect_dma source(%arg17 : memref<80x64xf32, #tpu.memory_space<vmem>>) target(%dma_start3A_159 : memref<10000x64xf32, #tpu.memory_space<vmem_shared>>) offsets(%arg9 : memref<80xi32, #tpu.memory_space<vmem>>) semaphore(%arg33 : memref<!tpu.dma_semaphore, #tpu.memory_space<semaphore_mem>>) {add = true}
        } else {
        }
        %mul3A_88 = arith.constant 2 : i32
        %mul3A_89 = arith.muli %mul3A_88, %scan3A_70 : i32
        %add3A_90 = arith.constant 1 : i32
        %add3A_91 = arith.addi %mul3A_89, %add3A_90 : i32
        %add3A_92 = arith.constant 1 : i32
        %add3A_93 = arith.addi %add3A_91, %add3A_92 : i32
        %lt3A_94 = arith.constant 125 : i32
        %lt3A_95 = arith.cmpi slt, %add3A_93, %lt3A_94 : i32
        %convert_element_type3A_96 = arith.extui %lt3A_95 : i1 to i32
        %cond3A_97 = arith.constant 0 : i32
        %cond3A_98 = arith.cmpi ne, %convert_element_type3A_96, %cond3A_97 : i32
        scf.if %cond3A_98 {
          %add3A_105 = arith.constant 1 : i32
          %add3A_106 = arith.addi %add3A_91, %add3A_105 : i32
          %mul3A_107 = arith.constant 10000 : i32
          %mul3A_108 = arith.muli %add3A, %mul3A_107 : i32
          %mul3A_109 = arith.constant 80 : i32
          %mul3A_110 = arith.muli %add3A_106, %mul3A_109 : i32
          %add3A_111 = arith.addi %mul3A_108, %mul3A_110 : i32
          "tpu.region"() ({
            %run_scoped3A = tpu.sem_alloc : memref<!tpu.dma_semaphore, #tpu.memory_space<semaphore_mem>>
            %dma_start3A_148 = arith.constant 0 : i32
            %dma_start3A_149 = tpu.memref_slice %arg2[%dma_start3A_148, %add3A_111] : memref<2x320000xi32, #tpu.memory_space<hbm>> -> memref<2x80xi32, #tpu.memory_space<hbm>>
            %dma_start3A_150 = arith.constant 0 : i32
            %dma_start3A_151 = tpu.memref_slice %arg2[%dma_start3A_150, %add3A_111] : memref<2x320000xi32, #tpu.memory_space<hbm>> -> memref<2x80xi32, #tpu.memory_space<hbm>>
            tpu.enqueue_dma source(%dma_start3A_151 : memref<2x80xi32, #tpu.memory_space<hbm>>) target(%arg7 : memref<2x80xi32, #tpu.memory_space<vmem>>) target_semaphore(%run_scoped3A : memref<!tpu.dma_semaphore, #tpu.memory_space<semaphore_mem>>)
            %dma_wait3A_152 = arith.constant 0 : i32
            %dma_wait3A_153 = tpu.memref_slice %arg2[%dma_wait3A_152, %add3A_111] : memref<2x320000xi32, #tpu.memory_space<hbm>> -> memref<2x80xi32, #tpu.memory_space<hbm>>
            %dma_wait3A_154 = arith.constant 0 : i32
            %dma_wait3A_155 = tpu.memref_slice %arg2[%dma_wait3A_154, %add3A_111] : memref<2x320000xi32, #tpu.memory_space<hbm>> -> memref<2x80xi32, #tpu.memory_space<hbm>>
            tpu.wait_dma2 semaphore(%run_scoped3A : memref<!tpu.dma_semaphore, #tpu.memory_space<semaphore_mem>>) src(%dma_wait3A_155 : memref<2x80xi32, #tpu.memory_space<hbm>>) dst(%arg7 : memref<2x80xi32, #tpu.memory_space<vmem>>)
            tpu.yield
          }) : () -> ()
          %mul3A_112 = arith.constant 4 : i32
          %mul3A_113 = arith.muli %add3A_111, %mul3A_112 : i32
          "tpu.region"() ({
            %run_scoped3A = tpu.sem_alloc : memref<!tpu.dma_semaphore, #tpu.memory_space<semaphore_mem>>
            %dma_start3A_148 = tpu.memref_slice %arg3[%mul3A_113] : memref<1280000xf32, #tpu.memory_space<hbm>> -> memref<320xf32, #tpu.memory_space<hbm>>
            %dma_start3A_149 = tpu.memref_slice %arg3[%mul3A_113] : memref<1280000xf32, #tpu.memory_space<hbm>> -> memref<320xf32, #tpu.memory_space<hbm>>
            tpu.enqueue_dma source(%dma_start3A_149 : memref<320xf32, #tpu.memory_space<hbm>>) target(%arg10 : memref<320xf32, #tpu.memory_space<vmem>>) target_semaphore(%run_scoped3A : memref<!tpu.dma_semaphore, #tpu.memory_space<semaphore_mem>>)
            %dma_wait3A_150 = tpu.memref_slice %arg3[%mul3A_113] : memref<1280000xf32, #tpu.memory_space<hbm>> -> memref<320xf32, #tpu.memory_space<hbm>>
            %dma_wait3A_151 = tpu.memref_slice %arg3[%mul3A_113] : memref<1280000xf32, #tpu.memory_space<hbm>> -> memref<320xf32, #tpu.memory_space<hbm>>
            tpu.wait_dma2 semaphore(%run_scoped3A : memref<!tpu.dma_semaphore, #tpu.memory_space<semaphore_mem>>) src(%dma_wait3A_151 : memref<320xf32, #tpu.memory_space<hbm>>) dst(%arg10 : memref<320xf32, #tpu.memory_space<vmem>>)
            tpu.yield
          }) : () -> ()
          %dma_start3A_114 = arith.constant 1 : i32
          %dma_start3A_115 = arith.constant 0 : i32
          %dma_start3A_116 = tpu.memref_slice %arg7[%dma_start3A_114, %dma_start3A_115] : memref<2x80xi32, #tpu.memory_space<vmem>> -> memref<1x80xi32, #tpu.memory_space<vmem>>
          %dma_start3A_117 = tpu.memref_squeeze %dma_start3A_116 : memref<1x80xi32, #tpu.memory_space<vmem>> -> memref<80xi32, #tpu.memory_space<vmem>>
          %dma_start3A_118 = arith.constant 0 : i32
          %dma_start3A_119 = arith.constant 0 : i32
          %dma_start3A_120 = tpu.memref_slice %arg4[%dma_start3A_118, %dma_start3A_119] : memref<10000x16xf32, #tpu.memory_space<hbm>> -> memref<10000x16xf32, #tpu.memory_space<hbm>>
          tpu.enqueue_indirect_dma source(%dma_start3A_120 : memref<10000x16xf32, #tpu.memory_space<hbm>>) target(%arg12 : memref<80x16xf32, #tpu.memory_space<vmem>>) offsets(%dma_start3A_117 : memref<80xi32, #tpu.memory_space<vmem>>) semaphore(%arg31 : memref<!tpu.dma_semaphore, #tpu.memory_space<semaphore_mem>>)
          %scan3A_121 = arith.constant 0 : i32
          %scan3A_122 = arith.constant 0 : i32
          %scan3A_123 = arith.constant 5 : i32
          %scan3A_124 = arith.addi %scan3A_122, %scan3A_123 : i32
          %scan3A_125 = arith.constant 1 : i32
          %scan3A_126 = scf.for %scan3A_148 = %scan3A_122 to %scan3A_124 step %scan3A_125 iter_args(%scan3A_149 = %scan3A_121) -> (i32)  : i32 {
            %mul3A_150 = arith.constant 16 : i32
            %mul3A_151 = arith.muli %scan3A_148, %mul3A_150 : i32
            %get3A = arith.constant 0 : i32
            %get3A_152 = arith.index_cast %get3A : i32 to index
            %get3A_153 = arith.index_cast %mul3A_151 : i32 to index
            %get3A_154 = tpu.vector_load %arg7[%get3A_152, %get3A_153] {strides = array<i32>} : memref<2x80xi32, #tpu.memory_space<vmem>>, vector<16xi32>,
            %add3A_155 = arith.constant 0 : i32
            %add3A_156 = arith.addi %add3A_155, %scan3A_7 : i32
            %mul3A_157 = arith.constant 10000 : i32
            %mul3A_158 = arith.muli %add3A_156, %mul3A_157 : i32
            %add3A_159 = vector.broadcast %mul3A_158 : i32 to vector<16xi32>
            %add3A_160 = arith.addi %get3A_154, %add3A_159 : vector<16xi32>
            %mul3A_161 = arith.constant 16 : i32
            %mul3A_162 = arith.muli %scan3A_148, %mul3A_161 : i32
            %add3A_163 = arith.constant 0 : i32
            %add3A_164 = arith.addi %add3A_163, %mul3A_162 : i32
            %swap3A = arith.index_cast %add3A_164 : i32 to index
            %swap3A_165 = tpu.vector_load %arg8[%swap3A] {strides = array<i32>} : memref<320xi32, #tpu.memory_space<vmem>>, vector<16xi32>,
            tpu.vector_store %arg8[%swap3A], %add3A_160 {strides = array<i32>} : memref<320xi32, #tpu.memory_space<vmem>>, vector<16xi32>,
            %add3A_166 = arith.constant 2 : i32
            %add3A_167 = arith.addi %add3A_166, %scan3A_7 : i32
            %mul3A_168 = arith.constant 10000 : i32
            %mul3A_169 = arith.muli %add3A_167, %mul3A_168 : i32
            %add3A_170 = vector.broadcast %mul3A_169 : i32 to vector<16xi32>
            %add3A_171 = arith.addi %get3A_154, %add3A_170 : vector<16xi32>
            %mul3A_172 = arith.constant 16 : i32
            %mul3A_173 = arith.muli %scan3A_148, %mul3A_172 : i32
            %add3A_174 = arith.constant 80 : i32
            %add3A_175 = arith.addi %add3A_174, %mul3A_173 : i32
            %swap3A_176 = arith.index_cast %add3A_175 : i32 to index
            %swap3A_177 = tpu.vector_load %arg8[%swap3A_176] {strides = array<i32>} : memref<320xi32, #tpu.memory_space<vmem>>, vector<16xi32>,
            tpu.vector_store %arg8[%swap3A_176], %add3A_171 {strides = array<i32>} : memref<320xi32, #tpu.memory_space<vmem>>, vector<16xi32>,
            %add3A_178 = arith.constant 4 : i32
            %add3A_179 = arith.addi %add3A_178, %scan3A_7 : i32
            %mul3A_180 = arith.constant 10000 : i32
            %mul3A_181 = arith.muli %add3A_179, %mul3A_180 : i32
            %add3A_182 = vector.broadcast %mul3A_181 : i32 to vector<16xi32>
            %add3A_183 = arith.addi %get3A_154, %add3A_182 : vector<16xi32>
            %mul3A_184 = arith.constant 16 : i32
            %mul3A_185 = arith.muli %scan3A_148, %mul3A_184 : i32
            %add3A_186 = arith.constant 160 : i32
            %add3A_187 = arith.addi %add3A_186, %mul3A_185 : i32
            %swap3A_188 = arith.index_cast %add3A_187 : i32 to index
            %swap3A_189 = tpu.vector_load %arg8[%swap3A_188] {strides = array<i32>} : memref<320xi32, #tpu.memory_space<vmem>>, vector<16xi32>,
            tpu.vector_store %arg8[%swap3A_188], %add3A_183 {strides = array<i32>} : memref<320xi32, #tpu.memory_space<vmem>>, vector<16xi32>,
            %add3A_190 = arith.constant 6 : i32
            %add3A_191 = arith.addi %add3A_190, %scan3A_7 : i32
            %mul3A_192 = arith.constant 10000 : i32
            %mul3A_193 = arith.muli %add3A_191, %mul3A_192 : i32
            %add3A_194 = vector.broadcast %mul3A_193 : i32 to vector<16xi32>
            %add3A_195 = arith.addi %get3A_154, %add3A_194 : vector<16xi32>
            %mul3A_196 = arith.constant 16 : i32
            %mul3A_197 = arith.muli %scan3A_148, %mul3A_196 : i32
            %add3A_198 = arith.constant 240 : i32
            %add3A_199 = arith.addi %add3A_198, %mul3A_197 : i32
            %swap3A_200 = arith.index_cast %add3A_199 : i32 to index
            %swap3A_201 = tpu.vector_load %arg8[%swap3A_200] {strides = array<i32>} : memref<320xi32, #tpu.memory_space<vmem>>, vector<16xi32>,
            tpu.vector_store %arg8[%swap3A_200], %add3A_195 {strides = array<i32>} : memref<320xi32, #tpu.memory_space<vmem>>, vector<16xi32>,
            %scan3A_202 = arith.constant 0 : i32
            scf.yield %scan3A_202 : i32
          }
          %scan3A_127 = arith.constant 5 : i32
          %dma_start3A_128 = arith.constant 0 : i32
          %dma_start3A_129 = tpu.memref_slice %arg8[%dma_start3A_128] : memref<320xi32, #tpu.memory_space<vmem>> -> memref<80xi32, #tpu.memory_space<vmem>>
          %dma_start3A_130 = arith.constant 0 : i32
          %dma_start3A_131 = arith.constant 0 : i32
          %dma_start3A_132 = tpu.memref_slice %arg5[%dma_start3A_130, %dma_start3A_131] : memref<80000x64xf32, #tpu.memory_space<hbm>> -> memref<80000x64xf32, #tpu.memory_space<hbm>>
          tpu.enqueue_indirect_dma source(%dma_start3A_132 : memref<80000x64xf32, #tpu.memory_space<hbm>>) target(%arg13 : memref<80x64xf32, #tpu.memory_space<vmem>>) offsets(%dma_start3A_129 : memref<80xi32, #tpu.memory_space<vmem>>) semaphore(%arg31 : memref<!tpu.dma_semaphore, #tpu.memory_space<semaphore_mem>>)
          %dma_start3A_133 = arith.constant 80 : i32
          %dma_start3A_134 = tpu.memref_slice %arg8[%dma_start3A_133] : memref<320xi32, #tpu.memory_space<vmem>> -> memref<80xi32, #tpu.memory_space<vmem>>
          %dma_start3A_135 = arith.constant 0 : i32
          %dma_start3A_136 = arith.constant 0 : i32
          %dma_start3A_137 = tpu.memref_slice %arg5[%dma_start3A_135, %dma_start3A_136] : memref<80000x64xf32, #tpu.memory_space<hbm>> -> memref<80000x64xf32, #tpu.memory_space<hbm>>
          tpu.enqueue_indirect_dma source(%dma_start3A_137 : memref<80000x64xf32, #tpu.memory_space<hbm>>) target(%arg14 : memref<80x64xf32, #tpu.memory_space<vmem>>) offsets(%dma_start3A_134 : memref<80xi32, #tpu.memory_space<vmem>>) semaphore(%arg31 : memref<!tpu.dma_semaphore, #tpu.memory_space<semaphore_mem>>)
          %dma_start3A_138 = arith.constant 160 : i32
          %dma_start3A_139 = tpu.memref_slice %arg8[%dma_start3A_138] : memref<320xi32, #tpu.memory_space<vmem>> -> memref<80xi32, #tpu.memory_space<vmem>>
          %dma_start3A_140 = arith.constant 0 : i32
          %dma_start3A_141 = arith.constant 0 : i32
          %dma_start3A_142 = tpu.memref_slice %arg5[%dma_start3A_140, %dma_start3A_141] : memref<80000x64xf32, #tpu.memory_space<hbm>> -> memref<80000x64xf32, #tpu.memory_space<hbm>>
          tpu.enqueue_indirect_dma source(%dma_start3A_142 : memref<80000x64xf32, #tpu.memory_space<hbm>>) target(%arg15 : memref<80x64xf32, #tpu.memory_space<vmem>>) offsets(%dma_start3A_139 : memref<80xi32, #tpu.memory_space<vmem>>) semaphore(%arg31 : memref<!tpu.dma_semaphore, #tpu.memory_space<semaphore_mem>>)
          %dma_start3A_143 = arith.constant 240 : i32
          %dma_start3A_144 = tpu.memref_slice %arg8[%dma_start3A_143] : memref<320xi32, #tpu.memory_space<vmem>> -> memref<80xi32, #tpu.memory_space<vmem>>
          %dma_start3A_145 = arith.constant 0 : i32
          %dma_start3A_146 = arith.constant 0 : i32
          %dma_start3A_147 = tpu.memref_slice %arg5[%dma_start3A_145, %dma_start3A_146] : memref<80000x64xf32, #tpu.memory_space<hbm>> -> memref<80000x64xf32, #tpu.memory_space<hbm>>
          tpu.enqueue_indirect_dma source(%dma_start3A_147 : memref<80000x64xf32, #tpu.memory_space<hbm>>) target(%arg16 : memref<80x64xf32, #tpu.memory_space<vmem>>) offsets(%dma_start3A_144 : memref<80xi32, #tpu.memory_space<vmem>>) semaphore(%arg31 : memref<!tpu.dma_semaphore, #tpu.memory_space<semaphore_mem>>)
        } else {
        }
        %lt3A_99 = arith.constant 125 : i32
        %lt3A_100 = arith.cmpi slt, %add3A_91, %lt3A_99 : i32
        %convert_element_type3A_101 = arith.extui %lt3A_100 : i1 to i32
        %cond3A_102 = arith.constant 0 : i32
        %cond3A_103 = arith.cmpi ne, %convert_element_type3A_101, %cond3A_102 : i32
        scf.if %cond3A_103 {
          %dma_wait3A_105 = arith.constant 1 : i32
          %dma_wait3A_106 = arith.constant 0 : i32
          %dma_wait3A_107 = tpu.memref_slice %arg18[%dma_wait3A_105, %dma_wait3A_106] : memref<2x80xi32, #tpu.memory_space<vmem>> -> memref<1x80xi32, #tpu.memory_space<vmem>>
          %dma_wait3A_108 = tpu.memref_squeeze %dma_wait3A_107 : memref<1x80xi32, #tpu.memory_space<vmem>> -> memref<80xi32, #tpu.memory_space<vmem>>
          %dma_wait3A_109 = arith.constant 0 : i32
          %dma_wait3A_110 = arith.constant 0 : i32
          %dma_wait3A_111 = tpu.memref_slice %arg4[%dma_wait3A_109, %dma_wait3A_110] : memref<10000x16xf32, #tpu.memory_space<hbm>> -> memref<10000x16xf32, #tpu.memory_space<hbm>>
          tpu.wait_indirect_dma semaphore(%arg32 : memref<!tpu.dma_semaphore, #tpu.memory_space<semaphore_mem>>) src(%dma_wait3A_111 : memref<10000x16xf32, #tpu.memory_space<hbm>>) dst(%arg23 : memref<80x16xf32, #tpu.memory_space<vmem>>)
          %dma_wait3A_112 = arith.constant 0 : i32
          %dma_wait3A_113 = tpu.memref_slice %arg19[%dma_wait3A_112] : memref<320xi32, #tpu.memory_space<vmem>> -> memref<80xi32, #tpu.memory_space<vmem>>
          %dma_wait3A_114 = arith.constant 0 : i32
          %dma_wait3A_115 = arith.constant 0 : i32
          %dma_wait3A_116 = tpu.memref_slice %arg5[%dma_wait3A_114, %dma_wait3A_115] : memref<80000x64xf32, #tpu.memory_space<hbm>> -> memref<80000x64xf32, #tpu.memory_space<hbm>>
          tpu.wait_indirect_dma semaphore(%arg32 : memref<!tpu.dma_semaphore, #tpu.memory_space<semaphore_mem>>) src(%dma_wait3A_116 : memref<80000x64xf32, #tpu.memory_space<hbm>>) dst(%arg24 : memref<80x64xf32, #tpu.memory_space<vmem>>)
          %dma_wait3A_117 = arith.constant 80 : i32
          %dma_wait3A_118 = tpu.memref_slice %arg19[%dma_wait3A_117] : memref<320xi32, #tpu.memory_space<vmem>> -> memref<80xi32, #tpu.memory_space<vmem>>
          %dma_wait3A_119 = arith.constant 0 : i32
          %dma_wait3A_120 = arith.constant 0 : i32
          %dma_wait3A_121 = tpu.memref_slice %arg5[%dma_wait3A_119, %dma_wait3A_120] : memref<80000x64xf32, #tpu.memory_space<hbm>> -> memref<80000x64xf32, #tpu.memory_space<hbm>>
          tpu.wait_indirect_dma semaphore(%arg32 : memref<!tpu.dma_semaphore, #tpu.memory_space<semaphore_mem>>) src(%dma_wait3A_121 : memref<80000x64xf32, #tpu.memory_space<hbm>>) dst(%arg25 : memref<80x64xf32, #tpu.memory_space<vmem>>)
          %dma_wait3A_122 = arith.constant 160 : i32
          %dma_wait3A_123 = tpu.memref_slice %arg19[%dma_wait3A_122] : memref<320xi32, #tpu.memory_space<vmem>> -> memref<80xi32, #tpu.memory_space<vmem>>
          %dma_wait3A_124 = arith.constant 0 : i32
          %dma_wait3A_125 = arith.constant 0 : i32
          %dma_wait3A_126 = tpu.memref_slice %arg5[%dma_wait3A_124, %dma_wait3A_125] : memref<80000x64xf32, #tpu.memory_space<hbm>> -> memref<80000x64xf32, #tpu.memory_space<hbm>>
          tpu.wait_indirect_dma semaphore(%arg32 : memref<!tpu.dma_semaphore, #tpu.memory_space<semaphore_mem>>) src(%dma_wait3A_126 : memref<80000x64xf32, #tpu.memory_space<hbm>>) dst(%arg26 : memref<80x64xf32, #tpu.memory_space<vmem>>)
          %dma_wait3A_127 = arith.constant 240 : i32
          %dma_wait3A_128 = tpu.memref_slice %arg19[%dma_wait3A_127] : memref<320xi32, #tpu.memory_space<vmem>> -> memref<80xi32, #tpu.memory_space<vmem>>
          %dma_wait3A_129 = arith.constant 0 : i32
          %dma_wait3A_130 = arith.constant 0 : i32
          %dma_wait3A_131 = tpu.memref_slice %arg5[%dma_wait3A_129, %dma_wait3A_130] : memref<80000x64xf32, #tpu.memory_space<hbm>> -> memref<80000x64xf32, #tpu.memory_space<hbm>>
          tpu.wait_indirect_dma semaphore(%arg32 : memref<!tpu.dma_semaphore, #tpu.memory_space<semaphore_mem>>) src(%dma_wait3A_131 : memref<80000x64xf32, #tpu.memory_space<hbm>>) dst(%arg27 : memref<80x64xf32, #tpu.memory_space<vmem>>)
          %ge3A = arith.constant 2 : i32
          %ge3A_132 = arith.cmpi sge, %add3A_91, %ge3A : i32
          %scan3A_133 = arith.constant 0 : i32
          %scan3A_134 = arith.constant 0 : i32
          %scan3A_135 = arith.constant 20 : i32
          %scan3A_136 = arith.addi %scan3A_134, %scan3A_135 : i32
          %scan3A_137 = arith.constant 1 : i32
          %scan3A_138 = scf.for %scan3A_160 = %scan3A_134 to %scan3A_136 step %scan3A_137 iter_args(%scan3A_161 = %scan3A_133) -> (i32)  : i32 {
            %mul3A_162 = arith.constant 4 : i32
            %mul3A_163 = arith.muli %scan3A_160, %mul3A_162 : i32
            %shift_right_arithmetic3A = arith.constant 2 : i32
            %shift_right_arithmetic3A_164 = vector.broadcast %shift_right_arithmetic3A : i32 to vector<16xi32>
            %shift_right_arithmetic3A_165 = arith.shrsi %iota3A, %shift_right_arithmetic3A_164 : vector<16xi32>
            %add3A_166 = vector.broadcast %mul3A_163 : i32 to vector<16xi32>
            %add3A_167 = arith.addi %add3A_166, %shift_right_arithmetic3A_165 : vector<16xi32>
            %and3A = arith.constant 3 : i32
            %and3A_168 = vector.broadcast %and3A : i32 to vector<16xi32>
            %and3A_169 = arith.andi %iota3A, %and3A_168 : vector<16xi32>
            %gather3A = tpu.vector_load_idx %arg23[%add3A_167, %and3A_169] : memref<80x16xf32, #tpu.memory_space<vmem>>[vector<16xi32>, vector<16xi32>], vector<16xf32>,
            %mul3A_170 = arith.constant 16 : i32
            %mul3A_171 = arith.muli %scan3A_160, %mul3A_170 : i32
            %get3A = arith.index_cast %mul3A_171 : i32 to index
            %get3A_172 = tpu.vector_load %arg21[%get3A] {strides = array<i32>} : memref<320xf32, #tpu.memory_space<vmem>>, vector<16xf32>,
            %mul3A_173 = arith.mulf %get3A_172, %gather3A : vector<16xf32>
            %mul3A_174 = arith.constant 16 : i32
            %mul3A_175 = arith.muli %scan3A_160, %mul3A_174 : i32
            %swap3A = arith.index_cast %mul3A_175 : i32 to index
            %swap3A_176 = tpu.vector_load %arg22[%swap3A] {strides = array<i32>} : memref<320xf32, #tpu.memory_space<vmem>>, vector<16xf32>,
            tpu.vector_store %arg22[%swap3A], %mul3A_173 {strides = array<i32>} : memref<320xf32, #tpu.memory_space<vmem>>, vector<16xf32>,
            %scan3A_177 = arith.constant 0 : i32
            scf.yield %scan3A_177 : i32
          }
          %scan3A_139 = arith.constant 20 : i32
          %convert_element_type3A_140 = arith.extui %ge3A_132 : i1 to i32
          %cond3A_141 = arith.constant 0 : i32
          %cond3A_142 = arith.cmpi ne, %convert_element_type3A_140, %cond3A_141 : i32
          scf.if %cond3A_142 {
            %dma_wait3A_160 = arith.constant 0 : i32
            %dma_wait3A_161 = arith.constant 0 : i32
            %dma_wait3A_162 = tpu.memref_slice %arg30[%dma_wait3A_160, %dma_wait3A_161] : memref<10000x64xf32, #tpu.memory_space<vmem_shared>> -> memref<10000x64xf32, #tpu.memory_space<vmem_shared>>
            tpu.wait_indirect_dma semaphore(%arg34 : memref<!tpu.dma_semaphore, #tpu.memory_space<semaphore_mem>>) src(%arg28 : memref<80x64xf32, #tpu.memory_space<vmem>>) dst(%dma_wait3A_162 : memref<10000x64xf32, #tpu.memory_space<vmem_shared>>)
          } else {
          }
          %scan3A_143 = arith.constant 0 : i32
          %scan3A_144 = arith.constant 0 : i32
          %scan3A_145 = arith.constant 5 : i32
          %scan3A_146 = arith.addi %scan3A_144, %scan3A_145 : i32
          %scan3A_147 = arith.constant 1 : i32
          %scan3A_148 = scf.for %scan3A_160 = %scan3A_144 to %scan3A_146 step %scan3A_147 iter_args(%scan3A_161 = %scan3A_143) -> (i32)  : i32 {
            %mul3A_162 = arith.constant 16 : i32
            %mul3A_163 = arith.muli %scan3A_160, %mul3A_162 : i32
            %get3A = arith.constant 1 : i32
            %get3A_164 = arith.index_cast %get3A : i32 to index
            %get3A_165 = arith.index_cast %mul3A_163 : i32 to index
            %get3A_166 = tpu.vector_load %arg18[%get3A_164, %get3A_165] {strides = array<i32>} : memref<2x80xi32, #tpu.memory_space<vmem>>, vector<16xi32>,
            %mul3A_167 = arith.constant 16 : i32
            %mul3A_168 = arith.muli %scan3A_160, %mul3A_167 : i32
            %swap3A = arith.index_cast %mul3A_168 : i32 to index
            %swap3A_169 = tpu.vector_load %arg20[%swap3A] {strides = array<i32>} : memref<80xi32, #tpu.memory_space<vmem>>, vector<16xi32>,
            tpu.vector_store %arg20[%swap3A], %get3A_166 {strides = array<i32>} : memref<80xi32, #tpu.memory_space<vmem>>, vector<16xi32>,
            %scan3A_170 = arith.constant 0 : i32
            scf.yield %scan3A_170 : i32
          }
          %scan3A_149 = arith.constant 5 : i32
          %scan3A_150 = arith.constant 0 : i32
          %scan3A_151 = arith.constant 0 : i32
          %scan3A_152 = arith.constant 80 : i32
          %scan3A_153 = arith.addi %scan3A_151, %scan3A_152 : i32
          %scan3A_154 = arith.constant 1 : i32
          %scan3A_155 = scf.for %scan3A_160 = %scan3A_151 to %scan3A_153 step %scan3A_154 iter_args(%scan3A_161 = %scan3A_150) -> (i32)  : i32 {
            %broadcast_in_dim3A = arith.constant 0.000000e+00 : f32
            %broadcast_in_dim3A_162 = vector.broadcast %broadcast_in_dim3A : f32 to vector<16xf32>
            %broadcast_in_dim3A_163 = arith.constant 0.000000e+00 : f32
            %broadcast_in_dim3A_164 = vector.broadcast %broadcast_in_dim3A_163 : f32 to vector<16xf32>
            %broadcast_in_dim3A_165 = arith.constant 0.000000e+00 : f32
            %broadcast_in_dim3A_166 = vector.broadcast %broadcast_in_dim3A_165 : f32 to vector<16xf32>
            %broadcast_in_dim3A_167 = arith.constant 0.000000e+00 : f32
            %broadcast_in_dim3A_168 = vector.broadcast %broadcast_in_dim3A_167 : f32 to vector<16xf32>
            %mul3A_169 = arith.constant 4 : i32
            %mul3A_170 = arith.muli %mul3A_169, %scan3A_160 : i32
            %add3A_171 = arith.constant 0 : i32
            %add3A_172 = arith.addi %mul3A_170, %add3A_171 : i32
            %broadcast_in_dim3A_173 = vector.broadcast %add3A_172 : i32 to vector<16xi32>
            %gather3A = tpu.vector_load_idx %arg22[%broadcast_in_dim3A_173] : memref<320xf32, #tpu.memory_space<vmem>>[vector<16xi32>], vector<16xf32>,
            %get3A = arith.index_cast %scan3A_160 : i32 to index
            %get3A_174 = arith.constant 0 : index
            %get3A_175 = tpu.vector_load %arg24[%get3A, %get3A_174] {strides = array<i32>} : memref<80x64xf32, #tpu.memory_space<vmem>>, vector<16xf32>,
            %mul3A_176 = arith.mulf %gather3A, %get3A_175 : vector<16xf32>
            %add3A_177 = arith.addf %broadcast_in_dim3A_162, %mul3A_176 : vector<16xf32>
            %get3A_178 = arith.index_cast %scan3A_160 : i32 to index
            %get3A_179 = arith.constant 16 : index
            %get3A_180 = tpu.vector_load %arg24[%get3A_178, %get3A_179] {strides = array<i32>} : memref<80x64xf32, #tpu.memory_space<vmem>>, vector<16xf32>,
            %mul3A_181 = arith.mulf %gather3A, %get3A_180 : vector<16xf32>
            %add3A_182 = arith.addf %broadcast_in_dim3A_164, %mul3A_181 : vector<16xf32>
            %get3A_183 = arith.index_cast %scan3A_160 : i32 to index
            %get3A_184 = arith.constant 32 : index
            %get3A_185 = tpu.vector_load %arg24[%get3A_183, %get3A_184] {strides = array<i32>} : memref<80x64xf32, #tpu.memory_space<vmem>>, vector<16xf32>,
            %mul3A_186 = arith.mulf %gather3A, %get3A_185 : vector<16xf32>
            %add3A_187 = arith.addf %broadcast_in_dim3A_166, %mul3A_186 : vector<16xf32>
            %get3A_188 = arith.index_cast %scan3A_160 : i32 to index
            %get3A_189 = arith.constant 48 : index
            %get3A_190 = tpu.vector_load %arg24[%get3A_188, %get3A_189] {strides = array<i32>} : memref<80x64xf32, #tpu.memory_space<vmem>>, vector<16xf32>,
            %mul3A_191 = arith.mulf %gather3A, %get3A_190 : vector<16xf32>
            %add3A_192 = arith.addf %broadcast_in_dim3A_168, %mul3A_191 : vector<16xf32>
            %mul3A_193 = arith.constant 4 : i32
            %mul3A_194 = arith.muli %mul3A_193, %scan3A_160 : i32
            %add3A_195 = arith.constant 1 : i32
            %add3A_196 = arith.addi %mul3A_194, %add3A_195 : i32
            %broadcast_in_dim3A_197 = vector.broadcast %add3A_196 : i32 to vector<16xi32>
            %gather3A_198 = tpu.vector_load_idx %arg22[%broadcast_in_dim3A_197] : memref<320xf32, #tpu.memory_space<vmem>>[vector<16xi32>], vector<16xf32>,
            %get3A_199 = arith.index_cast %scan3A_160 : i32 to index
            %get3A_200 = arith.constant 0 : index
            %get3A_201 = tpu.vector_load %arg25[%get3A_199, %get3A_200] {strides = array<i32>} : memref<80x64xf32, #tpu.memory_space<vmem>>, vector<16xf32>,
            %mul3A_202 = arith.mulf %gather3A_198, %get3A_201 : vector<16xf32>
            %add3A_203 = arith.addf %add3A_177, %mul3A_202 : vector<16xf32>
            %get3A_204 = arith.index_cast %scan3A_160 : i32 to index
            %get3A_205 = arith.constant 16 : index
            %get3A_206 = tpu.vector_load %arg25[%get3A_204, %get3A_205] {strides = array<i32>} : memref<80x64xf32, #tpu.memory_space<vmem>>, vector<16xf32>,
            %mul3A_207 = arith.mulf %gather3A_198, %get3A_206 : vector<16xf32>
            %add3A_208 = arith.addf %add3A_182, %mul3A_207 : vector<16xf32>
            %get3A_209 = arith.index_cast %scan3A_160 : i32 to index
            %get3A_210 = arith.constant 32 : index
            %get3A_211 = tpu.vector_load %arg25[%get3A_209, %get3A_210] {strides = array<i32>} : memref<80x64xf32, #tpu.memory_space<vmem>>, vector<16xf32>,
            %mul3A_212 = arith.mulf %gather3A_198, %get3A_211 : vector<16xf32>
            %add3A_213 = arith.addf %add3A_187, %mul3A_212 : vector<16xf32>
            %get3A_214 = arith.index_cast %scan3A_160 : i32 to index
            %get3A_215 = arith.constant 48 : index
            %get3A_216 = tpu.vector_load %arg25[%get3A_214, %get3A_215] {strides = array<i32>} : memref<80x64xf32, #tpu.memory_space<vmem>>, vector<16xf32>,
            %mul3A_217 = arith.mulf %gather3A_198, %get3A_216 : vector<16xf32>
            %add3A_218 = arith.addf %add3A_192, %mul3A_217 : vector<16xf32>
            %mul3A_219 = arith.constant 4 : i32
            %mul3A_220 = arith.muli %mul3A_219, %scan3A_160 : i32
            %add3A_221 = arith.constant 2 : i32
            %add3A_222 = arith.addi %mul3A_220, %add3A_221 : i32
            %broadcast_in_dim3A_223 = vector.broadcast %add3A_222 : i32 to vector<16xi32>
            %gather3A_224 = tpu.vector_load_idx %arg22[%broadcast_in_dim3A_223] : memref<320xf32, #tpu.memory_space<vmem>>[vector<16xi32>], vector<16xf32>,
            %get3A_225 = arith.index_cast %scan3A_160 : i32 to index
            %get3A_226 = arith.constant 0 : index
            %get3A_227 = tpu.vector_load %arg26[%get3A_225, %get3A_226] {strides = array<i32>} : memref<80x64xf32, #tpu.memory_space<vmem>>, vector<16xf32>,
            %mul3A_228 = arith.mulf %gather3A_224, %get3A_227 : vector<16xf32>
            %add3A_229 = arith.addf %add3A_203, %mul3A_228 : vector<16xf32>
            %get3A_230 = arith.index_cast %scan3A_160 : i32 to index
            %get3A_231 = arith.constant 16 : index
            %get3A_232 = tpu.vector_load %arg26[%get3A_230, %get3A_231] {strides = array<i32>} : memref<80x64xf32, #tpu.memory_space<vmem>>, vector<16xf32>,
            %mul3A_233 = arith.mulf %gather3A_224, %get3A_232 : vector<16xf32>
            %add3A_234 = arith.addf %add3A_208, %mul3A_233 : vector<16xf32>
            %get3A_235 = arith.index_cast %scan3A_160 : i32 to index
            %get3A_236 = arith.constant 32 : index
            %get3A_237 = tpu.vector_load %arg26[%get3A_235, %get3A_236] {strides = array<i32>} : memref<80x64xf32, #tpu.memory_space<vmem>>, vector<16xf32>,
            %mul3A_238 = arith.mulf %gather3A_224, %get3A_237 : vector<16xf32>
            %add3A_239 = arith.addf %add3A_213, %mul3A_238 : vector<16xf32>
            %get3A_240 = arith.index_cast %scan3A_160 : i32 to index
            %get3A_241 = arith.constant 48 : index
            %get3A_242 = tpu.vector_load %arg26[%get3A_240, %get3A_241] {strides = array<i32>} : memref<80x64xf32, #tpu.memory_space<vmem>>, vector<16xf32>,
            %mul3A_243 = arith.mulf %gather3A_224, %get3A_242 : vector<16xf32>
            %add3A_244 = arith.addf %add3A_218, %mul3A_243 : vector<16xf32>
            %mul3A_245 = arith.constant 4 : i32
            %mul3A_246 = arith.muli %mul3A_245, %scan3A_160 : i32
            %add3A_247 = arith.constant 3 : i32
            %add3A_248 = arith.addi %mul3A_246, %add3A_247 : i32
            %broadcast_in_dim3A_249 = vector.broadcast %add3A_248 : i32 to vector<16xi32>
            %gather3A_250 = tpu.vector_load_idx %arg22[%broadcast_in_dim3A_249] : memref<320xf32, #tpu.memory_space<vmem>>[vector<16xi32>], vector<16xf32>,
            %get3A_251 = arith.index_cast %scan3A_160 : i32 to index
            %get3A_252 = arith.constant 0 : index
            %get3A_253 = tpu.vector_load %arg27[%get3A_251, %get3A_252] {strides = array<i32>} : memref<80x64xf32, #tpu.memory_space<vmem>>, vector<16xf32>,
            %mul3A_254 = arith.mulf %gather3A_250, %get3A_253 : vector<16xf32>
            %add3A_255 = arith.addf %add3A_229, %mul3A_254 : vector<16xf32>
            %get3A_256 = arith.index_cast %scan3A_160 : i32 to index
            %get3A_257 = arith.constant 16 : index
            %get3A_258 = tpu.vector_load %arg27[%get3A_256, %get3A_257] {strides = array<i32>} : memref<80x64xf32, #tpu.memory_space<vmem>>, vector<16xf32>,
            %mul3A_259 = arith.mulf %gather3A_250, %get3A_258 : vector<16xf32>
            %add3A_260 = arith.addf %add3A_234, %mul3A_259 : vector<16xf32>
            %get3A_261 = arith.index_cast %scan3A_160 : i32 to index
            %get3A_262 = arith.constant 32 : index
            %get3A_263 = tpu.vector_load %arg27[%get3A_261, %get3A_262] {strides = array<i32>} : memref<80x64xf32, #tpu.memory_space<vmem>>, vector<16xf32>,
            %mul3A_264 = arith.mulf %gather3A_250, %get3A_263 : vector<16xf32>
            %add3A_265 = arith.addf %add3A_239, %mul3A_264 : vector<16xf32>
            %get3A_266 = arith.index_cast %scan3A_160 : i32 to index
            %get3A_267 = arith.constant 48 : index
            %get3A_268 = tpu.vector_load %arg27[%get3A_266, %get3A_267] {strides = array<i32>} : memref<80x64xf32, #tpu.memory_space<vmem>>, vector<16xf32>,
            %mul3A_269 = arith.mulf %gather3A_250, %get3A_268 : vector<16xf32>
            %add3A_270 = arith.addf %add3A_244, %mul3A_269 : vector<16xf32>
            %swap3A = arith.index_cast %scan3A_160 : i32 to index
            %swap3A_271 = arith.constant 0 : index
            %swap3A_272 = tpu.vector_load %arg28[%swap3A, %swap3A_271] {strides = array<i32>} : memref<80x64xf32, #tpu.memory_space<vmem>>, vector<16xf32>,
            tpu.vector_store %arg28[%swap3A, %swap3A_271], %add3A_255 {strides = array<i32>} : memref<80x64xf32, #tpu.memory_space<vmem>>, vector<16xf32>,
            %swap3A_273 = arith.index_cast %scan3A_160 : i32 to index
            %swap3A_274 = arith.constant 16 : index
            %swap3A_275 = tpu.vector_load %arg28[%swap3A_273, %swap3A_274] {strides = array<i32>} : memref<80x64xf32, #tpu.memory_space<vmem>>, vector<16xf32>,
            tpu.vector_store %arg28[%swap3A_273, %swap3A_274], %add3A_260 {strides = array<i32>} : memref<80x64xf32, #tpu.memory_space<vmem>>, vector<16xf32>,
            %swap3A_276 = arith.index_cast %scan3A_160 : i32 to index
            %swap3A_277 = arith.constant 32 : index
            %swap3A_278 = tpu.vector_load %arg28[%swap3A_276, %swap3A_277] {strides = array<i32>} : memref<80x64xf32, #tpu.memory_space<vmem>>, vector<16xf32>,
            tpu.vector_store %arg28[%swap3A_276, %swap3A_277], %add3A_265 {strides = array<i32>} : memref<80x64xf32, #tpu.memory_space<vmem>>, vector<16xf32>,
            %swap3A_279 = arith.index_cast %scan3A_160 : i32 to index
            %swap3A_280 = arith.constant 48 : index
            %swap3A_281 = tpu.vector_load %arg28[%swap3A_279, %swap3A_280] {strides = array<i32>} : memref<80x64xf32, #tpu.memory_space<vmem>>, vector<16xf32>,
            tpu.vector_store %arg28[%swap3A_279, %swap3A_280], %add3A_270 {strides = array<i32>} : memref<80x64xf32, #tpu.memory_space<vmem>>, vector<16xf32>,
            %scan3A_282 = arith.constant 0 : i32
            scf.yield %scan3A_282 : i32
          }
          %scan3A_156 = arith.constant 80 : i32
          %dma_start3A_157 = arith.constant 0 : i32
          %dma_start3A_158 = arith.constant 0 : i32
          %dma_start3A_159 = tpu.memref_slice %arg30[%dma_start3A_157, %dma_start3A_158] : memref<10000x64xf32, #tpu.memory_space<vmem_shared>> -> memref<10000x64xf32, #tpu.memory_space<vmem_shared>>
          tpu.enqueue_indirect_dma source(%arg28 : memref<80x64xf32, #tpu.memory_space<vmem>>) target(%dma_start3A_159 : memref<10000x64xf32, #tpu.memory_space<vmem_shared>>) offsets(%arg20 : memref<80xi32, #tpu.memory_space<vmem>>) semaphore(%arg34 : memref<!tpu.dma_semaphore, #tpu.memory_space<semaphore_mem>>) {add = true}
        } else {
        }
        %scan3A_104 = arith.constant 0 : i32
        scf.yield %scan3A_104 : i32
      }
      %scan3A_56 = arith.constant 63 : i32
      %dma_wait3A = arith.constant 0 : i32
      %dma_wait3A_57 = arith.constant 0 : i32
      %dma_wait3A_58 = tpu.memref_slice %arg30[%dma_wait3A, %dma_wait3A_57] : memref<10000x64xf32, #tpu.memory_space<vmem_shared>> -> memref<10000x64xf32, #tpu.memory_space<vmem_shared>>
      tpu.wait_indirect_dma semaphore(%arg33 : memref<!tpu.dma_semaphore, #tpu.memory_space<semaphore_mem>>) src(%arg17 : memref<80x64xf32, #tpu.memory_space<vmem>>) dst(%dma_wait3A_58 : memref<10000x64xf32, #tpu.memory_space<vmem_shared>>)
      %dma_wait3A_59 = arith.constant 0 : i32
      %dma_wait3A_60 = arith.constant 0 : i32
      %dma_wait3A_61 = tpu.memref_slice %arg30[%dma_wait3A_59, %dma_wait3A_60] : memref<10000x64xf32, #tpu.memory_space<vmem_shared>> -> memref<10000x64xf32, #tpu.memory_space<vmem_shared>>
      tpu.wait_indirect_dma semaphore(%arg34 : memref<!tpu.dma_semaphore, #tpu.memory_space<semaphore_mem>>) src(%arg28 : memref<80x64xf32, #tpu.memory_space<vmem>>) dst(%dma_wait3A_61 : memref<10000x64xf32, #tpu.memory_space<vmem_shared>>)
      %barrier3A_62 = arith.constant 0 : index
      tpu.barrier barrier_id(%barrier3A_62)
      %lt3A_63 = arith.constant 10 : i32
      %lt3A_64 = arith.cmpi slt, %arg1, %lt3A_63 : i32
      %convert_element_type3A_65 = arith.extui %lt3A_64 : i1 to i32
      %cond3A_66 = arith.constant 0 : i32
      %cond3A_67 = arith.cmpi ne, %convert_element_type3A_65, %cond3A_66 : i32
      scf.if %cond3A_67 {
        %mul3A_70 = arith.constant 1000 : i32
        %mul3A_71 = arith.muli %arg1, %mul3A_70 : i32
        %add3A_72 = arith.constant 0 : i32
        %add3A_73 = arith.addi %mul3A_71, %add3A_72 : i32
        "tpu.region"() ({
          %run_scoped3A = tpu.sem_alloc : memref<!tpu.dma_semaphore, #tpu.memory_space<semaphore_mem>>
          %dma_start3A_122 = arith.constant 0 : i32
          %dma_start3A_123 = tpu.memref_slice %arg30[%add3A_73, %dma_start3A_122] : memref<10000x64xf32, #tpu.memory_space<vmem_shared>> -> memref<200x64xf32, #tpu.memory_space<vmem_shared>>
          %dma_start3A_124 = arith.constant 0 : i32
          %dma_start3A_125 = tpu.memref_slice %arg30[%add3A_73, %dma_start3A_124] : memref<10000x64xf32, #tpu.memory_space<vmem_shared>> -> memref<200x64xf32, #tpu.memory_space<vmem_shared>>
          tpu.enqueue_dma source(%dma_start3A_125 : memref<200x64xf32, #tpu.memory_space<vmem_shared>>) target(%arg29 : memref<200x64xf32, #tpu.memory_space<vmem>>) target_semaphore(%run_scoped3A : memref<!tpu.dma_semaphore, #tpu.memory_space<semaphore_mem>>)
          %dma_wait3A_126 = arith.constant 0 : i32
          %dma_wait3A_127 = tpu.memref_slice %arg30[%add3A_73, %dma_wait3A_126] : memref<10000x64xf32, #tpu.memory_space<vmem_shared>> -> memref<200x64xf32, #tpu.memory_space<vmem_shared>>
          %dma_wait3A_128 = arith.constant 0 : i32
          %dma_wait3A_129 = tpu.memref_slice %arg30[%add3A_73, %dma_wait3A_128] : memref<10000x64xf32, #tpu.memory_space<vmem_shared>> -> memref<200x64xf32, #tpu.memory_space<vmem_shared>>
          tpu.wait_dma2 semaphore(%run_scoped3A : memref<!tpu.dma_semaphore, #tpu.memory_space<semaphore_mem>>) src(%dma_wait3A_129 : memref<200x64xf32, #tpu.memory_space<vmem_shared>>) dst(%arg29 : memref<200x64xf32, #tpu.memory_space<vmem>>)
          tpu.yield
        }) : () -> ()
        %mul3A_74 = arith.constant 2 : i32
        %mul3A_75 = arith.muli %scan3A_7, %mul3A_74 : i32
        %add3A_76 = arith.addi %mul3A_75, %arg0 : i32
        %mul3A_77 = arith.constant 10000 : i32
        %mul3A_78 = arith.muli %add3A_76, %mul3A_77 : i32
        %add3A_79 = arith.addi %mul3A_78, %mul3A_71 : i32
        %add3A_80 = arith.constant 0 : i32
        %add3A_81 = arith.addi %add3A_79, %add3A_80 : i32
        "tpu.region"() ({
          %run_scoped3A = tpu.sem_alloc : memref<!tpu.dma_semaphore, #tpu.memory_space<semaphore_mem>>
          %dma_start3A_122 = arith.constant 0 : i32
          %dma_start3A_123 = tpu.memref_slice %arg6[%add3A_81, %dma_start3A_122] : memref<40000x64xf32, #tpu.memory_space<hbm>> -> memref<200x64xf32, #tpu.memory_space<hbm>>
          %dma_start3A_124 = arith.constant 0 : i32
          %dma_start3A_125 = tpu.memref_slice %arg6[%add3A_81, %dma_start3A_124] : memref<40000x64xf32, #tpu.memory_space<hbm>> -> memref<200x64xf32, #tpu.memory_space<hbm>>
          tpu.enqueue_dma source(%arg29 : memref<200x64xf32, #tpu.memory_space<vmem>>) target(%dma_start3A_125 : memref<200x64xf32, #tpu.memory_space<hbm>>) target_semaphore(%run_scoped3A : memref<!tpu.dma_semaphore, #tpu.memory_space<semaphore_mem>>)
          %dma_wait3A_126 = arith.constant 0 : i32
          %dma_wait3A_127 = tpu.memref_slice %arg6[%add3A_81, %dma_wait3A_126] : memref<40000x64xf32, #tpu.memory_space<hbm>> -> memref<200x64xf32, #tpu.memory_space<hbm>>
          %dma_wait3A_128 = arith.constant 0 : i32
          %dma_wait3A_129 = tpu.memref_slice %arg6[%add3A_81, %dma_wait3A_128] : memref<40000x64xf32, #tpu.memory_space<hbm>> -> memref<200x64xf32, #tpu.memory_space<hbm>>
          tpu.wait_dma2 semaphore(%run_scoped3A : memref<!tpu.dma_semaphore, #tpu.memory_space<semaphore_mem>>) src(%arg29 : memref<200x64xf32, #tpu.memory_space<vmem>>) dst(%dma_wait3A_129 : memref<200x64xf32, #tpu.memory_space<hbm>>)
          tpu.yield
        }) : () -> ()
        %add3A_82 = arith.constant 200 : i32
        %add3A_83 = arith.addi %mul3A_71, %add3A_82 : i32
        "tpu.region"() ({
          %run_scoped3A = tpu.sem_alloc : memref<!tpu.dma_semaphore, #tpu.memory_space<semaphore_mem>>
          %dma_start3A_122 = arith.constant 0 : i32
          %dma_start3A_123 = tpu.memref_slice %arg30[%add3A_83, %dma_start3A_122] : memref<10000x64xf32, #tpu.memory_space<vmem_shared>> -> memref<200x64xf32, #tpu.memory_space<vmem_shared>>
          %dma_start3A_124 = arith.constant 0 : i32
          %dma_start3A_125 = tpu.memref_slice %arg30[%add3A_83, %dma_start3A_124] : memref<10000x64xf32, #tpu.memory_space<vmem_shared>> -> memref<200x64xf32, #tpu.memory_space<vmem_shared>>
          tpu.enqueue_dma source(%dma_start3A_125 : memref<200x64xf32, #tpu.memory_space<vmem_shared>>) target(%arg29 : memref<200x64xf32, #tpu.memory_space<vmem>>) target_semaphore(%run_scoped3A : memref<!tpu.dma_semaphore, #tpu.memory_space<semaphore_mem>>)
          %dma_wait3A_126 = arith.constant 0 : i32
          %dma_wait3A_127 = tpu.memref_slice %arg30[%add3A_83, %dma_wait3A_126] : memref<10000x64xf32, #tpu.memory_space<vmem_shared>> -> memref<200x64xf32, #tpu.memory_space<vmem_shared>>
          %dma_wait3A_128 = arith.constant 0 : i32
          %dma_wait3A_129 = tpu.memref_slice %arg30[%add3A_83, %dma_wait3A_128] : memref<10000x64xf32, #tpu.memory_space<vmem_shared>> -> memref<200x64xf32, #tpu.memory_space<vmem_shared>>
          tpu.wait_dma2 semaphore(%run_scoped3A : memref<!tpu.dma_semaphore, #tpu.memory_space<semaphore_mem>>) src(%dma_wait3A_129 : memref<200x64xf32, #tpu.memory_space<vmem_shared>>) dst(%arg29 : memref<200x64xf32, #tpu.memory_space<vmem>>)
          tpu.yield
        }) : () -> ()
        %mul3A_84 = arith.constant 2 : i32
        %mul3A_85 = arith.muli %scan3A_7, %mul3A_84 : i32
        %add3A_86 = arith.addi %mul3A_85, %arg0 : i32
        %mul3A_87 = arith.constant 10000 : i32
        %mul3A_88 = arith.muli %add3A_86, %mul3A_87 : i32
        %add3A_89 = arith.addi %mul3A_88, %mul3A_71 : i32
        %add3A_90 = arith.constant 200 : i32
        %add3A_91 = arith.addi %add3A_89, %add3A_90 : i32
        "tpu.region"() ({
          %run_scoped3A = tpu.sem_alloc : memref<!tpu.dma_semaphore, #tpu.memory_space<semaphore_mem>>
          %dma_start3A_122 = arith.constant 0 : i32
          %dma_start3A_123 = tpu.memref_slice %arg6[%add3A_91, %dma_start3A_122] : memref<40000x64xf32, #tpu.memory_space<hbm>> -> memref<200x64xf32, #tpu.memory_space<hbm>>
          %dma_start3A_124 = arith.constant 0 : i32
          %dma_start3A_125 = tpu.memref_slice %arg6[%add3A_91, %dma_start3A_124] : memref<40000x64xf32, #tpu.memory_space<hbm>> -> memref<200x64xf32, #tpu.memory_space<hbm>>
          tpu.enqueue_dma source(%arg29 : memref<200x64xf32, #tpu.memory_space<vmem>>) target(%dma_start3A_125 : memref<200x64xf32, #tpu.memory_space<hbm>>) target_semaphore(%run_scoped3A : memref<!tpu.dma_semaphore, #tpu.memory_space<semaphore_mem>>)
          %dma_wait3A_126 = arith.constant 0 : i32
          %dma_wait3A_127 = tpu.memref_slice %arg6[%add3A_91, %dma_wait3A_126] : memref<40000x64xf32, #tpu.memory_space<hbm>> -> memref<200x64xf32, #tpu.memory_space<hbm>>
          %dma_wait3A_128 = arith.constant 0 : i32
          %dma_wait3A_129 = tpu.memref_slice %arg6[%add3A_91, %dma_wait3A_128] : memref<40000x64xf32, #tpu.memory_space<hbm>> -> memref<200x64xf32, #tpu.memory_space<hbm>>
          tpu.wait_dma2 semaphore(%run_scoped3A : memref<!tpu.dma_semaphore, #tpu.memory_space<semaphore_mem>>) src(%arg29 : memref<200x64xf32, #tpu.memory_space<vmem>>) dst(%dma_wait3A_129 : memref<200x64xf32, #tpu.memory_space<hbm>>)
          tpu.yield
        }) : () -> ()
        %add3A_92 = arith.constant 400 : i32
        %add3A_93 = arith.addi %mul3A_71, %add3A_92 : i32
        "tpu.region"() ({
          %run_scoped3A = tpu.sem_alloc : memref<!tpu.dma_semaphore, #tpu.memory_space<semaphore_mem>>
          %dma_start3A_122 = arith.constant 0 : i32
          %dma_start3A_123 = tpu.memref_slice %arg30[%add3A_93, %dma_start3A_122] : memref<10000x64xf32, #tpu.memory_space<vmem_shared>> -> memref<200x64xf32, #tpu.memory_space<vmem_shared>>
          %dma_start3A_124 = arith.constant 0 : i32
          %dma_start3A_125 = tpu.memref_slice %arg30[%add3A_93, %dma_start3A_124] : memref<10000x64xf32, #tpu.memory_space<vmem_shared>> -> memref<200x64xf32, #tpu.memory_space<vmem_shared>>
          tpu.enqueue_dma source(%dma_start3A_125 : memref<200x64xf32, #tpu.memory_space<vmem_shared>>) target(%arg29 : memref<200x64xf32, #tpu.memory_space<vmem>>) target_semaphore(%run_scoped3A : memref<!tpu.dma_semaphore, #tpu.memory_space<semaphore_mem>>)
          %dma_wait3A_126 = arith.constant 0 : i32
          %dma_wait3A_127 = tpu.memref_slice %arg30[%add3A_93, %dma_wait3A_126] : memref<10000x64xf32, #tpu.memory_space<vmem_shared>> -> memref<200x64xf32, #tpu.memory_space<vmem_shared>>
          %dma_wait3A_128 = arith.constant 0 : i32
          %dma_wait3A_129 = tpu.memref_slice %arg30[%add3A_93, %dma_wait3A_128] : memref<10000x64xf32, #tpu.memory_space<vmem_shared>> -> memref<200x64xf32, #tpu.memory_space<vmem_shared>>
          tpu.wait_dma2 semaphore(%run_scoped3A : memref<!tpu.dma_semaphore, #tpu.memory_space<semaphore_mem>>) src(%dma_wait3A_129 : memref<200x64xf32, #tpu.memory_space<vmem_shared>>) dst(%arg29 : memref<200x64xf32, #tpu.memory_space<vmem>>)
          tpu.yield
        }) : () -> ()
        %mul3A_94 = arith.constant 2 : i32
        %mul3A_95 = arith.muli %scan3A_7, %mul3A_94 : i32
        %add3A_96 = arith.addi %mul3A_95, %arg0 : i32
        %mul3A_97 = arith.constant 10000 : i32
        %mul3A_98 = arith.muli %add3A_96, %mul3A_97 : i32
        %add3A_99 = arith.addi %mul3A_98, %mul3A_71 : i32
        %add3A_100 = arith.constant 400 : i32
        %add3A_101 = arith.addi %add3A_99, %add3A_100 : i32
        "tpu.region"() ({
          %run_scoped3A = tpu.sem_alloc : memref<!tpu.dma_semaphore, #tpu.memory_space<semaphore_mem>>
          %dma_start3A_122 = arith.constant 0 : i32
          %dma_start3A_123 = tpu.memref_slice %arg6[%add3A_101, %dma_start3A_122] : memref<40000x64xf32, #tpu.memory_space<hbm>> -> memref<200x64xf32, #tpu.memory_space<hbm>>
          %dma_start3A_124 = arith.constant 0 : i32
          %dma_start3A_125 = tpu.memref_slice %arg6[%add3A_101, %dma_start3A_124] : memref<40000x64xf32, #tpu.memory_space<hbm>> -> memref<200x64xf32, #tpu.memory_space<hbm>>
          tpu.enqueue_dma source(%arg29 : memref<200x64xf32, #tpu.memory_space<vmem>>) target(%dma_start3A_125 : memref<200x64xf32, #tpu.memory_space<hbm>>) target_semaphore(%run_scoped3A : memref<!tpu.dma_semaphore, #tpu.memory_space<semaphore_mem>>)
          %dma_wait3A_126 = arith.constant 0 : i32
          %dma_wait3A_127 = tpu.memref_slice %arg6[%add3A_101, %dma_wait3A_126] : memref<40000x64xf32, #tpu.memory_space<hbm>> -> memref<200x64xf32, #tpu.memory_space<hbm>>
          %dma_wait3A_128 = arith.constant 0 : i32
          %dma_wait3A_129 = tpu.memref_slice %arg6[%add3A_101, %dma_wait3A_128] : memref<40000x64xf32, #tpu.memory_space<hbm>> -> memref<200x64xf32, #tpu.memory_space<hbm>>
          tpu.wait_dma2 semaphore(%run_scoped3A : memref<!tpu.dma_semaphore, #tpu.memory_space<semaphore_mem>>) src(%arg29 : memref<200x64xf32, #tpu.memory_space<vmem>>) dst(%dma_wait3A_129 : memref<200x64xf32, #tpu.memory_space<hbm>>)
          tpu.yield
        }) : () -> ()
        %add3A_102 = arith.constant 600 : i32
        %add3A_103 = arith.addi %mul3A_71, %add3A_102 : i32
        "tpu.region"() ({
          %run_scoped3A = tpu.sem_alloc : memref<!tpu.dma_semaphore, #tpu.memory_space<semaphore_mem>>
          %dma_start3A_122 = arith.constant 0 : i32
          %dma_start3A_123 = tpu.memref_slice %arg30[%add3A_103, %dma_start3A_122] : memref<10000x64xf32, #tpu.memory_space<vmem_shared>> -> memref<200x64xf32, #tpu.memory_space<vmem_shared>>
          %dma_start3A_124 = arith.constant 0 : i32
          %dma_start3A_125 = tpu.memref_slice %arg30[%add3A_103, %dma_start3A_124] : memref<10000x64xf32, #tpu.memory_space<vmem_shared>> -> memref<200x64xf32, #tpu.memory_space<vmem_shared>>
          tpu.enqueue_dma source(%dma_start3A_125 : memref<200x64xf32, #tpu.memory_space<vmem_shared>>) target(%arg29 : memref<200x64xf32, #tpu.memory_space<vmem>>) target_semaphore(%run_scoped3A : memref<!tpu.dma_semaphore, #tpu.memory_space<semaphore_mem>>)
          %dma_wait3A_126 = arith.constant 0 : i32
          %dma_wait3A_127 = tpu.memref_slice %arg30[%add3A_103, %dma_wait3A_126] : memref<10000x64xf32, #tpu.memory_space<vmem_shared>> -> memref<200x64xf32, #tpu.memory_space<vmem_shared>>
          %dma_wait3A_128 = arith.constant 0 : i32
          %dma_wait3A_129 = tpu.memref_slice %arg30[%add3A_103, %dma_wait3A_128] : memref<10000x64xf32, #tpu.memory_space<vmem_shared>> -> memref<200x64xf32, #tpu.memory_space<vmem_shared>>
          tpu.wait_dma2 semaphore(%run_scoped3A : memref<!tpu.dma_semaphore, #tpu.memory_space<semaphore_mem>>) src(%dma_wait3A_129 : memref<200x64xf32, #tpu.memory_space<vmem_shared>>) dst(%arg29 : memref<200x64xf32, #tpu.memory_space<vmem>>)
          tpu.yield
        }) : () -> ()
        %mul3A_104 = arith.constant 2 : i32
        %mul3A_105 = arith.muli %scan3A_7, %mul3A_104 : i32
        %add3A_106 = arith.addi %mul3A_105, %arg0 : i32
        %mul3A_107 = arith.constant 10000 : i32
        %mul3A_108 = arith.muli %add3A_106, %mul3A_107 : i32
        %add3A_109 = arith.addi %mul3A_108, %mul3A_71 : i32
        %add3A_110 = arith.constant 600 : i32
        %add3A_111 = arith.addi %add3A_109, %add3A_110 : i32
        "tpu.region"() ({
          %run_scoped3A = tpu.sem_alloc : memref<!tpu.dma_semaphore, #tpu.memory_space<semaphore_mem>>
          %dma_start3A_122 = arith.constant 0 : i32
          %dma_start3A_123 = tpu.memref_slice %arg6[%add3A_111, %dma_start3A_122] : memref<40000x64xf32, #tpu.memory_space<hbm>> -> memref<200x64xf32, #tpu.memory_space<hbm>>
          %dma_start3A_124 = arith.constant 0 : i32
          %dma_start3A_125 = tpu.memref_slice %arg6[%add3A_111, %dma_start3A_124] : memref<40000x64xf32, #tpu.memory_space<hbm>> -> memref<200x64xf32, #tpu.memory_space<hbm>>
          tpu.enqueue_dma source(%arg29 : memref<200x64xf32, #tpu.memory_space<vmem>>) target(%dma_start3A_125 : memref<200x64xf32, #tpu.memory_space<hbm>>) target_semaphore(%run_scoped3A : memref<!tpu.dma_semaphore, #tpu.memory_space<semaphore_mem>>)
          %dma_wait3A_126 = arith.constant 0 : i32
          %dma_wait3A_127 = tpu.memref_slice %arg6[%add3A_111, %dma_wait3A_126] : memref<40000x64xf32, #tpu.memory_space<hbm>> -> memref<200x64xf32, #tpu.memory_space<hbm>>
          %dma_wait3A_128 = arith.constant 0 : i32
          %dma_wait3A_129 = tpu.memref_slice %arg6[%add3A_111, %dma_wait3A_128] : memref<40000x64xf32, #tpu.memory_space<hbm>> -> memref<200x64xf32, #tpu.memory_space<hbm>>
          tpu.wait_dma2 semaphore(%run_scoped3A : memref<!tpu.dma_semaphore, #tpu.memory_space<semaphore_mem>>) src(%arg29 : memref<200x64xf32, #tpu.memory_space<vmem>>) dst(%dma_wait3A_129 : memref<200x64xf32, #tpu.memory_space<hbm>>)
          tpu.yield
        }) : () -> ()
        %add3A_112 = arith.constant 800 : i32
        %add3A_113 = arith.addi %mul3A_71, %add3A_112 : i32
        "tpu.region"() ({
          %run_scoped3A = tpu.sem_alloc : memref<!tpu.dma_semaphore, #tpu.memory_space<semaphore_mem>>
          %dma_start3A_122 = arith.constant 0 : i32
          %dma_start3A_123 = tpu.memref_slice %arg30[%add3A_113, %dma_start3A_122] : memref<10000x64xf32, #tpu.memory_space<vmem_shared>> -> memref<200x64xf32, #tpu.memory_space<vmem_shared>>
          %dma_start3A_124 = arith.constant 0 : i32
          %dma_start3A_125 = tpu.memref_slice %arg30[%add3A_113, %dma_start3A_124] : memref<10000x64xf32, #tpu.memory_space<vmem_shared>> -> memref<200x64xf32, #tpu.memory_space<vmem_shared>>
          tpu.enqueue_dma source(%dma_start3A_125 : memref<200x64xf32, #tpu.memory_space<vmem_shared>>) target(%arg29 : memref<200x64xf32, #tpu.memory_space<vmem>>) target_semaphore(%run_scoped3A : memref<!tpu.dma_semaphore, #tpu.memory_space<semaphore_mem>>)
          %dma_wait3A_126 = arith.constant 0 : i32
          %dma_wait3A_127 = tpu.memref_slice %arg30[%add3A_113, %dma_wait3A_126] : memref<10000x64xf32, #tpu.memory_space<vmem_shared>> -> memref<200x64xf32, #tpu.memory_space<vmem_shared>>
          %dma_wait3A_128 = arith.constant 0 : i32
          %dma_wait3A_129 = tpu.memref_slice %arg30[%add3A_113, %dma_wait3A_128] : memref<10000x64xf32, #tpu.memory_space<vmem_shared>> -> memref<200x64xf32, #tpu.memory_space<vmem_shared>>
          tpu.wait_dma2 semaphore(%run_scoped3A : memref<!tpu.dma_semaphore, #tpu.memory_space<semaphore_mem>>) src(%dma_wait3A_129 : memref<200x64xf32, #tpu.memory_space<vmem_shared>>) dst(%arg29 : memref<200x64xf32, #tpu.memory_space<vmem>>)
          tpu.yield
        }) : () -> ()
        %mul3A_114 = arith.constant 2 : i32
        %mul3A_115 = arith.muli %scan3A_7, %mul3A_114 : i32
        %add3A_116 = arith.addi %mul3A_115, %arg0 : i32
        %mul3A_117 = arith.constant 10000 : i32
        %mul3A_118 = arith.muli %add3A_116, %mul3A_117 : i32
        %add3A_119 = arith.addi %mul3A_118, %mul3A_71 : i32
        %add3A_120 = arith.constant 800 : i32
        %add3A_121 = arith.addi %add3A_119, %add3A_120 : i32
        "tpu.region"() ({
          %run_scoped3A = tpu.sem_alloc : memref<!tpu.dma_semaphore, #tpu.memory_space<semaphore_mem>>
          %dma_start3A_122 = arith.constant 0 : i32
          %dma_start3A_123 = tpu.memref_slice %arg6[%add3A_121, %dma_start3A_122] : memref<40000x64xf32, #tpu.memory_space<hbm>> -> memref<200x64xf32, #tpu.memory_space<hbm>>
          %dma_start3A_124 = arith.constant 0 : i32
          %dma_start3A_125 = tpu.memref_slice %arg6[%add3A_121, %dma_start3A_124] : memref<40000x64xf32, #tpu.memory_space<hbm>> -> memref<200x64xf32, #tpu.memory_space<hbm>>
          tpu.enqueue_dma source(%arg29 : memref<200x64xf32, #tpu.memory_space<vmem>>) target(%dma_start3A_125 : memref<200x64xf32, #tpu.memory_space<hbm>>) target_semaphore(%run_scoped3A : memref<!tpu.dma_semaphore, #tpu.memory_space<semaphore_mem>>)
          %dma_wait3A_126 = arith.constant 0 : i32
          %dma_wait3A_127 = tpu.memref_slice %arg6[%add3A_121, %dma_wait3A_126] : memref<40000x64xf32, #tpu.memory_space<hbm>> -> memref<200x64xf32, #tpu.memory_space<hbm>>
          %dma_wait3A_128 = arith.constant 0 : i32
          %dma_wait3A_129 = tpu.memref_slice %arg6[%add3A_121, %dma_wait3A_128] : memref<40000x64xf32, #tpu.memory_space<hbm>> -> memref<200x64xf32, #tpu.memory_space<hbm>>
          tpu.wait_dma2 semaphore(%run_scoped3A : memref<!tpu.dma_semaphore, #tpu.memory_space<semaphore_mem>>) src(%arg29 : memref<200x64xf32, #tpu.memory_space<vmem>>) dst(%dma_wait3A_129 : memref<200x64xf32, #tpu.memory_space<hbm>>)
          tpu.yield
        }) : () -> ()
      } else {
      }
      %barrier3A_68 = arith.constant 0 : index
      tpu.barrier barrier_id(%barrier3A_68)
      %scan3A_69 = arith.constant 0 : i32
      scf.yield %scan3A_69 : i32
    }
    %scan3A_6 = arith.constant 2 : i32
    return
  }
}

#map = affine_map<(d0, d1) -> (0, 0)>
#map1 = affine_map<(d0, d1) -> (0)>
module attributes {stable_mosaic.version = 14 : i64} {
  func.func @_sc1_body(%arg0: i32, %arg1: i32, %arg2: memref<2x320000xi32, #tpu.memory_space<hbm>>, %arg3: memref<320000x16xf32, #tpu.memory_space<hbm>>, %arg4: memref<10000x16xf32, #tpu.memory_space<hbm>>, %arg5: memref<10000x16xf32, #tpu.memory_space<hbm>>, %arg6: memref<1280000xf32, #tpu.memory_space<hbm>>, %arg7: memref<20000x16xf32, #tpu.memory_space<hbm>>, %arg8: memref<2x80xi32, #tpu.memory_space<vmem>>, %arg9: memref<80x16xf32, #tpu.memory_space<vmem>>, %arg10: memref<80x16xf32, #tpu.memory_space<vmem>>, %arg11: memref<80x16xf32, #tpu.memory_space<vmem>>, %arg12: memref<80x16xf32, #tpu.memory_space<vmem>>, %arg13: memref<320xf32, #tpu.memory_space<vmem>>, %arg14: memref<80xi32, #tpu.memory_space<vmem>>, %arg15: memref<2x80xi32, #tpu.memory_space<vmem>>, %arg16: memref<80x16xf32, #tpu.memory_space<vmem>>, %arg17: memref<80x16xf32, #tpu.memory_space<vmem>>, %arg18: memref<80x16xf32, #tpu.memory_space<vmem>>, %arg19: memref<80x16xf32, #tpu.memory_space<vmem>>, %arg20: memref<320xf32, #tpu.memory_space<vmem>>, %arg21: memref<80xi32, #tpu.memory_space<vmem>>, %arg22: memref<1000x16xf32, #tpu.memory_space<vmem>>, %arg23: memref<10000x16xf32, #tpu.memory_space<vmem_shared>>, %arg24: memref<!tpu.dma_semaphore, #tpu.memory_space<semaphore_mem>>, %arg25: memref<!tpu.dma_semaphore, #tpu.memory_space<semaphore_mem>>, %arg26: memref<!tpu.dma_semaphore, #tpu.memory_space<semaphore_mem>>, %arg27: memref<!tpu.dma_semaphore, #tpu.memory_space<semaphore_mem>>, %arg28: memref<!tpu.dma_semaphore, #tpu.memory_space<semaphore_mem>>, %arg29: memref<!tpu.dma_semaphore, #tpu.memory_space<semaphore_mem>>) attributes {dimension_semantics = [#tpu.dimension_semantics<core_parallel>, #tpu.dimension_semantics<subcore_parallel>], iteration_bounds = array<i64: 2, 16>, scalar_prefetch = 0 : i64, scratch_operands = 22 : i64, tpu.core_type = #tpu.core_type<sc_vector_subcore>, window_params = [{transform_indices = #map}, {transform_indices = #map}, {transform_indices = #map}, {transform_indices = #map}, {transform_indices = #map1}, {transform_indices = #map}]} {
    %mul3A = arith.constant 2 : i32
    %mul3A_0 = arith.muli %arg1, %mul3A : i32
    %add3A = arith.addi %mul3A_0, %arg0 : i32
    %iota3A = tpu.iota {dimensions = array<i32: 0>} : vector<16xi32>
    %lt3A = arith.constant 10 : i32
    %lt3A_1 = arith.cmpi slt, %arg1, %lt3A : i32
    %convert_element_type3A = arith.extui %lt3A_1 : i1 to i32
    %cond3A = arith.constant 0 : i32
    %cond3A_2 = arith.cmpi ne, %convert_element_type3A, %cond3A : i32
    scf.if %cond3A_2 {
      %scan3A_45 = arith.constant 0 : i32
      %scan3A_46 = arith.constant 0 : i32
      %scan3A_47 = arith.constant 1000 : i32
      %scan3A_48 = arith.addi %scan3A_46, %scan3A_47 : i32
      %scan3A_49 = arith.constant 1 : i32
      %scan3A_50 = scf.for %scan3A_54 = %scan3A_46 to %scan3A_48 step %scan3A_49 iter_args(%scan3A_55 = %scan3A_45) -> (i32)  : i32 {
        %broadcast_in_dim3A = arith.constant 0.000000e+00 : f32
        %broadcast_in_dim3A_56 = vector.broadcast %broadcast_in_dim3A : f32 to vector<16xf32>
        %swap3A = arith.index_cast %scan3A_54 : i32 to index
        %swap3A_57 = arith.constant 0 : index
        %swap3A_58 = tpu.vector_load %arg22[%swap3A, %swap3A_57] {strides = array<i32>} : memref<1000x16xf32, #tpu.memory_space<vmem>>, vector<16xf32>,
        tpu.vector_store %arg22[%swap3A, %swap3A_57], %broadcast_in_dim3A_56 {strides = array<i32>} : memref<1000x16xf32, #tpu.memory_space<vmem>>, vector<16xf32>,
        %scan3A_59 = arith.constant 0 : i32
        scf.yield %scan3A_59 : i32
      }
      %scan3A_51 = arith.constant 1000 : i32
      %mul3A_52 = arith.constant 1000 : i32
      %mul3A_53 = arith.muli %arg1, %mul3A_52 : i32
      "tpu.region"() ({
        %run_scoped3A = tpu.sem_alloc : memref<!tpu.dma_semaphore, #tpu.memory_space<semaphore_mem>>
        %dma_start3A_54 = arith.constant 0 : i32
        %dma_start3A_55 = tpu.memref_slice %arg23[%mul3A_53, %dma_start3A_54] : memref<10000x16xf32, #tpu.memory_space<vmem_shared>> -> memref<1000x16xf32, #tpu.memory_space<vmem_shared>>
        %dma_start3A_56 = arith.constant 0 : i32
        %dma_start3A_57 = tpu.memref_slice %arg23[%mul3A_53, %dma_start3A_56] : memref<10000x16xf32, #tpu.memory_space<vmem_shared>> -> memref<1000x16xf32, #tpu.memory_space<vmem_shared>>
        tpu.enqueue_dma source(%arg22 : memref<1000x16xf32, #tpu.memory_space<vmem>>) target(%dma_start3A_57 : memref<1000x16xf32, #tpu.memory_space<vmem_shared>>) target_semaphore(%run_scoped3A : memref<!tpu.dma_semaphore, #tpu.memory_space<semaphore_mem>>)
        %dma_wait3A_58 = arith.constant 0 : i32
        %dma_wait3A_59 = tpu.memref_slice %arg23[%mul3A_53, %dma_wait3A_58] : memref<10000x16xf32, #tpu.memory_space<vmem_shared>> -> memref<1000x16xf32, #tpu.memory_space<vmem_shared>>
        %dma_wait3A_60 = arith.constant 0 : i32
        %dma_wait3A_61 = tpu.memref_slice %arg23[%mul3A_53, %dma_wait3A_60] : memref<10000x16xf32, #tpu.memory_space<vmem_shared>> -> memref<1000x16xf32, #tpu.memory_space<vmem_shared>>
        tpu.wait_dma2 semaphore(%run_scoped3A : memref<!tpu.dma_semaphore, #tpu.memory_space<semaphore_mem>>) src(%arg22 : memref<1000x16xf32, #tpu.memory_space<vmem>>) dst(%dma_wait3A_61 : memref<1000x16xf32, #tpu.memory_space<vmem_shared>>)
        tpu.yield
      }) : () -> ()
    } else {
    }
    %barrier3A = arith.constant 0 : index
    tpu.barrier barrier_id(%barrier3A)
    %mul3A_3 = arith.constant 10000 : i32
    %mul3A_4 = arith.muli %add3A, %mul3A_3 : i32
    %add3A_5 = arith.constant 0 : i32
    %add3A_6 = arith.addi %mul3A_4, %add3A_5 : i32
    "tpu.region"() ({
      %run_scoped3A = tpu.sem_alloc : memref<!tpu.dma_semaphore, #tpu.memory_space<semaphore_mem>>
      %dma_start3A_45 = arith.constant 0 : i32
      %dma_start3A_46 = tpu.memref_slice %arg2[%dma_start3A_45, %add3A_6] : memref<2x320000xi32, #tpu.memory_space<hbm>> -> memref<2x80xi32, #tpu.memory_space<hbm>>
      %dma_start3A_47 = arith.constant 0 : i32
      %dma_start3A_48 = tpu.memref_slice %arg2[%dma_start3A_47, %add3A_6] : memref<2x320000xi32, #tpu.memory_space<hbm>> -> memref<2x80xi32, #tpu.memory_space<hbm>>
      tpu.enqueue_dma source(%dma_start3A_48 : memref<2x80xi32, #tpu.memory_space<hbm>>) target(%arg8 : memref<2x80xi32, #tpu.memory_space<vmem>>) target_semaphore(%run_scoped3A : memref<!tpu.dma_semaphore, #tpu.memory_space<semaphore_mem>>)
      %dma_wait3A_49 = arith.constant 0 : i32
      %dma_wait3A_50 = tpu.memref_slice %arg2[%dma_wait3A_49, %add3A_6] : memref<2x320000xi32, #tpu.memory_space<hbm>> -> memref<2x80xi32, #tpu.memory_space<hbm>>
      %dma_wait3A_51 = arith.constant 0 : i32
      %dma_wait3A_52 = tpu.memref_slice %arg2[%dma_wait3A_51, %add3A_6] : memref<2x320000xi32, #tpu.memory_space<hbm>> -> memref<2x80xi32, #tpu.memory_space<hbm>>
      tpu.wait_dma2 semaphore(%run_scoped3A : memref<!tpu.dma_semaphore, #tpu.memory_space<semaphore_mem>>) src(%dma_wait3A_52 : memref<2x80xi32, #tpu.memory_space<hbm>>) dst(%arg8 : memref<2x80xi32, #tpu.memory_space<vmem>>)
      tpu.yield
    }) : () -> ()
    "tpu.region"() ({
      %run_scoped3A = tpu.sem_alloc : memref<!tpu.dma_semaphore, #tpu.memory_space<semaphore_mem>>
      %dma_start3A_45 = arith.constant 0 : i32
      %dma_start3A_46 = tpu.memref_slice %arg3[%add3A_6, %dma_start3A_45] : memref<320000x16xf32, #tpu.memory_space<hbm>> -> memref<80x16xf32, #tpu.memory_space<hbm>>
      %dma_start3A_47 = arith.constant 0 : i32
      %dma_start3A_48 = tpu.memref_slice %arg3[%add3A_6, %dma_start3A_47] : memref<320000x16xf32, #tpu.memory_space<hbm>> -> memref<80x16xf32, #tpu.memory_space<hbm>>
      tpu.enqueue_dma source(%dma_start3A_48 : memref<80x16xf32, #tpu.memory_space<hbm>>) target(%arg9 : memref<80x16xf32, #tpu.memory_space<vmem>>) target_semaphore(%run_scoped3A : memref<!tpu.dma_semaphore, #tpu.memory_space<semaphore_mem>>)
      %dma_wait3A_49 = arith.constant 0 : i32
      %dma_wait3A_50 = tpu.memref_slice %arg3[%add3A_6, %dma_wait3A_49] : memref<320000x16xf32, #tpu.memory_space<hbm>> -> memref<80x16xf32, #tpu.memory_space<hbm>>
      %dma_wait3A_51 = arith.constant 0 : i32
      %dma_wait3A_52 = tpu.memref_slice %arg3[%add3A_6, %dma_wait3A_51] : memref<320000x16xf32, #tpu.memory_space<hbm>> -> memref<80x16xf32, #tpu.memory_space<hbm>>
      tpu.wait_dma2 semaphore(%run_scoped3A : memref<!tpu.dma_semaphore, #tpu.memory_space<semaphore_mem>>) src(%dma_wait3A_52 : memref<80x16xf32, #tpu.memory_space<hbm>>) dst(%arg9 : memref<80x16xf32, #tpu.memory_space<vmem>>)
      tpu.yield
    }) : () -> ()
    %dma_start3A = arith.constant 0 : i32
    %dma_start3A_7 = arith.constant 0 : i32
    %dma_start3A_8 = tpu.memref_slice %arg8[%dma_start3A, %dma_start3A_7] : memref<2x80xi32, #tpu.memory_space<vmem>> -> memref<1x80xi32, #tpu.memory_space<vmem>>
    %dma_start3A_9 = tpu.memref_squeeze %dma_start3A_8 : memref<1x80xi32, #tpu.memory_space<vmem>> -> memref<80xi32, #tpu.memory_space<vmem>>
    %dma_start3A_10 = arith.constant 0 : i32
    %dma_start3A_11 = arith.constant 0 : i32
    %dma_start3A_12 = tpu.memref_slice %arg4[%dma_start3A_10, %dma_start3A_11] : memref<10000x16xf32, #tpu.memory_space<hbm>> -> memref<10000x16xf32, #tpu.memory_space<hbm>>
    tpu.enqueue_indirect_dma source(%dma_start3A_12 : memref<10000x16xf32, #tpu.memory_space<hbm>>) target(%arg10 : memref<80x16xf32, #tpu.memory_space<vmem>>) offsets(%dma_start3A_9 : memref<80xi32, #tpu.memory_space<vmem>>) semaphore(%arg24 : memref<!tpu.dma_semaphore, #tpu.memory_space<semaphore_mem>>)
    %dma_start3A_13 = arith.constant 1 : i32
    %dma_start3A_14 = arith.constant 0 : i32
    %dma_start3A_15 = tpu.memref_slice %arg8[%dma_start3A_13, %dma_start3A_14] : memref<2x80xi32, #tpu.memory_space<vmem>> -> memref<1x80xi32, #tpu.memory_space<vmem>>
    %dma_start3A_16 = tpu.memref_squeeze %dma_start3A_15 : memref<1x80xi32, #tpu.memory_space<vmem>> -> memref<80xi32, #tpu.memory_space<vmem>>
    %dma_start3A_17 = arith.constant 0 : i32
    %dma_start3A_18 = arith.constant 0 : i32
    %dma_start3A_19 = tpu.memref_slice %arg5[%dma_start3A_17, %dma_start3A_18] : memref<10000x16xf32, #tpu.memory_space<hbm>> -> memref<10000x16xf32, #tpu.memory_space<hbm>>
    tpu.enqueue_indirect_dma source(%dma_start3A_19 : memref<10000x16xf32, #tpu.memory_space<hbm>>) target(%arg11 : memref<80x16xf32, #tpu.memory_space<vmem>>) offsets(%dma_start3A_16 : memref<80xi32, #tpu.memory_space<vmem>>) semaphore(%arg24 : memref<!tpu.dma_semaphore, #tpu.memory_space<semaphore_mem>>)
    %scan3A = arith.constant 0 : i32
    %scan3A_20 = arith.constant 0 : i32
    %scan3A_21 = arith.constant 63 : i32
    %scan3A_22 = arith.addi %scan3A_20, %scan3A_21 : i32
    %scan3A_23 = arith.constant 1 : i32
    %scan3A_24 = scf.for %scan3A_45 = %scan3A_20 to %scan3A_22 step %scan3A_23 iter_args(%scan3A_46 = %scan3A) -> (i32)  : i32 {
      %mul3A_47 = arith.constant 2 : i32
      %mul3A_48 = arith.muli %mul3A_47, %scan3A_45 : i32
      %add3A_49 = arith.constant 0 : i32
      %add3A_50 = arith.addi %mul3A_48, %add3A_49 : i32
      %add3A_51 = arith.constant 1 : i32
      %add3A_52 = arith.addi %add3A_50, %add3A_51 : i32
      %lt3A_53 = arith.constant 125 : i32
      %lt3A_54 = arith.cmpi slt, %add3A_52, %lt3A_53 : i32
      %convert_element_type3A_55 = arith.extui %lt3A_54 : i1 to i32
      %cond3A_56 = arith.constant 0 : i32
      %cond3A_57 = arith.cmpi ne, %convert_element_type3A_55, %cond3A_56 : i32
      scf.if %cond3A_57 {
        %add3A_80 = arith.constant 1 : i32
        %add3A_81 = arith.addi %add3A_50, %add3A_80 : i32
        %mul3A_82 = arith.constant 10000 : i32
        %mul3A_83 = arith.muli %add3A, %mul3A_82 : i32
        %mul3A_84 = arith.constant 80 : i32
        %mul3A_85 = arith.muli %add3A_81, %mul3A_84 : i32
        %add3A_86 = arith.addi %mul3A_83, %mul3A_85 : i32
        "tpu.region"() ({
          %run_scoped3A = tpu.sem_alloc : memref<!tpu.dma_semaphore, #tpu.memory_space<semaphore_mem>>
          %dma_start3A_101 = arith.constant 0 : i32
          %dma_start3A_102 = tpu.memref_slice %arg2[%dma_start3A_101, %add3A_86] : memref<2x320000xi32, #tpu.memory_space<hbm>> -> memref<2x80xi32, #tpu.memory_space<hbm>>
          %dma_start3A_103 = arith.constant 0 : i32
          %dma_start3A_104 = tpu.memref_slice %arg2[%dma_start3A_103, %add3A_86] : memref<2x320000xi32, #tpu.memory_space<hbm>> -> memref<2x80xi32, #tpu.memory_space<hbm>>
          tpu.enqueue_dma source(%dma_start3A_104 : memref<2x80xi32, #tpu.memory_space<hbm>>) target(%arg15 : memref<2x80xi32, #tpu.memory_space<vmem>>) target_semaphore(%run_scoped3A : memref<!tpu.dma_semaphore, #tpu.memory_space<semaphore_mem>>)
          %dma_wait3A_105 = arith.constant 0 : i32
          %dma_wait3A_106 = tpu.memref_slice %arg2[%dma_wait3A_105, %add3A_86] : memref<2x320000xi32, #tpu.memory_space<hbm>> -> memref<2x80xi32, #tpu.memory_space<hbm>>
          %dma_wait3A_107 = arith.constant 0 : i32
          %dma_wait3A_108 = tpu.memref_slice %arg2[%dma_wait3A_107, %add3A_86] : memref<2x320000xi32, #tpu.memory_space<hbm>> -> memref<2x80xi32, #tpu.memory_space<hbm>>
          tpu.wait_dma2 semaphore(%run_scoped3A : memref<!tpu.dma_semaphore, #tpu.memory_space<semaphore_mem>>) src(%dma_wait3A_108 : memref<2x80xi32, #tpu.memory_space<hbm>>) dst(%arg15 : memref<2x80xi32, #tpu.memory_space<vmem>>)
          tpu.yield
        }) : () -> ()
        "tpu.region"() ({
          %run_scoped3A = tpu.sem_alloc : memref<!tpu.dma_semaphore, #tpu.memory_space<semaphore_mem>>
          %dma_start3A_101 = arith.constant 0 : i32
          %dma_start3A_102 = tpu.memref_slice %arg3[%add3A_86, %dma_start3A_101] : memref<320000x16xf32, #tpu.memory_space<hbm>> -> memref<80x16xf32, #tpu.memory_space<hbm>>
          %dma_start3A_103 = arith.constant 0 : i32
          %dma_start3A_104 = tpu.memref_slice %arg3[%add3A_86, %dma_start3A_103] : memref<320000x16xf32, #tpu.memory_space<hbm>> -> memref<80x16xf32, #tpu.memory_space<hbm>>
          tpu.enqueue_dma source(%dma_start3A_104 : memref<80x16xf32, #tpu.memory_space<hbm>>) target(%arg16 : memref<80x16xf32, #tpu.memory_space<vmem>>) target_semaphore(%run_scoped3A : memref<!tpu.dma_semaphore, #tpu.memory_space<semaphore_mem>>)
          %dma_wait3A_105 = arith.constant 0 : i32
          %dma_wait3A_106 = tpu.memref_slice %arg3[%add3A_86, %dma_wait3A_105] : memref<320000x16xf32, #tpu.memory_space<hbm>> -> memref<80x16xf32, #tpu.memory_space<hbm>>
          %dma_wait3A_107 = arith.constant 0 : i32
          %dma_wait3A_108 = tpu.memref_slice %arg3[%add3A_86, %dma_wait3A_107] : memref<320000x16xf32, #tpu.memory_space<hbm>> -> memref<80x16xf32, #tpu.memory_space<hbm>>
          tpu.wait_dma2 semaphore(%run_scoped3A : memref<!tpu.dma_semaphore, #tpu.memory_space<semaphore_mem>>) src(%dma_wait3A_108 : memref<80x16xf32, #tpu.memory_space<hbm>>) dst(%arg16 : memref<80x16xf32, #tpu.memory_space<vmem>>)
          tpu.yield
        }) : () -> ()
        %dma_start3A_87 = arith.constant 0 : i32
        %dma_start3A_88 = arith.constant 0 : i32
        %dma_start3A_89 = tpu.memref_slice %arg15[%dma_start3A_87, %dma_start3A_88] : memref<2x80xi32, #tpu.memory_space<vmem>> -> memref<1x80xi32, #tpu.memory_space<vmem>>
        %dma_start3A_90 = tpu.memref_squeeze %dma_start3A_89 : memref<1x80xi32, #tpu.memory_space<vmem>> -> memref<80xi32, #tpu.memory_space<vmem>>
        %dma_start3A_91 = arith.constant 0 : i32
        %dma_start3A_92 = arith.constant 0 : i32
        %dma_start3A_93 = tpu.memref_slice %arg4[%dma_start3A_91, %dma_start3A_92] : memref<10000x16xf32, #tpu.memory_space<hbm>> -> memref<10000x16xf32, #tpu.memory_space<hbm>>
        tpu.enqueue_indirect_dma source(%dma_start3A_93 : memref<10000x16xf32, #tpu.memory_space<hbm>>) target(%arg17 : memref<80x16xf32, #tpu.memory_space<vmem>>) offsets(%dma_start3A_90 : memref<80xi32, #tpu.memory_space<vmem>>) semaphore(%arg25 : memref<!tpu.dma_semaphore, #tpu.memory_space<semaphore_mem>>)
        %dma_start3A_94 = arith.constant 1 : i32
        %dma_start3A_95 = arith.constant 0 : i32
        %dma_start3A_96 = tpu.memref_slice %arg15[%dma_start3A_94, %dma_start3A_95] : memref<2x80xi32, #tpu.memory_space<vmem>> -> memref<1x80xi32, #tpu.memory_space<vmem>>
        %dma_start3A_97 = tpu.memref_squeeze %dma_start3A_96 : memref<1x80xi32, #tpu.memory_space<vmem>> -> memref<80xi32, #tpu.memory_space<vmem>>
        %dma_start3A_98 = arith.constant 0 : i32
        %dma_start3A_99 = arith.constant 0 : i32
        %dma_start3A_100 = tpu.memref_slice %arg5[%dma_start3A_98, %dma_start3A_99] : memref<10000x16xf32, #tpu.memory_space<hbm>> -> memref<10000x16xf32, #tpu.memory_space<hbm>>
        tpu.enqueue_indirect_dma source(%dma_start3A_100 : memref<10000x16xf32, #tpu.memory_space<hbm>>) target(%arg18 : memref<80x16xf32, #tpu.memory_space<vmem>>) offsets(%dma_start3A_97 : memref<80xi32, #tpu.memory_space<vmem>>) semaphore(%arg25 : memref<!tpu.dma_semaphore, #tpu.memory_space<semaphore_mem>>)
      } else {
      }
      %lt3A_58 = arith.constant 125 : i32
      %lt3A_59 = arith.cmpi slt, %add3A_50, %lt3A_58 : i32
      %convert_element_type3A_60 = arith.extui %lt3A_59 : i1 to i32
      %cond3A_61 = arith.constant 0 : i32
      %cond3A_62 = arith.cmpi ne, %convert_element_type3A_60, %cond3A_61 : i32
      scf.if %cond3A_62 {
        %dma_wait3A_80 = arith.constant 0 : i32
        %dma_wait3A_81 = arith.constant 0 : i32
        %dma_wait3A_82 = tpu.memref_slice %arg8[%dma_wait3A_80, %dma_wait3A_81] : memref<2x80xi32, #tpu.memory_space<vmem>> -> memref<1x80xi32, #tpu.memory_space<vmem>>
        %dma_wait3A_83 = tpu.memref_squeeze %dma_wait3A_82 : memref<1x80xi32, #tpu.memory_space<vmem>> -> memref<80xi32, #tpu.memory_space<vmem>>
        %dma_wait3A_84 = arith.constant 0 : i32
        %dma_wait3A_85 = arith.constant 0 : i32
        %dma_wait3A_86 = tpu.memref_slice %arg4[%dma_wait3A_84, %dma_wait3A_85] : memref<10000x16xf32, #tpu.memory_space<hbm>> -> memref<10000x16xf32, #tpu.memory_space<hbm>>
        tpu.wait_indirect_dma semaphore(%arg24 : memref<!tpu.dma_semaphore, #tpu.memory_space<semaphore_mem>>) src(%dma_wait3A_86 : memref<10000x16xf32, #tpu.memory_space<hbm>>) dst(%arg10 : memref<80x16xf32, #tpu.memory_space<vmem>>)
        %dma_wait3A_87 = arith.constant 1 : i32
        %dma_wait3A_88 = arith.constant 0 : i32
        %dma_wait3A_89 = tpu.memref_slice %arg8[%dma_wait3A_87, %dma_wait3A_88] : memref<2x80xi32, #tpu.memory_space<vmem>> -> memref<1x80xi32, #tpu.memory_space<vmem>>
        %dma_wait3A_90 = tpu.memref_squeeze %dma_wait3A_89 : memref<1x80xi32, #tpu.memory_space<vmem>> -> memref<80xi32, #tpu.memory_space<vmem>>
        %dma_wait3A_91 = arith.constant 0 : i32
        %dma_wait3A_92 = arith.constant 0 : i32
        %dma_wait3A_93 = tpu.memref_slice %arg5[%dma_wait3A_91, %dma_wait3A_92] : memref<10000x16xf32, #tpu.memory_space<hbm>> -> memref<10000x16xf32, #tpu.memory_space<hbm>>
        tpu.wait_indirect_dma semaphore(%arg24 : memref<!tpu.dma_semaphore, #tpu.memory_space<semaphore_mem>>) src(%dma_wait3A_93 : memref<10000x16xf32, #tpu.memory_space<hbm>>) dst(%arg11 : memref<80x16xf32, #tpu.memory_space<vmem>>)
        %ge3A = arith.constant 2 : i32
        %ge3A_94 = arith.cmpi sge, %add3A_50, %ge3A : i32
        %mul3A_95 = arith.constant 10000 : i32
        %mul3A_96 = arith.muli %add3A, %mul3A_95 : i32
        %mul3A_97 = arith.constant 80 : i32
        %mul3A_98 = arith.muli %add3A_50, %mul3A_97 : i32
        %add3A_99 = arith.addi %mul3A_96, %mul3A_98 : i32
        %convert_element_type3A_100 = arith.extui %ge3A_94 : i1 to i32
        %cond3A_101 = arith.constant 0 : i32
        %cond3A_102 = arith.cmpi ne, %convert_element_type3A_100, %cond3A_101 : i32
        scf.if %cond3A_102 {
          %dma_wait3A_131 = arith.constant 0 : i32
          %dma_wait3A_132 = tpu.memref_slice %arg6[%dma_wait3A_131] : memref<1280000xf32, #tpu.memory_space<hbm>> -> memref<320xf32, #tpu.memory_space<hbm>>
          %dma_wait3A_133 = arith.constant 0 : i32
          %dma_wait3A_134 = tpu.memref_slice %arg6[%dma_wait3A_133] : memref<1280000xf32, #tpu.memory_space<hbm>> -> memref<320xf32, #tpu.memory_space<hbm>>
          tpu.wait_dma2 semaphore(%arg26 : memref<!tpu.dma_semaphore, #tpu.memory_space<semaphore_mem>>) src(%arg13 : memref<320xf32, #tpu.memory_space<vmem>>) dst(%dma_wait3A_134 : memref<320xf32, #tpu.memory_space<hbm>>)
          %dma_wait3A_135 = arith.constant 0 : i32
          %dma_wait3A_136 = arith.constant 0 : i32
          %dma_wait3A_137 = tpu.memref_slice %arg23[%dma_wait3A_135, %dma_wait3A_136] : memref<10000x16xf32, #tpu.memory_space<vmem_shared>> -> memref<10000x16xf32, #tpu.memory_space<vmem_shared>>
          tpu.wait_indirect_dma semaphore(%arg28 : memref<!tpu.dma_semaphore, #tpu.memory_space<semaphore_mem>>) src(%arg12 : memref<80x16xf32, #tpu.memory_space<vmem>>) dst(%dma_wait3A_137 : memref<10000x16xf32, #tpu.memory_space<vmem_shared>>)
        } else {
        }
        %scan3A_103 = arith.constant 0 : i32
        %scan3A_104 = arith.constant 0 : i32
        %scan3A_105 = arith.constant 5 : i32
        %scan3A_106 = arith.addi %scan3A_104, %scan3A_105 : i32
        %scan3A_107 = arith.constant 1 : i32
        %scan3A_108 = scf.for %scan3A_131 = %scan3A_104 to %scan3A_106 step %scan3A_107 iter_args(%scan3A_132 = %scan3A_103) -> (i32)  : i32 {
          %mul3A_133 = arith.constant 16 : i32
          %mul3A_134 = arith.muli %scan3A_131, %mul3A_133 : i32
          %get3A = arith.constant 1 : i32
          %get3A_135 = arith.index_cast %get3A : i32 to index
          %get3A_136 = arith.index_cast %mul3A_134 : i32 to index
          %get3A_137 = tpu.vector_load %arg8[%get3A_135, %get3A_136] {strides = array<i32>} : memref<2x80xi32, #tpu.memory_space<vmem>>, vector<16xi32>,
          %mul3A_138 = arith.constant 16 : i32
          %mul3A_139 = arith.muli %scan3A_131, %mul3A_138 : i32
          %swap3A = arith.index_cast %mul3A_139 : i32 to index
          %swap3A_140 = tpu.vector_load %arg14[%swap3A] {strides = array<i32>} : memref<80xi32, #tpu.memory_space<vmem>>, vector<16xi32>,
          tpu.vector_store %arg14[%swap3A], %get3A_137 {strides = array<i32>} : memref<80xi32, #tpu.memory_space<vmem>>, vector<16xi32>,
          %scan3A_141 = arith.constant 0 : i32
          scf.yield %scan3A_141 : i32
        }
        %scan3A_109 = arith.constant 5 : i32
        %scan3A_110 = arith.constant 0 : i32
        %scan3A_111 = arith.constant 0 : i32
        %scan3A_112 = arith.constant 80 : i32
        %scan3A_113 = arith.addi %scan3A_111, %scan3A_112 : i32
        %scan3A_114 = arith.constant 1 : i32
        %scan3A_115 = scf.for %scan3A_131 = %scan3A_111 to %scan3A_113 step %scan3A_114 iter_args(%scan3A_132 = %scan3A_110) -> (i32)  : i32 {
          %get3A = arith.index_cast %scan3A_131 : i32 to index
          %get3A_133 = arith.constant 0 : index
          %get3A_134 = tpu.vector_load %arg9[%get3A, %get3A_133] {strides = array<i32>} : memref<80x16xf32, #tpu.memory_space<vmem>>, vector<16xf32>,
          %get3A_135 = arith.index_cast %scan3A_131 : i32 to index
          %get3A_136 = arith.constant 0 : index
          %get3A_137 = tpu.vector_load %arg10[%get3A_135, %get3A_136] {strides = array<i32>} : memref<80x16xf32, #tpu.memory_space<vmem>>, vector<16xf32>,
          %get3A_138 = arith.index_cast %scan3A_131 : i32 to index
          %get3A_139 = arith.constant 0 : index
          %get3A_140 = tpu.vector_load %arg11[%get3A_138, %get3A_139] {strides = array<i32>} : memref<80x16xf32, #tpu.memory_space<vmem>>, vector<16xf32>,
          %add3A_141 = arith.addf %get3A_137, %get3A_140 : vector<16xf32>
          %add3A_142 = arith.addf %add3A_141, %get3A_134 : vector<16xf32>
          %ge3A_143 = arith.constant 0.000000e+00 : f32
          %ge3A_144 = vector.broadcast %ge3A_143 : f32 to vector<16xf32>
          %ge3A_145 = arith.cmpf oge, %add3A_142, %ge3A_144 : vector<16xf32>
          %mul3A_146 = arith.constant 2.000000e-01 : f32
          %mul3A_147 = vector.broadcast %mul3A_146 : f32 to vector<16xf32>
          %mul3A_148 = arith.mulf %mul3A_147, %add3A_142 : vector<16xf32>
          %select_n3A = arith.select %ge3A_145, %add3A_142, %mul3A_148 : vector<16xi1>, vector<16xf32>
          %exp3A = math.exp %select_n3A : vector<16xf32>
          %broadcast_in_dim3A = arith.constant 1.000000e+00 : f32
          %broadcast_in_dim3A_149 = vector.broadcast %broadcast_in_dim3A : f32 to vector<16xf32>
          %broadcast_in_dim3A_150 = arith.constant 0.000000e+00 : f32
          %broadcast_in_dim3A_151 = vector.broadcast %broadcast_in_dim3A_150 : f32 to vector<16xf32>
          %lt3A_152 = arith.constant 4 : i32
          %lt3A_153 = vector.broadcast %lt3A_152 : i32 to vector<16xi32>
          %lt3A_154 = arith.cmpi slt, %iota3A, %lt3A_153 : vector<16xi32>
          %lt3A_155 = arith.constant 8 : i32
          %lt3A_156 = vector.broadcast %lt3A_155 : i32 to vector<16xi32>
          %lt3A_157 = arith.cmpi slt, %iota3A, %lt3A_156 : vector<16xi32>
          %eq3A = arith.constant 8 : i32
          %eq3A_158 = vector.broadcast %eq3A : i32 to vector<16xi32>
          %eq3A_159 = arith.cmpi eq, %iota3A, %eq3A_158 : vector<16xi32>
          %select_n3A_160 = arith.select %eq3A_159, %broadcast_in_dim3A_149, %broadcast_in_dim3A_151 : vector<16xi1>, vector<16xf32>
          %select_n3A_161 = arith.select %lt3A_157, %get3A_134, %select_n3A_160 : vector<16xi1>, vector<16xf32>
          %select_n3A_162 = arith.select %lt3A_154, %exp3A, %select_n3A_161 : vector<16xi1>, vector<16xf32>
          %swap3A = arith.index_cast %scan3A_131 : i32 to index
          %swap3A_163 = arith.constant 0 : index
          %swap3A_164 = tpu.vector_load %arg12[%swap3A, %swap3A_163] {strides = array<i32>} : memref<80x16xf32, #tpu.memory_space<vmem>>, vector<16xf32>,
          tpu.vector_store %arg12[%swap3A, %swap3A_163], %select_n3A_162 {strides = array<i32>} : memref<80x16xf32, #tpu.memory_space<vmem>>, vector<16xf32>,
          %scan3A_165 = arith.constant 0 : i32
          scf.yield %scan3A_165 : i32
        }
        %scan3A_116 = arith.constant 80 : i32
        %scan3A_117 = arith.constant 0 : i32
        %scan3A_118 = arith.constant 0 : i32
        %scan3A_119 = arith.constant 20 : i32
        %scan3A_120 = arith.addi %scan3A_118, %scan3A_119 : i32
        %scan3A_121 = arith.constant 1 : i32
        %scan3A_122 = scf.for %scan3A_131 = %scan3A_118 to %scan3A_120 step %scan3A_121 iter_args(%scan3A_132 = %scan3A_117) -> (i32)  : i32 {
          %mul3A_133 = arith.constant 4 : i32
          %mul3A_134 = arith.muli %scan3A_131, %mul3A_133 : i32
          %shift_right_arithmetic3A = arith.constant 2 : i32
          %shift_right_arithmetic3A_135 = vector.broadcast %shift_right_arithmetic3A : i32 to vector<16xi32>
          %shift_right_arithmetic3A_136 = arith.shrsi %iota3A, %shift_right_arithmetic3A_135 : vector<16xi32>
          %add3A_137 = vector.broadcast %mul3A_134 : i32 to vector<16xi32>
          %add3A_138 = arith.addi %add3A_137, %shift_right_arithmetic3A_136 : vector<16xi32>
          %and3A = arith.constant 3 : i32
          %and3A_139 = vector.broadcast %and3A : i32 to vector<16xi32>
          %and3A_140 = arith.andi %iota3A, %and3A_139 : vector<16xi32>
          %gather3A = tpu.vector_load_idx %arg12[%add3A_138, %and3A_140] : memref<80x16xf32, #tpu.memory_space<vmem>>[vector<16xi32>, vector<16xi32>], vector<16xf32>,
          %mul3A_141 = arith.constant 16 : i32
          %mul3A_142 = arith.muli %scan3A_131, %mul3A_141 : i32
          %swap3A = arith.index_cast %mul3A_142 : i32 to index
          %swap3A_143 = tpu.vector_load %arg13[%swap3A] {strides = array<i32>} : memref<320xf32, #tpu.memory_space<vmem>>, vector<16xf32>,
          tpu.vector_store %arg13[%swap3A], %gather3A {strides = array<i32>} : memref<320xf32, #tpu.memory_space<vmem>>, vector<16xf32>,
          %scan3A_144 = arith.constant 0 : i32
          scf.yield %scan3A_144 : i32
        }
        %scan3A_123 = arith.constant 20 : i32
        %mul3A_124 = arith.constant 4 : i32
        %mul3A_125 = arith.muli %add3A_99, %mul3A_124 : i32
        %dma_start3A_126 = tpu.memref_slice %arg6[%mul3A_125] : memref<1280000xf32, #tpu.memory_space<hbm>> -> memref<320xf32, #tpu.memory_space<hbm>>
        %dma_start3A_127 = tpu.memref_slice %arg6[%mul3A_125] : memref<1280000xf32, #tpu.memory_space<hbm>> -> memref<320xf32, #tpu.memory_space<hbm>>
        tpu.enqueue_dma source(%arg13 : memref<320xf32, #tpu.memory_space<vmem>>) target(%dma_start3A_127 : memref<320xf32, #tpu.memory_space<hbm>>) target_semaphore(%arg26 : memref<!tpu.dma_semaphore, #tpu.memory_space<semaphore_mem>>)
        %dma_start3A_128 = arith.constant 0 : i32
        %dma_start3A_129 = arith.constant 0 : i32
        %dma_start3A_130 = tpu.memref_slice %arg23[%dma_start3A_128, %dma_start3A_129] : memref<10000x16xf32, #tpu.memory_space<vmem_shared>> -> memref<10000x16xf32, #tpu.memory_space<vmem_shared>>
        tpu.enqueue_indirect_dma source(%arg12 : memref<80x16xf32, #tpu.memory_space<vmem>>) target(%dma_start3A_130 : memref<10000x16xf32, #tpu.memory_space<vmem_shared>>) offsets(%arg14 : memref<80xi32, #tpu.memory_space<vmem>>) semaphore(%arg28 : memref<!tpu.dma_semaphore, #tpu.memory_space<semaphore_mem>>) {add = true}
      } else {
      }
      %mul3A_63 = arith.constant 2 : i32
      %mul3A_64 = arith.muli %mul3A_63, %scan3A_45 : i32
      %add3A_65 = arith.constant 1 : i32
      %add3A_66 = arith.addi %mul3A_64, %add3A_65 : i32
      %add3A_67 = arith.constant 1 : i32
      %add3A_68 = arith.addi %add3A_66, %add3A_67 : i32
      %lt3A_69 = arith.constant 125 : i32
      %lt3A_70 = arith.cmpi slt, %add3A_68, %lt3A_69 : i32
      %convert_element_type3A_71 = arith.extui %lt3A_70 : i1 to i32
      %cond3A_72 = arith.constant 0 : i32
      %cond3A_73 = arith.cmpi ne, %convert_element_type3A_71, %cond3A_72 : i32
      scf.if %cond3A_73 {
        %add3A_80 = arith.constant 1 : i32
        %add3A_81 = arith.addi %add3A_66, %add3A_80 : i32
        %mul3A_82 = arith.constant 10000 : i32
        %mul3A_83 = arith.muli %add3A, %mul3A_82 : i32
        %mul3A_84 = arith.constant 80 : i32
        %mul3A_85 = arith.muli %add3A_81, %mul3A_84 : i32
        %add3A_86 = arith.addi %mul3A_83, %mul3A_85 : i32
        "tpu.region"() ({
          %run_scoped3A = tpu.sem_alloc : memref<!tpu.dma_semaphore, #tpu.memory_space<semaphore_mem>>
          %dma_start3A_101 = arith.constant 0 : i32
          %dma_start3A_102 = tpu.memref_slice %arg2[%dma_start3A_101, %add3A_86] : memref<2x320000xi32, #tpu.memory_space<hbm>> -> memref<2x80xi32, #tpu.memory_space<hbm>>
          %dma_start3A_103 = arith.constant 0 : i32
          %dma_start3A_104 = tpu.memref_slice %arg2[%dma_start3A_103, %add3A_86] : memref<2x320000xi32, #tpu.memory_space<hbm>> -> memref<2x80xi32, #tpu.memory_space<hbm>>
          tpu.enqueue_dma source(%dma_start3A_104 : memref<2x80xi32, #tpu.memory_space<hbm>>) target(%arg8 : memref<2x80xi32, #tpu.memory_space<vmem>>) target_semaphore(%run_scoped3A : memref<!tpu.dma_semaphore, #tpu.memory_space<semaphore_mem>>)
          %dma_wait3A_105 = arith.constant 0 : i32
          %dma_wait3A_106 = tpu.memref_slice %arg2[%dma_wait3A_105, %add3A_86] : memref<2x320000xi32, #tpu.memory_space<hbm>> -> memref<2x80xi32, #tpu.memory_space<hbm>>
          %dma_wait3A_107 = arith.constant 0 : i32
          %dma_wait3A_108 = tpu.memref_slice %arg2[%dma_wait3A_107, %add3A_86] : memref<2x320000xi32, #tpu.memory_space<hbm>> -> memref<2x80xi32, #tpu.memory_space<hbm>>
          tpu.wait_dma2 semaphore(%run_scoped3A : memref<!tpu.dma_semaphore, #tpu.memory_space<semaphore_mem>>) src(%dma_wait3A_108 : memref<2x80xi32, #tpu.memory_space<hbm>>) dst(%arg8 : memref<2x80xi32, #tpu.memory_space<vmem>>)
          tpu.yield
        }) : () -> ()
        "tpu.region"() ({
          %run_scoped3A = tpu.sem_alloc : memref<!tpu.dma_semaphore, #tpu.memory_space<semaphore_mem>>
          %dma_start3A_101 = arith.constant 0 : i32
          %dma_start3A_102 = tpu.memref_slice %arg3[%add3A_86, %dma_start3A_101] : memref<320000x16xf32, #tpu.memory_space<hbm>> -> memref<80x16xf32, #tpu.memory_space<hbm>>
          %dma_start3A_103 = arith.constant 0 : i32
          %dma_start3A_104 = tpu.memref_slice %arg3[%add3A_86, %dma_start3A_103] : memref<320000x16xf32, #tpu.memory_space<hbm>> -> memref<80x16xf32, #tpu.memory_space<hbm>>
          tpu.enqueue_dma source(%dma_start3A_104 : memref<80x16xf32, #tpu.memory_space<hbm>>) target(%arg9 : memref<80x16xf32, #tpu.memory_space<vmem>>) target_semaphore(%run_scoped3A : memref<!tpu.dma_semaphore, #tpu.memory_space<semaphore_mem>>)
          %dma_wait3A_105 = arith.constant 0 : i32
          %dma_wait3A_106 = tpu.memref_slice %arg3[%add3A_86, %dma_wait3A_105] : memref<320000x16xf32, #tpu.memory_space<hbm>> -> memref<80x16xf32, #tpu.memory_space<hbm>>
          %dma_wait3A_107 = arith.constant 0 : i32
          %dma_wait3A_108 = tpu.memref_slice %arg3[%add3A_86, %dma_wait3A_107] : memref<320000x16xf32, #tpu.memory_space<hbm>> -> memref<80x16xf32, #tpu.memory_space<hbm>>
          tpu.wait_dma2 semaphore(%run_scoped3A : memref<!tpu.dma_semaphore, #tpu.memory_space<semaphore_mem>>) src(%dma_wait3A_108 : memref<80x16xf32, #tpu.memory_space<hbm>>) dst(%arg9 : memref<80x16xf32, #tpu.memory_space<vmem>>)
          tpu.yield
        }) : () -> ()
        %dma_start3A_87 = arith.constant 0 : i32
        %dma_start3A_88 = arith.constant 0 : i32
        %dma_start3A_89 = tpu.memref_slice %arg8[%dma_start3A_87, %dma_start3A_88] : memref<2x80xi32, #tpu.memory_space<vmem>> -> memref<1x80xi32, #tpu.memory_space<vmem>>
        %dma_start3A_90 = tpu.memref_squeeze %dma_start3A_89 : memref<1x80xi32, #tpu.memory_space<vmem>> -> memref<80xi32, #tpu.memory_space<vmem>>
        %dma_start3A_91 = arith.constant 0 : i32
        %dma_start3A_92 = arith.constant 0 : i32
        %dma_start3A_93 = tpu.memref_slice %arg4[%dma_start3A_91, %dma_start3A_92] : memref<10000x16xf32, #tpu.memory_space<hbm>> -> memref<10000x16xf32, #tpu.memory_space<hbm>>
        tpu.enqueue_indirect_dma source(%dma_start3A_93 : memref<10000x16xf32, #tpu.memory_space<hbm>>) target(%arg10 : memref<80x16xf32, #tpu.memory_space<vmem>>) offsets(%dma_start3A_90 : memref<80xi32, #tpu.memory_space<vmem>>) semaphore(%arg24 : memref<!tpu.dma_semaphore, #tpu.memory_space<semaphore_mem>>)
        %dma_start3A_94 = arith.constant 1 : i32
        %dma_start3A_95 = arith.constant 0 : i32
        %dma_start3A_96 = tpu.memref_slice %arg8[%dma_start3A_94, %dma_start3A_95] : memref<2x80xi32, #tpu.memory_space<vmem>> -> memref<1x80xi32, #tpu.memory_space<vmem>>
        %dma_start3A_97 = tpu.memref_squeeze %dma_start3A_96 : memref<1x80xi32, #tpu.memory_space<vmem>> -> memref<80xi32, #tpu.memory_space<vmem>>
        %dma_start3A_98 = arith.constant 0 : i32
        %dma_start3A_99 = arith.constant 0 : i32
        %dma_start3A_100 = tpu.memref_slice %arg5[%dma_start3A_98, %dma_start3A_99] : memref<10000x16xf32, #tpu.memory_space<hbm>> -> memref<10000x16xf32, #tpu.memory_space<hbm>>
        tpu.enqueue_indirect_dma source(%dma_start3A_100 : memref<10000x16xf32, #tpu.memory_space<hbm>>) target(%arg11 : memref<80x16xf32, #tpu.memory_space<vmem>>) offsets(%dma_start3A_97 : memref<80xi32, #tpu.memory_space<vmem>>) semaphore(%arg24 : memref<!tpu.dma_semaphore, #tpu.memory_space<semaphore_mem>>)
      } else {
      }
      %lt3A_74 = arith.constant 125 : i32
      %lt3A_75 = arith.cmpi slt, %add3A_66, %lt3A_74 : i32
      %convert_element_type3A_76 = arith.extui %lt3A_75 : i1 to i32
      %cond3A_77 = arith.constant 0 : i32
      %cond3A_78 = arith.cmpi ne, %convert_element_type3A_76, %cond3A_77 : i32
      scf.if %cond3A_78 {
        %dma_wait3A_80 = arith.constant 0 : i32
        %dma_wait3A_81 = arith.constant 0 : i32
        %dma_wait3A_82 = tpu.memref_slice %arg15[%dma_wait3A_80, %dma_wait3A_81] : memref<2x80xi32, #tpu.memory_space<vmem>> -> memref<1x80xi32, #tpu.memory_space<vmem>>
        %dma_wait3A_83 = tpu.memref_squeeze %dma_wait3A_82 : memref<1x80xi32, #tpu.memory_space<vmem>> -> memref<80xi32, #tpu.memory_space<vmem>>
        %dma_wait3A_84 = arith.constant 0 : i32
        %dma_wait3A_85 = arith.constant 0 : i32
        %dma_wait3A_86 = tpu.memref_slice %arg4[%dma_wait3A_84, %dma_wait3A_85] : memref<10000x16xf32, #tpu.memory_space<hbm>> -> memref<10000x16xf32, #tpu.memory_space<hbm>>
        tpu.wait_indirect_dma semaphore(%arg25 : memref<!tpu.dma_semaphore, #tpu.memory_space<semaphore_mem>>) src(%dma_wait3A_86 : memref<10000x16xf32, #tpu.memory_space<hbm>>) dst(%arg17 : memref<80x16xf32, #tpu.memory_space<vmem>>)
        %dma_wait3A_87 = arith.constant 1 : i32
        %dma_wait3A_88 = arith.constant 0 : i32
        %dma_wait3A_89 = tpu.memref_slice %arg15[%dma_wait3A_87, %dma_wait3A_88] : memref<2x80xi32, #tpu.memory_space<vmem>> -> memref<1x80xi32, #tpu.memory_space<vmem>>
        %dma_wait3A_90 = tpu.memref_squeeze %dma_wait3A_89 : memref<1x80xi32, #tpu.memory_space<vmem>> -> memref<80xi32, #tpu.memory_space<vmem>>
        %dma_wait3A_91 = arith.constant 0 : i32
        %dma_wait3A_92 = arith.constant 0 : i32
        %dma_wait3A_93 = tpu.memref_slice %arg5[%dma_wait3A_91, %dma_wait3A_92] : memref<10000x16xf32, #tpu.memory_space<hbm>> -> memref<10000x16xf32, #tpu.memory_space<hbm>>
        tpu.wait_indirect_dma semaphore(%arg25 : memref<!tpu.dma_semaphore, #tpu.memory_space<semaphore_mem>>) src(%dma_wait3A_93 : memref<10000x16xf32, #tpu.memory_space<hbm>>) dst(%arg18 : memref<80x16xf32, #tpu.memory_space<vmem>>)
        %ge3A = arith.constant 2 : i32
        %ge3A_94 = arith.cmpi sge, %add3A_66, %ge3A : i32
        %mul3A_95 = arith.constant 10000 : i32
        %mul3A_96 = arith.muli %add3A, %mul3A_95 : i32
        %mul3A_97 = arith.constant 80 : i32
        %mul3A_98 = arith.muli %add3A_66, %mul3A_97 : i32
        %add3A_99 = arith.addi %mul3A_96, %mul3A_98 : i32
        %convert_element_type3A_100 = arith.extui %ge3A_94 : i1 to i32
        %cond3A_101 = arith.constant 0 : i32
        %cond3A_102 = arith.cmpi ne, %convert_element_type3A_100, %cond3A_101 : i32
        scf.if %cond3A_102 {
          %dma_wait3A_131 = arith.constant 0 : i32
          %dma_wait3A_132 = tpu.memref_slice %arg6[%dma_wait3A_131] : memref<1280000xf32, #tpu.memory_space<hbm>> -> memref<320xf32, #tpu.memory_space<hbm>>
          %dma_wait3A_133 = arith.constant 0 : i32
          %dma_wait3A_134 = tpu.memref_slice %arg6[%dma_wait3A_133] : memref<1280000xf32, #tpu.memory_space<hbm>> -> memref<320xf32, #tpu.memory_space<hbm>>
          tpu.wait_dma2 semaphore(%arg27 : memref<!tpu.dma_semaphore, #tpu.memory_space<semaphore_mem>>) src(%arg20 : memref<320xf32, #tpu.memory_space<vmem>>) dst(%dma_wait3A_134 : memref<320xf32, #tpu.memory_space<hbm>>)
          %dma_wait3A_135 = arith.constant 0 : i32
          %dma_wait3A_136 = arith.constant 0 : i32
          %dma_wait3A_137 = tpu.memref_slice %arg23[%dma_wait3A_135, %dma_wait3A_136] : memref<10000x16xf32, #tpu.memory_space<vmem_shared>> -> memref<10000x16xf32, #tpu.memory_space<vmem_shared>>
          tpu.wait_indirect_dma semaphore(%arg29 : memref<!tpu.dma_semaphore, #tpu.memory_space<semaphore_mem>>) src(%arg19 : memref<80x16xf32, #tpu.memory_space<vmem>>) dst(%dma_wait3A_137 : memref<10000x16xf32, #tpu.memory_space<vmem_shared>>)
        } else {
        }
        %scan3A_103 = arith.constant 0 : i32
        %scan3A_104 = arith.constant 0 : i32
        %scan3A_105 = arith.constant 5 : i32
        %scan3A_106 = arith.addi %scan3A_104, %scan3A_105 : i32
        %scan3A_107 = arith.constant 1 : i32
        %scan3A_108 = scf.for %scan3A_131 = %scan3A_104 to %scan3A_106 step %scan3A_107 iter_args(%scan3A_132 = %scan3A_103) -> (i32)  : i32 {
          %mul3A_133 = arith.constant 16 : i32
          %mul3A_134 = arith.muli %scan3A_131, %mul3A_133 : i32
          %get3A = arith.constant 1 : i32
          %get3A_135 = arith.index_cast %get3A : i32 to index
          %get3A_136 = arith.index_cast %mul3A_134 : i32 to index
          %get3A_137 = tpu.vector_load %arg15[%get3A_135, %get3A_136] {strides = array<i32>} : memref<2x80xi32, #tpu.memory_space<vmem>>, vector<16xi32>,
          %mul3A_138 = arith.constant 16 : i32
          %mul3A_139 = arith.muli %scan3A_131, %mul3A_138 : i32
          %swap3A = arith.index_cast %mul3A_139 : i32 to index
          %swap3A_140 = tpu.vector_load %arg21[%swap3A] {strides = array<i32>} : memref<80xi32, #tpu.memory_space<vmem>>, vector<16xi32>,
          tpu.vector_store %arg21[%swap3A], %get3A_137 {strides = array<i32>} : memref<80xi32, #tpu.memory_space<vmem>>, vector<16xi32>,
          %scan3A_141 = arith.constant 0 : i32
          scf.yield %scan3A_141 : i32
        }
        %scan3A_109 = arith.constant 5 : i32
        %scan3A_110 = arith.constant 0 : i32
        %scan3A_111 = arith.constant 0 : i32
        %scan3A_112 = arith.constant 80 : i32
        %scan3A_113 = arith.addi %scan3A_111, %scan3A_112 : i32
        %scan3A_114 = arith.constant 1 : i32
        %scan3A_115 = scf.for %scan3A_131 = %scan3A_111 to %scan3A_113 step %scan3A_114 iter_args(%scan3A_132 = %scan3A_110) -> (i32)  : i32 {
          %get3A = arith.index_cast %scan3A_131 : i32 to index
          %get3A_133 = arith.constant 0 : index
          %get3A_134 = tpu.vector_load %arg16[%get3A, %get3A_133] {strides = array<i32>} : memref<80x16xf32, #tpu.memory_space<vmem>>, vector<16xf32>,
          %get3A_135 = arith.index_cast %scan3A_131 : i32 to index
          %get3A_136 = arith.constant 0 : index
          %get3A_137 = tpu.vector_load %arg17[%get3A_135, %get3A_136] {strides = array<i32>} : memref<80x16xf32, #tpu.memory_space<vmem>>, vector<16xf32>,
          %get3A_138 = arith.index_cast %scan3A_131 : i32 to index
          %get3A_139 = arith.constant 0 : index
          %get3A_140 = tpu.vector_load %arg18[%get3A_138, %get3A_139] {strides = array<i32>} : memref<80x16xf32, #tpu.memory_space<vmem>>, vector<16xf32>,
          %add3A_141 = arith.addf %get3A_137, %get3A_140 : vector<16xf32>
          %add3A_142 = arith.addf %add3A_141, %get3A_134 : vector<16xf32>
          %ge3A_143 = arith.constant 0.000000e+00 : f32
          %ge3A_144 = vector.broadcast %ge3A_143 : f32 to vector<16xf32>
          %ge3A_145 = arith.cmpf oge, %add3A_142, %ge3A_144 : vector<16xf32>
          %mul3A_146 = arith.constant 2.000000e-01 : f32
          %mul3A_147 = vector.broadcast %mul3A_146 : f32 to vector<16xf32>
          %mul3A_148 = arith.mulf %mul3A_147, %add3A_142 : vector<16xf32>
          %select_n3A = arith.select %ge3A_145, %add3A_142, %mul3A_148 : vector<16xi1>, vector<16xf32>
          %exp3A = math.exp %select_n3A : vector<16xf32>
          %broadcast_in_dim3A = arith.constant 1.000000e+00 : f32
          %broadcast_in_dim3A_149 = vector.broadcast %broadcast_in_dim3A : f32 to vector<16xf32>
          %broadcast_in_dim3A_150 = arith.constant 0.000000e+00 : f32
          %broadcast_in_dim3A_151 = vector.broadcast %broadcast_in_dim3A_150 : f32 to vector<16xf32>
          %lt3A_152 = arith.constant 4 : i32
          %lt3A_153 = vector.broadcast %lt3A_152 : i32 to vector<16xi32>
          %lt3A_154 = arith.cmpi slt, %iota3A, %lt3A_153 : vector<16xi32>
          %lt3A_155 = arith.constant 8 : i32
          %lt3A_156 = vector.broadcast %lt3A_155 : i32 to vector<16xi32>
          %lt3A_157 = arith.cmpi slt, %iota3A, %lt3A_156 : vector<16xi32>
          %eq3A = arith.constant 8 : i32
          %eq3A_158 = vector.broadcast %eq3A : i32 to vector<16xi32>
          %eq3A_159 = arith.cmpi eq, %iota3A, %eq3A_158 : vector<16xi32>
          %select_n3A_160 = arith.select %eq3A_159, %broadcast_in_dim3A_149, %broadcast_in_dim3A_151 : vector<16xi1>, vector<16xf32>
          %select_n3A_161 = arith.select %lt3A_157, %get3A_134, %select_n3A_160 : vector<16xi1>, vector<16xf32>
          %select_n3A_162 = arith.select %lt3A_154, %exp3A, %select_n3A_161 : vector<16xi1>, vector<16xf32>
          %swap3A = arith.index_cast %scan3A_131 : i32 to index
          %swap3A_163 = arith.constant 0 : index
          %swap3A_164 = tpu.vector_load %arg19[%swap3A, %swap3A_163] {strides = array<i32>} : memref<80x16xf32, #tpu.memory_space<vmem>>, vector<16xf32>,
          tpu.vector_store %arg19[%swap3A, %swap3A_163], %select_n3A_162 {strides = array<i32>} : memref<80x16xf32, #tpu.memory_space<vmem>>, vector<16xf32>,
          %scan3A_165 = arith.constant 0 : i32
          scf.yield %scan3A_165 : i32
        }
        %scan3A_116 = arith.constant 80 : i32
        %scan3A_117 = arith.constant 0 : i32
        %scan3A_118 = arith.constant 0 : i32
        %scan3A_119 = arith.constant 20 : i32
        %scan3A_120 = arith.addi %scan3A_118, %scan3A_119 : i32
        %scan3A_121 = arith.constant 1 : i32
        %scan3A_122 = scf.for %scan3A_131 = %scan3A_118 to %scan3A_120 step %scan3A_121 iter_args(%scan3A_132 = %scan3A_117) -> (i32)  : i32 {
          %mul3A_133 = arith.constant 4 : i32
          %mul3A_134 = arith.muli %scan3A_131, %mul3A_133 : i32
          %shift_right_arithmetic3A = arith.constant 2 : i32
          %shift_right_arithmetic3A_135 = vector.broadcast %shift_right_arithmetic3A : i32 to vector<16xi32>
          %shift_right_arithmetic3A_136 = arith.shrsi %iota3A, %shift_right_arithmetic3A_135 : vector<16xi32>
          %add3A_137 = vector.broadcast %mul3A_134 : i32 to vector<16xi32>
          %add3A_138 = arith.addi %add3A_137, %shift_right_arithmetic3A_136 : vector<16xi32>
          %and3A = arith.constant 3 : i32
          %and3A_139 = vector.broadcast %and3A : i32 to vector<16xi32>
          %and3A_140 = arith.andi %iota3A, %and3A_139 : vector<16xi32>
          %gather3A = tpu.vector_load_idx %arg19[%add3A_138, %and3A_140] : memref<80x16xf32, #tpu.memory_space<vmem>>[vector<16xi32>, vector<16xi32>], vector<16xf32>,
          %mul3A_141 = arith.constant 16 : i32
          %mul3A_142 = arith.muli %scan3A_131, %mul3A_141 : i32
          %swap3A = arith.index_cast %mul3A_142 : i32 to index
          %swap3A_143 = tpu.vector_load %arg20[%swap3A] {strides = array<i32>} : memref<320xf32, #tpu.memory_space<vmem>>, vector<16xf32>,
          tpu.vector_store %arg20[%swap3A], %gather3A {strides = array<i32>} : memref<320xf32, #tpu.memory_space<vmem>>, vector<16xf32>,
          %scan3A_144 = arith.constant 0 : i32
          scf.yield %scan3A_144 : i32
        }
        %scan3A_123 = arith.constant 20 : i32
        %mul3A_124 = arith.constant 4 : i32
        %mul3A_125 = arith.muli %add3A_99, %mul3A_124 : i32
        %dma_start3A_126 = tpu.memref_slice %arg6[%mul3A_125] : memref<1280000xf32, #tpu.memory_space<hbm>> -> memref<320xf32, #tpu.memory_space<hbm>>
        %dma_start3A_127 = tpu.memref_slice %arg6[%mul3A_125] : memref<1280000xf32, #tpu.memory_space<hbm>> -> memref<320xf32, #tpu.memory_space<hbm>>
        tpu.enqueue_dma source(%arg20 : memref<320xf32, #tpu.memory_space<vmem>>) target(%dma_start3A_127 : memref<320xf32, #tpu.memory_space<hbm>>) target_semaphore(%arg27 : memref<!tpu.dma_semaphore, #tpu.memory_space<semaphore_mem>>)
        %dma_start3A_128 = arith.constant 0 : i32
        %dma_start3A_129 = arith.constant 0 : i32
        %dma_start3A_130 = tpu.memref_slice %arg23[%dma_start3A_128, %dma_start3A_129] : memref<10000x16xf32, #tpu.memory_space<vmem_shared>> -> memref<10000x16xf32, #tpu.memory_space<vmem_shared>>
        tpu.enqueue_indirect_dma source(%arg19 : memref<80x16xf32, #tpu.memory_space<vmem>>) target(%dma_start3A_130 : memref<10000x16xf32, #tpu.memory_space<vmem_shared>>) offsets(%arg21 : memref<80xi32, #tpu.memory_space<vmem>>) semaphore(%arg29 : memref<!tpu.dma_semaphore, #tpu.memory_space<semaphore_mem>>) {add = true}
      } else {
      }
      %scan3A_79 = arith.constant 0 : i32
      scf.yield %scan3A_79 : i32
    }
    %scan3A_25 = arith.constant 63 : i32
    %dma_wait3A = arith.constant 0 : i32
    %dma_wait3A_26 = tpu.memref_slice %arg6[%dma_wait3A] : memref<1280000xf32, #tpu.memory_space<hbm>> -> memref<320xf32, #tpu.memory_space<hbm>>
    %dma_wait3A_27 = arith.constant 0 : i32
    %dma_wait3A_28 = tpu.memref_slice %arg6[%dma_wait3A_27] : memref<1280000xf32, #tpu.memory_space<hbm>> -> memref<320xf32, #tpu.memory_space<hbm>>
    tpu.wait_dma2 semaphore(%arg26 : memref<!tpu.dma_semaphore, #tpu.memory_space<semaphore_mem>>) src(%arg13 : memref<320xf32, #tpu.memory_space<vmem>>) dst(%dma_wait3A_28 : memref<320xf32, #tpu.memory_space<hbm>>)
    %dma_wait3A_29 = arith.constant 0 : i32
    %dma_wait3A_30 = arith.constant 0 : i32
    %dma_wait3A_31 = tpu.memref_slice %arg23[%dma_wait3A_29, %dma_wait3A_30] : memref<10000x16xf32, #tpu.memory_space<vmem_shared>> -> memref<10000x16xf32, #tpu.memory_space<vmem_shared>>
    tpu.wait_indirect_dma semaphore(%arg28 : memref<!tpu.dma_semaphore, #tpu.memory_space<semaphore_mem>>) src(%arg12 : memref<80x16xf32, #tpu.memory_space<vmem>>) dst(%dma_wait3A_31 : memref<10000x16xf32, #tpu.memory_space<vmem_shared>>)
    %dma_wait3A_32 = arith.constant 0 : i32
    %dma_wait3A_33 = tpu.memref_slice %arg6[%dma_wait3A_32] : memref<1280000xf32, #tpu.memory_space<hbm>> -> memref<320xf32, #tpu.memory_space<hbm>>
    %dma_wait3A_34 = arith.constant 0 : i32
    %dma_wait3A_35 = tpu.memref_slice %arg6[%dma_wait3A_34] : memref<1280000xf32, #tpu.memory_space<hbm>> -> memref<320xf32, #tpu.memory_space<hbm>>
    tpu.wait_dma2 semaphore(%arg27 : memref<!tpu.dma_semaphore, #tpu.memory_space<semaphore_mem>>) src(%arg20 : memref<320xf32, #tpu.memory_space<vmem>>) dst(%dma_wait3A_35 : memref<320xf32, #tpu.memory_space<hbm>>)
    %dma_wait3A_36 = arith.constant 0 : i32
    %dma_wait3A_37 = arith.constant 0 : i32
    %dma_wait3A_38 = tpu.memref_slice %arg23[%dma_wait3A_36, %dma_wait3A_37] : memref<10000x16xf32, #tpu.memory_space<vmem_shared>> -> memref<10000x16xf32, #tpu.memory_space<vmem_shared>>
    tpu.wait_indirect_dma semaphore(%arg29 : memref<!tpu.dma_semaphore, #tpu.memory_space<semaphore_mem>>) src(%arg19 : memref<80x16xf32, #tpu.memory_space<vmem>>) dst(%dma_wait3A_38 : memref<10000x16xf32, #tpu.memory_space<vmem_shared>>)
    %barrier3A_39 = arith.constant 0 : index
    tpu.barrier barrier_id(%barrier3A_39)
    %lt3A_40 = arith.constant 10 : i32
    %lt3A_41 = arith.cmpi slt, %arg1, %lt3A_40 : i32
    %convert_element_type3A_42 = arith.extui %lt3A_41 : i1 to i32
    %cond3A_43 = arith.constant 0 : i32
    %cond3A_44 = arith.cmpi ne, %convert_element_type3A_42, %cond3A_43 : i32
    scf.if %cond3A_44 {
      %mul3A_45 = arith.constant 1000 : i32
      %mul3A_46 = arith.muli %arg1, %mul3A_45 : i32
      "tpu.region"() ({
        %run_scoped3A = tpu.sem_alloc : memref<!tpu.dma_semaphore, #tpu.memory_space<semaphore_mem>>
        %dma_start3A_50 = arith.constant 0 : i32
        %dma_start3A_51 = tpu.memref_slice %arg23[%mul3A_46, %dma_start3A_50] : memref<10000x16xf32, #tpu.memory_space<vmem_shared>> -> memref<1000x16xf32, #tpu.memory_space<vmem_shared>>
        %dma_start3A_52 = arith.constant 0 : i32
        %dma_start3A_53 = tpu.memref_slice %arg23[%mul3A_46, %dma_start3A_52] : memref<10000x16xf32, #tpu.memory_space<vmem_shared>> -> memref<1000x16xf32, #tpu.memory_space<vmem_shared>>
        tpu.enqueue_dma source(%dma_start3A_53 : memref<1000x16xf32, #tpu.memory_space<vmem_shared>>) target(%arg22 : memref<1000x16xf32, #tpu.memory_space<vmem>>) target_semaphore(%run_scoped3A : memref<!tpu.dma_semaphore, #tpu.memory_space<semaphore_mem>>)
        %dma_wait3A_54 = arith.constant 0 : i32
        %dma_wait3A_55 = tpu.memref_slice %arg23[%mul3A_46, %dma_wait3A_54] : memref<10000x16xf32, #tpu.memory_space<vmem_shared>> -> memref<1000x16xf32, #tpu.memory_space<vmem_shared>>
        %dma_wait3A_56 = arith.constant 0 : i32
        %dma_wait3A_57 = tpu.memref_slice %arg23[%mul3A_46, %dma_wait3A_56] : memref<10000x16xf32, #tpu.memory_space<vmem_shared>> -> memref<1000x16xf32, #tpu.memory_space<vmem_shared>>
        tpu.wait_dma2 semaphore(%run_scoped3A : memref<!tpu.dma_semaphore, #tpu.memory_space<semaphore_mem>>) src(%dma_wait3A_57 : memref<1000x16xf32, #tpu.memory_space<vmem_shared>>) dst(%arg22 : memref<1000x16xf32, #tpu.memory_space<vmem>>)
        tpu.yield
      }) : () -> ()
      %mul3A_47 = arith.constant 10000 : i32
      %mul3A_48 = arith.muli %arg0, %mul3A_47 : i32
      %add3A_49 = arith.addi %mul3A_48, %mul3A_46 : i32
      "tpu.region"() ({
        %run_scoped3A = tpu.sem_alloc : memref<!tpu.dma_semaphore, #tpu.memory_space<semaphore_mem>>
        %dma_start3A_50 = arith.constant 0 : i32
        %dma_start3A_51 = tpu.memref_slice %arg7[%add3A_49, %dma_start3A_50] : memref<20000x16xf32, #tpu.memory_space<hbm>> -> memref<1000x16xf32, #tpu.memory_space<hbm>>
        %dma_start3A_52 = arith.constant 0 : i32
        %dma_start3A_53 = tpu.memref_slice %arg7[%add3A_49, %dma_start3A_52] : memref<20000x16xf32, #tpu.memory_space<hbm>> -> memref<1000x16xf32, #tpu.memory_space<hbm>>
        tpu.enqueue_dma source(%arg22 : memref<1000x16xf32, #tpu.memory_space<vmem>>) target(%dma_start3A_53 : memref<1000x16xf32, #tpu.memory_space<hbm>>) target_semaphore(%run_scoped3A : memref<!tpu.dma_semaphore, #tpu.memory_space<semaphore_mem>>)
        %dma_wait3A_54 = arith.constant 0 : i32
        %dma_wait3A_55 = tpu.memref_slice %arg7[%add3A_49, %dma_wait3A_54] : memref<20000x16xf32, #tpu.memory_space<hbm>> -> memref<1000x16xf32, #tpu.memory_space<hbm>>
        %dma_wait3A_56 = arith.constant 0 : i32
        %dma_wait3A_57 = tpu.memref_slice %arg7[%add3A_49, %dma_wait3A_56] : memref<20000x16xf32, #tpu.memory_space<hbm>> -> memref<1000x16xf32, #tpu.memory_space<hbm>>
        tpu.wait_dma2 semaphore(%run_scoped3A : memref<!tpu.dma_semaphore, #tpu.memory_space<semaphore_mem>>) src(%arg22 : memref<1000x16xf32, #tpu.memory_space<vmem>>) dst(%dma_wait3A_57 : memref<1000x16xf32, #tpu.memory_space<hbm>>)
        tpu.yield
      }) : () -> ()
    } else {
    }
    return
  }
}

module attributes {stable_mosaic.version = 14 : i64} {
  func.func @_a2_body(%arg0: i32, %arg1: memref<8000x16xf32, #tpu.memory_space<vmem>>, %arg2: memref<16x512xf32, #tpu.memory_space<vmem>>, %arg3: memref<512x4xf32, #tpu.memory_space<vmem>>, %arg4: memref<8000x16xf32, #tpu.memory_space<vmem>>) attributes {dimension_semantics = [#tpu.dimension_semantics<arbitrary>], iteration_bounds = array<i64: 40>, scalar_prefetch = 0 : i64, scratch_operands = 0 : i64, tpu.core_type = #tpu.core_type<tc>, window_params = [{transform_indices = @transform_0, window_bounds = array<i64: 8000, 16>}, {pipeline_mode = #tpu.pipeline_mode<synchronous>, transform_indices = @transform_1, window_bounds = array<i64: 16, 512>}, {pipeline_mode = #tpu.pipeline_mode<synchronous>, transform_indices = @transform_2, window_bounds = array<i64: 512, 4>}, {transform_indices = @transform_3, window_bounds = array<i64: 8000, 16>}]} {
    %get3A = arith.constant 0 : index
    %get3A_0 = arith.constant 0 : index
    %get3A_1 = vector.load %arg2[%get3A, %get3A_0] : memref<16x512xf32, #tpu.memory_space<vmem>>, vector<16x512xf32>
    %get3A_2 = arith.constant 0 : index
    %get3A_3 = arith.constant 0 : index
    %get3A_4 = vector.load %arg3[%get3A_2, %get3A_3] : memref<512x4xf32, #tpu.memory_space<vmem>>, vector<512x4xf32>
    %dot_general3A = arith.constant dense<0.000000e+00> : vector<16x4xf32>
    %dot_general3A_5 = tpu.matmul %get3A_1, %get3A_4, %dot_general3A {dimension_numbers = #tpu.dot_dimension_numbers<[1], [0], [0], [1], [0, 0, 1, 1], [], []>, transpose_lhs_hint = false} : vector<16x512xf32>, vector<512x4xf32>, vector<16x4xf32> -> vector<16x4xf32>
    %get3A_6 = arith.constant 0 : index
    %get3A_7 = arith.constant 0 : index
    %get3A_8 = vector.load %arg1[%get3A_6, %get3A_7] : memref<8000x16xf32, #tpu.memory_space<vmem>>, vector<8000x16xf32>
    %dot_general3A_9 = arith.constant dense<0.000000e+00> : vector<8000x4xf32>
    %dot_general3A_10 = tpu.matmul %get3A_8, %dot_general3A_5, %dot_general3A_9 {dimension_numbers = #tpu.dot_dimension_numbers<[1], [0], [0], [1], [0, 0, 1, 1], [], []>, transpose_lhs_hint = false} : vector<8000x16xf32>, vector<16x4xf32>, vector<8000x4xf32> -> vector<8000x4xf32>
    %broadcast_in_dim3A = arith.constant 0.000000e+00 : f32
    %broadcast_in_dim3A_11 = vector.broadcast %broadcast_in_dim3A : f32 to vector<8000x8xf32>
    %concatenate3A = tpu.concatenate %dot_general3A_10, %dot_general3A_10, %broadcast_in_dim3A_11 in 1 : vector<8000x4xf32>, vector<8000x4xf32>, vector<8000x8xf32> -> vector<8000x16xf32>
    %swap3A = arith.constant 0 : index
    %swap3A_12 = arith.constant 0 : index
    %swap3A_13 = vector.load %arg4[%swap3A, %swap3A_12] : memref<8000x16xf32, #tpu.memory_space<vmem>>, vector<8000x16xf32>
    tpu.vector_store %arg4[%swap3A, %swap3A_12], %concatenate3A {strides = array<i32>} : memref<8000x16xf32, #tpu.memory_space<vmem>>, vector<8000x16xf32>,
    return
  }
  func.func @transform_0(%arg0: i32) -> (i32, i32) {
    %c0_i32 = arith.constant 0 : i32
    %c0_i32_0 = arith.constant 0 : i32
    return %arg0, %c0_i32 : i32, i32
  }
  func.func @transform_1(%arg0: i32) -> (i32, i32) {
    %c0_i32 = arith.constant 0 : i32
    %c0_i32_0 = arith.constant 0 : i32
    %c0_i32_1 = arith.constant 0 : i32
    return %c0_i32, %c0_i32_0 : i32, i32
  }
  func.func @transform_2(%arg0: i32) -> (i32, i32) {
    %c0_i32 = arith.constant 0 : i32
    %c0_i32_0 = arith.constant 0 : i32
    %c0_i32_1 = arith.constant 0 : i32
    return %c0_i32, %c0_i32_0 : i32, i32
  }
  func.func @transform_3(%arg0: i32) -> (i32, i32) {
    %c0_i32 = arith.constant 0 : i32
    %c0_i32_0 = arith.constant 0 : i32
    return %arg0, %c0_i32 : i32, i32
  }
}

module attributes {stable_mosaic.version = 14 : i64} {
  func.func @_a1_body(%arg0: i32, %arg1: memref<1000x128xf32, #tpu.memory_space<vmem>>, %arg2: memref<128x512xf32, #tpu.memory_space<vmem>>, %arg3: memref<512x4xf32, #tpu.memory_space<vmem>>, %arg4: memref<512x4xf32, #tpu.memory_space<vmem>>, %arg5: memref<1000x64xf32, #tpu.memory_space<vmem>>, %arg6: memref<1000x64xf32, #tpu.memory_space<vmem>>, %arg7: memref<1000x64xf32, #tpu.memory_space<vmem>>, %arg8: memref<1000x64xf32, #tpu.memory_space<vmem>>, %arg9: memref<1000x64xf32, #tpu.memory_space<vmem>>, %arg10: memref<1000x64xf32, #tpu.memory_space<vmem>>, %arg11: memref<1000x64xf32, #tpu.memory_space<vmem>>, %arg12: memref<1000x64xf32, #tpu.memory_space<vmem>>, %arg13: memref<1000x16xf32, #tpu.memory_space<vmem>>, %arg14: memref<1000x16xf32, #tpu.memory_space<vmem>>) attributes {dimension_semantics = [#tpu.dimension_semantics<arbitrary>], iteration_bounds = array<i64: 10>, scalar_prefetch = 0 : i64, scratch_operands = 0 : i64, tpu.core_type = #tpu.core_type<tc>, window_params = [{transform_indices = @transform_0, window_bounds = array<i64: 1000, 128>}, {pipeline_mode = #tpu.pipeline_mode<synchronous>, transform_indices = @transform_1, window_bounds = array<i64: 128, 512>}, {pipeline_mode = #tpu.pipeline_mode<synchronous>, transform_indices = @transform_2, window_bounds = array<i64: 512, 4>}, {pipeline_mode = #tpu.pipeline_mode<synchronous>, transform_indices = @transform_3, window_bounds = array<i64: 512, 4>}, {transform_indices = @transform_4, window_bounds = array<i64: 1000, 64>}, {transform_indices = @transform_5, window_bounds = array<i64: 1000, 64>}, {transform_indices = @transform_6, window_bounds = array<i64: 1000, 64>}, {transform_indices = @transform_7, window_bounds = array<i64: 1000, 64>}, {transform_indices = @transform_8, window_bounds = array<i64: 1000, 64>}, {transform_indices = @transform_9, window_bounds = array<i64: 1000, 64>}, {transform_indices = @transform_10, window_bounds = array<i64: 1000, 64>}, {transform_indices = @transform_11, window_bounds = array<i64: 1000, 64>}, {transform_indices = @transform_12, window_bounds = array<i64: 1000, 16>}, {transform_indices = @transform_13, window_bounds = array<i64: 1000, 16>}]} {
    %get3A = arith.constant 0 : index
    %get3A_0 = arith.constant 0 : index
    %get3A_1 = vector.load %arg1[%get3A, %get3A_0] : memref<1000x128xf32, #tpu.memory_space<vmem>>, vector<1000x128xf32>
    %get3A_2 = arith.constant 0 : index
    %get3A_3 = arith.constant 0 : index
    %get3A_4 = vector.load %arg2[%get3A_2, %get3A_3] : memref<128x512xf32, #tpu.memory_space<vmem>>, vector<128x512xf32>
    %dot_general3A = arith.constant dense<0.000000e+00> : vector<1000x512xf32>
    %dot_general3A_5 = tpu.matmul %get3A_1, %get3A_4, %dot_general3A {dimension_numbers = #tpu.dot_dimension_numbers<[1], [0], [0], [1], [0, 0, 1, 1], [], []>, transpose_lhs_hint = false} : vector<1000x128xf32>, vector<128x512xf32>, vector<1000x512xf32> -> vector<1000x512xf32>
    %slice3A = vector.extract_strided_slice %dot_general3A_5 {offsets = [0, 0], sizes = [1000, 64], strides = [1, 1]} : vector<1000x512xf32> to vector<1000x64xf32>
    %swap3A = arith.constant 0 : index
    %swap3A_6 = arith.constant 0 : index
    %swap3A_7 = vector.load %arg5[%swap3A, %swap3A_6] : memref<1000x64xf32, #tpu.memory_space<vmem>>, vector<1000x64xf32>
    tpu.vector_store %arg5[%swap3A, %swap3A_6], %slice3A {strides = array<i32>} : memref<1000x64xf32, #tpu.memory_space<vmem>>, vector<1000x64xf32>,
    %slice3A_8 = vector.extract_strided_slice %dot_general3A_5 {offsets = [0, 64], sizes = [1000, 64], strides = [1, 1]} : vector<1000x512xf32> to vector<1000x64xf32>
    %swap3A_9 = arith.constant 0 : index
    %swap3A_10 = arith.constant 0 : index
    %swap3A_11 = vector.load %arg6[%swap3A_9, %swap3A_10] : memref<1000x64xf32, #tpu.memory_space<vmem>>, vector<1000x64xf32>
    tpu.vector_store %arg6[%swap3A_9, %swap3A_10], %slice3A_8 {strides = array<i32>} : memref<1000x64xf32, #tpu.memory_space<vmem>>, vector<1000x64xf32>,
    %slice3A_12 = vector.extract_strided_slice %dot_general3A_5 {offsets = [0, 128], sizes = [1000, 64], strides = [1, 1]} : vector<1000x512xf32> to vector<1000x64xf32>
    %swap3A_13 = arith.constant 0 : index
    %swap3A_14 = arith.constant 0 : index
    %swap3A_15 = vector.load %arg7[%swap3A_13, %swap3A_14] : memref<1000x64xf32, #tpu.memory_space<vmem>>, vector<1000x64xf32>
    tpu.vector_store %arg7[%swap3A_13, %swap3A_14], %slice3A_12 {strides = array<i32>} : memref<1000x64xf32, #tpu.memory_space<vmem>>, vector<1000x64xf32>,
    %slice3A_16 = vector.extract_strided_slice %dot_general3A_5 {offsets = [0, 192], sizes = [1000, 64], strides = [1, 1]} : vector<1000x512xf32> to vector<1000x64xf32>
    %swap3A_17 = arith.constant 0 : index
    %swap3A_18 = arith.constant 0 : index
    %swap3A_19 = vector.load %arg8[%swap3A_17, %swap3A_18] : memref<1000x64xf32, #tpu.memory_space<vmem>>, vector<1000x64xf32>
    tpu.vector_store %arg8[%swap3A_17, %swap3A_18], %slice3A_16 {strides = array<i32>} : memref<1000x64xf32, #tpu.memory_space<vmem>>, vector<1000x64xf32>,
    %slice3A_20 = vector.extract_strided_slice %dot_general3A_5 {offsets = [0, 256], sizes = [1000, 64], strides = [1, 1]} : vector<1000x512xf32> to vector<1000x64xf32>
    %swap3A_21 = arith.constant 0 : index
    %swap3A_22 = arith.constant 0 : index
    %swap3A_23 = vector.load %arg9[%swap3A_21, %swap3A_22] : memref<1000x64xf32, #tpu.memory_space<vmem>>, vector<1000x64xf32>
    tpu.vector_store %arg9[%swap3A_21, %swap3A_22], %slice3A_20 {strides = array<i32>} : memref<1000x64xf32, #tpu.memory_space<vmem>>, vector<1000x64xf32>,
    %slice3A_24 = vector.extract_strided_slice %dot_general3A_5 {offsets = [0, 320], sizes = [1000, 64], strides = [1, 1]} : vector<1000x512xf32> to vector<1000x64xf32>
    %swap3A_25 = arith.constant 0 : index
    %swap3A_26 = arith.constant 0 : index
    %swap3A_27 = vector.load %arg10[%swap3A_25, %swap3A_26] : memref<1000x64xf32, #tpu.memory_space<vmem>>, vector<1000x64xf32>
    tpu.vector_store %arg10[%swap3A_25, %swap3A_26], %slice3A_24 {strides = array<i32>} : memref<1000x64xf32, #tpu.memory_space<vmem>>, vector<1000x64xf32>,
    %slice3A_28 = vector.extract_strided_slice %dot_general3A_5 {offsets = [0, 384], sizes = [1000, 64], strides = [1, 1]} : vector<1000x512xf32> to vector<1000x64xf32>
    %swap3A_29 = arith.constant 0 : index
    %swap3A_30 = arith.constant 0 : index
    %swap3A_31 = vector.load %arg11[%swap3A_29, %swap3A_30] : memref<1000x64xf32, #tpu.memory_space<vmem>>, vector<1000x64xf32>
    tpu.vector_store %arg11[%swap3A_29, %swap3A_30], %slice3A_28 {strides = array<i32>} : memref<1000x64xf32, #tpu.memory_space<vmem>>, vector<1000x64xf32>,
    %slice3A_32 = vector.extract_strided_slice %dot_general3A_5 {offsets = [0, 448], sizes = [1000, 64], strides = [1, 1]} : vector<1000x512xf32> to vector<1000x64xf32>
    %swap3A_33 = arith.constant 0 : index
    %swap3A_34 = arith.constant 0 : index
    %swap3A_35 = vector.load %arg12[%swap3A_33, %swap3A_34] : memref<1000x64xf32, #tpu.memory_space<vmem>>, vector<1000x64xf32>
    tpu.vector_store %arg12[%swap3A_33, %swap3A_34], %slice3A_32 {strides = array<i32>} : memref<1000x64xf32, #tpu.memory_space<vmem>>, vector<1000x64xf32>,
    %get3A_36 = arith.constant 0 : index
    %get3A_37 = arith.constant 0 : index
    %get3A_38 = vector.load %arg3[%get3A_36, %get3A_37] : memref<512x4xf32, #tpu.memory_space<vmem>>, vector<512x4xf32>
    %dot_general3A_39 = arith.constant dense<0.000000e+00> : vector<1000x4xf32>
    %dot_general3A_40 = tpu.matmul %dot_general3A_5, %get3A_38, %dot_general3A_39 {dimension_numbers = #tpu.dot_dimension_numbers<[1], [0], [0], [1], [0, 0, 1, 1], [], []>, transpose_lhs_hint = false} : vector<1000x512xf32>, vector<512x4xf32>, vector<1000x4xf32> -> vector<1000x4xf32>
    %get3A_41 = arith.constant 0 : index
    %get3A_42 = arith.constant 0 : index
    %get3A_43 = vector.load %arg4[%get3A_41, %get3A_42] : memref<512x4xf32, #tpu.memory_space<vmem>>, vector<512x4xf32>
    %dot_general3A_44 = arith.constant dense<0.000000e+00> : vector<1000x4xf32>
    %dot_general3A_45 = tpu.matmul %dot_general3A_5, %get3A_43, %dot_general3A_44 {dimension_numbers = #tpu.dot_dimension_numbers<[1], [0], [0], [1], [0, 0, 1, 1], [], []>, transpose_lhs_hint = false} : vector<1000x512xf32>, vector<512x4xf32>, vector<1000x4xf32> -> vector<1000x4xf32>
    %broadcast_in_dim3A = arith.constant 0.000000e+00 : f32
    %broadcast_in_dim3A_46 = vector.broadcast %broadcast_in_dim3A : f32 to vector<1000x12xf32>
    %concatenate3A = tpu.concatenate %dot_general3A_40, %broadcast_in_dim3A_46 in 1 : vector<1000x4xf32>, vector<1000x12xf32> -> vector<1000x16xf32>
    %swap3A_47 = arith.constant 0 : index
    %swap3A_48 = arith.constant 0 : index
    %swap3A_49 = vector.load %arg13[%swap3A_47, %swap3A_48] : memref<1000x16xf32, #tpu.memory_space<vmem>>, vector<1000x16xf32>
    tpu.vector_store %arg13[%swap3A_47, %swap3A_48], %concatenate3A {strides = array<i32>} : memref<1000x16xf32, #tpu.memory_space<vmem>>, vector<1000x16xf32>,
    %concatenate3A_50 = tpu.concatenate %dot_general3A_45, %broadcast_in_dim3A_46 in 1 : vector<1000x4xf32>, vector<1000x12xf32> -> vector<1000x16xf32>
    %swap3A_51 = arith.constant 0 : index
    %swap3A_52 = arith.constant 0 : index
    %swap3A_53 = vector.load %arg14[%swap3A_51, %swap3A_52] : memref<1000x16xf32, #tpu.memory_space<vmem>>, vector<1000x16xf32>
    tpu.vector_store %arg14[%swap3A_51, %swap3A_52], %concatenate3A_50 {strides = array<i32>} : memref<1000x16xf32, #tpu.memory_space<vmem>>, vector<1000x16xf32>,
    return
  }
  func.func @transform_0(%arg0: i32) -> (i32, i32) {
    %c0_i32 = arith.constant 0 : i32
    %c0_i32_0 = arith.constant 0 : i32
    return %arg0, %c0_i32 : i32, i32
  }
  func.func @transform_1(%arg0: i32) -> (i32, i32) {
    %c0_i32 = arith.constant 0 : i32
    %c0_i32_0 = arith.constant 0 : i32
    %c0_i32_1 = arith.constant 0 : i32
    return %c0_i32, %c0_i32_0 : i32, i32
  }
  func.func @transform_2(%arg0: i32) -> (i32, i32) {
    %c0_i32 = arith.constant 0 : i32
    %c0_i32_0 = arith.constant 0 : i32
    %c0_i32_1 = arith.constant 0 : i32
    return %c0_i32, %c0_i32_0 : i32, i32
  }
  func.func @transform_3(%arg0: i32) -> (i32, i32) {
    %c0_i32 = arith.constant 0 : i32
    %c0_i32_0 = arith.constant 0 : i32
    %c0_i32_1 = arith.constant 0 : i32
    return %c0_i32, %c0_i32_0 : i32, i32
  }
  func.func @transform_4(%arg0: i32) -> (i32, i32) {
    %c0_i32 = arith.constant 0 : i32
    %c0_i32_0 = arith.constant 0 : i32
    return %arg0, %c0_i32 : i32, i32
  }
  func.func @transform_5(%arg0: i32) -> (i32, i32) {
    %c0_i32 = arith.constant 0 : i32
    %c0_i32_0 = arith.constant 0 : i32
    return %arg0, %c0_i32 : i32, i32
  }
  func.func @transform_6(%arg0: i32) -> (i32, i32) {
    %c0_i32 = arith.constant 0 : i32
    %c0_i32_0 = arith.constant 0 : i32
    return %arg0, %c0_i32 : i32, i32
  }
  func.func @transform_7(%arg0: i32) -> (i32, i32) {
    %c0_i32 = arith.constant 0 : i32
    %c0_i32_0 = arith.constant 0 : i32
    return %arg0, %c0_i32 : i32, i32
  }
  func.func @transform_8(%arg0: i32) -> (i32, i32) {
    %c0_i32 = arith.constant 0 : i32
    %c0_i32_0 = arith.constant 0 : i32
    return %arg0, %c0_i32 : i32, i32
  }
  func.func @transform_9(%arg0: i32) -> (i32, i32) {
    %c0_i32 = arith.constant 0 : i32
    %c0_i32_0 = arith.constant 0 : i32
    return %arg0, %c0_i32 : i32, i32
  }
  func.func @transform_10(%arg0: i32) -> (i32, i32) {
    %c0_i32 = arith.constant 0 : i32
    %c0_i32_0 = arith.constant 0 : i32
    return %arg0, %c0_i32 : i32, i32
  }
  func.func @transform_11(%arg0: i32) -> (i32, i32) {
    %c0_i32 = arith.constant 0 : i32
    %c0_i32_0 = arith.constant 0 : i32
    return %arg0, %c0_i32 : i32, i32
  }
  func.func @transform_12(%arg0: i32) -> (i32, i32) {
    %c0_i32 = arith.constant 0 : i32
    %c0_i32_0 = arith.constant 0 : i32
    return %arg0, %c0_i32 : i32, i32
  }
  func.func @transform_13(%arg0: i32) -> (i32, i32) {
    %c0_i32 = arith.constant 0 : i32
    %c0_i32_0 = arith.constant 0 : i32
    return %arg0, %c0_i32 : i32, i32
  }
}

module attributes {stable_mosaic.version = 14 : i64} {
  func.func @_b_body(%arg0: i32, %arg1: memref<1000x16xf32, #tpu.memory_space<vmem>>, %arg2: memref<1000x16xf32, #tpu.memory_space<vmem>>, %arg3: memref<1000x16xf32, #tpu.memory_space<vmem>>, %arg4: memref<1000x16xf32, #tpu.memory_space<vmem>>, %arg5: memref<1000x64xf32, #tpu.memory_space<vmem>>, %arg6: memref<1000x64xf32, #tpu.memory_space<vmem>>, %arg7: memref<1000x64xf32, #tpu.memory_space<vmem>>, %arg8: memref<1000x64xf32, #tpu.memory_space<vmem>>, %arg9: memref<1000x64xf32, #tpu.memory_space<vmem>>, %arg10: memref<1000x64xf32, #tpu.memory_space<vmem>>, %arg11: memref<1000x64xf32, #tpu.memory_space<vmem>>, %arg12: memref<1000x64xf32, #tpu.memory_space<vmem>>, %arg13: memref<1000x16xf32, #tpu.memory_space<vmem>>, %arg14: memref<1000x128xf32, #tpu.memory_space<vmem>>) attributes {dimension_semantics = [#tpu.dimension_semantics<arbitrary>], iteration_bounds = array<i64: 10>, scalar_prefetch = 0 : i64, scratch_operands = 0 : i64, tpu.core_type = #tpu.core_type<tc>, window_params = [{transform_indices = @transform_0, window_bounds = array<i64: 1000, 16>}, {transform_indices = @transform_1, window_bounds = array<i64: 1000, 16>}, {transform_indices = @transform_2, window_bounds = array<i64: 1000, 16>}, {transform_indices = @transform_3, window_bounds = array<i64: 1000, 16>}, {transform_indices = @transform_4, window_bounds = array<i64: 1000, 64>}, {transform_indices = @transform_5, window_bounds = array<i64: 1000, 64>}, {transform_indices = @transform_6, window_bounds = array<i64: 1000, 64>}, {transform_indices = @transform_7, window_bounds = array<i64: 1000, 64>}, {transform_indices = @transform_8, window_bounds = array<i64: 1000, 64>}, {transform_indices = @transform_9, window_bounds = array<i64: 1000, 64>}, {transform_indices = @transform_10, window_bounds = array<i64: 1000, 64>}, {transform_indices = @transform_11, window_bounds = array<i64: 1000, 64>}, {transform_indices = @transform_12, window_bounds = array<i64: 1000, 16>}, {transform_indices = @transform_13, window_bounds = array<i64: 1000, 128>}]} {
    %get3A = arith.constant 0 : index
    %get3A_0 = arith.constant 0 : index
    %get3A_1 = vector.load %arg1[%get3A, %get3A_0] : memref<1000x16xf32, #tpu.memory_space<vmem>>, vector<1000x16xf32>
    %get3A_2 = arith.constant 0 : index
    %get3A_3 = arith.constant 0 : index
    %get3A_4 = vector.load %arg2[%get3A_2, %get3A_3] : memref<1000x16xf32, #tpu.memory_space<vmem>>, vector<1000x16xf32>
    %add3A = arith.addf %get3A_1, %get3A_4 : vector<1000x16xf32>
    %slice3A = vector.extract_strided_slice %add3A {offsets = [0, 0], sizes = [1000, 4], strides = [1, 1]} : vector<1000x16xf32> to vector<1000x4xf32>
    %slice3A_5 = vector.extract_strided_slice %add3A {offsets = [0, 4], sizes = [1000, 4], strides = [1, 1]} : vector<1000x16xf32> to vector<1000x4xf32>
    %slice3A_6 = vector.extract_strided_slice %add3A {offsets = [0, 8], sizes = [1000, 1], strides = [1, 1]} : vector<1000x16xf32> to vector<1000x1xf32>
    %max3A = arith.constant 1.000000e+00 : f32
    %max3A_7 = vector.broadcast %max3A : f32 to vector<1000x1xf32>
    %max3A_8 = arith.maximumf %slice3A_6, %max3A_7 : vector<1000x1xf32>
    %div3A = vector.broadcast %max3A_8 : vector<1000x1xf32> to vector<1000x4xf32>
    %div3A_9 = arith.divf %slice3A_5, %div3A : vector<1000x4xf32>
    %get3A_10 = arith.constant 0 : index
    %get3A_11 = arith.constant 0 : index
    %get3A_12 = vector.load %arg3[%get3A_10, %get3A_11] : memref<1000x16xf32, #tpu.memory_space<vmem>>, vector<1000x4xf32>
    %get3A_13 = arith.constant 0 : index
    %get3A_14 = arith.constant 0 : index
    %get3A_15 = vector.load %arg4[%get3A_13, %get3A_14] : memref<1000x16xf32, #tpu.memory_space<vmem>>, vector<1000x4xf32>
    %add3A_16 = arith.addf %get3A_12, %get3A_15 : vector<1000x4xf32>
    %add3A_17 = arith.addf %add3A_16, %div3A_9 : vector<1000x4xf32>
    %ge3A = arith.constant 0.000000e+00 : f32
    %ge3A_18 = vector.broadcast %ge3A : f32 to vector<1000x4xf32>
    %ge3A_19 = arith.cmpf oge, %add3A_17, %ge3A_18 : vector<1000x4xf32>
    %mul3A = arith.constant 2.000000e-01 : f32
    %mul3A_20 = vector.broadcast %mul3A : f32 to vector<1000x4xf32>
    %mul3A_21 = arith.mulf %mul3A_20, %add3A_17 : vector<1000x4xf32>
    %select_n3A = arith.select %ge3A_19, %add3A_17, %mul3A_21 : vector<1000x4xi1>, vector<1000x4xf32>
    %exp3A = math.exp %select_n3A : vector<1000x4xf32>
    %add3A_22 = arith.addf %slice3A, %exp3A : vector<1000x4xf32>
    %add3A_23 = arith.constant 1.000000e-16 : f32
    %add3A_24 = vector.broadcast %add3A_23 : f32 to vector<1000x4xf32>
    %add3A_25 = arith.addf %add3A_22, %add3A_24 : vector<1000x4xf32>
    %div3A_26 = arith.constant 1.000000e+00 : f32
    %div3A_27 = vector.broadcast %div3A_26 : f32 to vector<1000x4xf32>
    %div3A_28 = arith.divf %div3A_27, %add3A_25 : vector<1000x4xf32>
    %mul3A_29 = arith.mulf %exp3A, %div3A_28 : vector<1000x4xf32>
    %broadcast_in_dim3A = arith.constant 0.000000e+00 : f32
    %broadcast_in_dim3A_30 = vector.broadcast %broadcast_in_dim3A : f32 to vector<1000x12xf32>
    %concatenate3A = tpu.concatenate %div3A_28, %broadcast_in_dim3A_30 in 1 : vector<1000x4xf32>, vector<1000x12xf32> -> vector<1000x16xf32>
    %swap3A = arith.constant 0 : index
    %swap3A_31 = arith.constant 0 : index
    %swap3A_32 = vector.load %arg13[%swap3A, %swap3A_31] : memref<1000x16xf32, #tpu.memory_space<vmem>>, vector<1000x16xf32>
    tpu.vector_store %arg13[%swap3A, %swap3A_31], %concatenate3A {strides = array<i32>} : memref<1000x16xf32, #tpu.memory_space<vmem>>, vector<1000x16xf32>,
    %slice3A_33 = vector.extract_strided_slice %mul3A_29 {offsets = [0, 0], sizes = [1000, 1], strides = [1, 1]} : vector<1000x4xf32> to vector<1000x1xf32>
    %get3A_34 = arith.constant 0 : index
    %get3A_35 = arith.constant 0 : index
    %get3A_36 = vector.load %arg5[%get3A_34, %get3A_35] : memref<1000x64xf32, #tpu.memory_space<vmem>>, vector<1000x64xf32>
    %mul3A_37 = vector.broadcast %slice3A_33 : vector<1000x1xf32> to vector<1000x64xf32>
    %mul3A_38 = arith.mulf %mul3A_37, %get3A_36 : vector<1000x64xf32>
    %slice3A_39 = vector.extract_strided_slice %mul3A_29 {offsets = [0, 0], sizes = [1000, 1], strides = [1, 1]} : vector<1000x4xf32> to vector<1000x1xf32>
    %get3A_40 = arith.constant 0 : index
    %get3A_41 = arith.constant 0 : index
    %get3A_42 = vector.load %arg6[%get3A_40, %get3A_41] : memref<1000x64xf32, #tpu.memory_space<vmem>>, vector<1000x64xf32>
    %mul3A_43 = vector.broadcast %slice3A_39 : vector<1000x1xf32> to vector<1000x64xf32>
    %mul3A_44 = arith.mulf %mul3A_43, %get3A_42 : vector<1000x64xf32>
    %slice3A_45 = vector.extract_strided_slice %mul3A_29 {offsets = [0, 1], sizes = [1000, 1], strides = [1, 1]} : vector<1000x4xf32> to vector<1000x1xf32>
    %get3A_46 = arith.constant 0 : index
    %get3A_47 = arith.constant 0 : index
    %get3A_48 = vector.load %arg7[%get3A_46, %get3A_47] : memref<1000x64xf32, #tpu.memory_space<vmem>>, vector<1000x64xf32>
    %mul3A_49 = vector.broadcast %slice3A_45 : vector<1000x1xf32> to vector<1000x64xf32>
    %mul3A_50 = arith.mulf %mul3A_49, %get3A_48 : vector<1000x64xf32>
    %add3A_51 = arith.addf %mul3A_38, %mul3A_50 : vector<1000x64xf32>
    %slice3A_52 = vector.extract_strided_slice %mul3A_29 {offsets = [0, 1], sizes = [1000, 1], strides = [1, 1]} : vector<1000x4xf32> to vector<1000x1xf32>
    %get3A_53 = arith.constant 0 : index
    %get3A_54 = arith.constant 0 : index
    %get3A_55 = vector.load %arg8[%get3A_53, %get3A_54] : memref<1000x64xf32, #tpu.memory_space<vmem>>, vector<1000x64xf32>
    %mul3A_56 = vector.broadcast %slice3A_52 : vector<1000x1xf32> to vector<1000x64xf32>
    %mul3A_57 = arith.mulf %mul3A_56, %get3A_55 : vector<1000x64xf32>
    %add3A_58 = arith.addf %mul3A_44, %mul3A_57 : vector<1000x64xf32>
    %slice3A_59 = vector.extract_strided_slice %mul3A_29 {offsets = [0, 2], sizes = [1000, 1], strides = [1, 1]} : vector<1000x4xf32> to vector<1000x1xf32>
    %get3A_60 = arith.constant 0 : index
    %get3A_61 = arith.constant 0 : index
    %get3A_62 = vector.load %arg9[%get3A_60, %get3A_61] : memref<1000x64xf32, #tpu.memory_space<vmem>>, vector<1000x64xf32>
    %mul3A_63 = vector.broadcast %slice3A_59 : vector<1000x1xf32> to vector<1000x64xf32>
    %mul3A_64 = arith.mulf %mul3A_63, %get3A_62 : vector<1000x64xf32>
    %add3A_65 = arith.addf %add3A_51, %mul3A_64 : vector<1000x64xf32>
    %slice3A_66 = vector.extract_strided_slice %mul3A_29 {offsets = [0, 2], sizes = [1000, 1], strides = [1, 1]} : vector<1000x4xf32> to vector<1000x1xf32>
    %get3A_67 = arith.constant 0 : index
    %get3A_68 = arith.constant 0 : index
    %get3A_69 = vector.load %arg10[%get3A_67, %get3A_68] : memref<1000x64xf32, #tpu.memory_space<vmem>>, vector<1000x64xf32>
    %mul3A_70 = vector.broadcast %slice3A_66 : vector<1000x1xf32> to vector<1000x64xf32>
    %mul3A_71 = arith.mulf %mul3A_70, %get3A_69 : vector<1000x64xf32>
    %add3A_72 = arith.addf %add3A_58, %mul3A_71 : vector<1000x64xf32>
    %slice3A_73 = vector.extract_strided_slice %mul3A_29 {offsets = [0, 3], sizes = [1000, 1], strides = [1, 1]} : vector<1000x4xf32> to vector<1000x1xf32>
    %get3A_74 = arith.constant 0 : index
    %get3A_75 = arith.constant 0 : index
    %get3A_76 = vector.load %arg11[%get3A_74, %get3A_75] : memref<1000x64xf32, #tpu.memory_space<vmem>>, vector<1000x64xf32>
    %mul3A_77 = vector.broadcast %slice3A_73 : vector<1000x1xf32> to vector<1000x64xf32>
    %mul3A_78 = arith.mulf %mul3A_77, %get3A_76 : vector<1000x64xf32>
    %add3A_79 = arith.addf %add3A_65, %mul3A_78 : vector<1000x64xf32>
    %slice3A_80 = vector.extract_strided_slice %mul3A_29 {offsets = [0, 3], sizes = [1000, 1], strides = [1, 1]} : vector<1000x4xf32> to vector<1000x1xf32>
    %get3A_81 = arith.constant 0 : index
    %get3A_82 = arith.constant 0 : index
    %get3A_83 = vector.load %arg12[%get3A_81, %get3A_82] : memref<1000x64xf32, #tpu.memory_space<vmem>>, vector<1000x64xf32>
    %mul3A_84 = vector.broadcast %slice3A_80 : vector<1000x1xf32> to vector<1000x64xf32>
    %mul3A_85 = arith.mulf %mul3A_84, %get3A_83 : vector<1000x64xf32>
    %add3A_86 = arith.addf %add3A_72, %mul3A_85 : vector<1000x64xf32>
    %concatenate3A_87 = tpu.concatenate %add3A_79, %add3A_86 in 1 : vector<1000x64xf32>, vector<1000x64xf32> -> vector<1000x128xf32>
    %swap3A_88 = arith.constant 0 : index
    %swap3A_89 = arith.constant 0 : index
    %swap3A_90 = vector.load %arg14[%swap3A_88, %swap3A_89] : memref<1000x128xf32, #tpu.memory_space<vmem>>, vector<1000x128xf32>
    tpu.vector_store %arg14[%swap3A_88, %swap3A_89], %concatenate3A_87 {strides = array<i32>} : memref<1000x128xf32, #tpu.memory_space<vmem>>, vector<1000x128xf32>,
    return
  }
  func.func @transform_0(%arg0: i32) -> (i32, i32) {
    %c0_i32 = arith.constant 0 : i32
    %c0_i32_0 = arith.constant 0 : i32
    return %arg0, %c0_i32 : i32, i32
  }
  func.func @transform_1(%arg0: i32) -> (i32, i32) {
    %add3A = arith.constant 10 : i32
    %add3A_0 = arith.addi %arg0, %add3A : i32
    %c0_i32 = arith.constant 0 : i32
    %c0_i32_1 = arith.constant 0 : i32
    return %add3A_0, %c0_i32 : i32, i32
  }
  func.func @transform_2(%arg0: i32) -> (i32, i32) {
    %c0_i32 = arith.constant 0 : i32
    %c0_i32_0 = arith.constant 0 : i32
    return %arg0, %c0_i32 : i32, i32
  }
  func.func @transform_3(%arg0: i32) -> (i32, i32) {
    %c0_i32 = arith.constant 0 : i32
    %c0_i32_0 = arith.constant 0 : i32
    return %arg0, %c0_i32 : i32, i32
  }
  func.func @transform_4(%arg0: i32) -> (i32, i32) {
    %c0_i32 = arith.constant 0 : i32
    %c0_i32_0 = arith.constant 0 : i32
    return %arg0, %c0_i32 : i32, i32
  }
  func.func @transform_5(%arg0: i32) -> (i32, i32) {
    %c0_i32 = arith.constant 0 : i32
    %c0_i32_0 = arith.constant 0 : i32
    return %arg0, %c0_i32 : i32, i32
  }
  func.func @transform_6(%arg0: i32) -> (i32, i32) {
    %c0_i32 = arith.constant 0 : i32
    %c0_i32_0 = arith.constant 0 : i32
    return %arg0, %c0_i32 : i32, i32
  }
  func.func @transform_7(%arg0: i32) -> (i32, i32) {
    %c0_i32 = arith.constant 0 : i32
    %c0_i32_0 = arith.constant 0 : i32
    return %arg0, %c0_i32 : i32, i32
  }
  func.func @transform_8(%arg0: i32) -> (i32, i32) {
    %c0_i32 = arith.constant 0 : i32
    %c0_i32_0 = arith.constant 0 : i32
    return %arg0, %c0_i32 : i32, i32
  }
  func.func @transform_9(%arg0: i32) -> (i32, i32) {
    %c0_i32 = arith.constant 0 : i32
    %c0_i32_0 = arith.constant 0 : i32
    return %arg0, %c0_i32 : i32, i32
  }
  func.func @transform_10(%arg0: i32) -> (i32, i32) {
    %c0_i32 = arith.constant 0 : i32
    %c0_i32_0 = arith.constant 0 : i32
    return %arg0, %c0_i32 : i32, i32
  }
  func.func @transform_11(%arg0: i32) -> (i32, i32) {
    %c0_i32 = arith.constant 0 : i32
    %c0_i32_0 = arith.constant 0 : i32
    return %arg0, %c0_i32 : i32, i32
  }
  func.func @transform_12(%arg0: i32) -> (i32, i32) {
    %c0_i32 = arith.constant 0 : i32
    %c0_i32_0 = arith.constant 0 : i32
    return %arg0, %c0_i32 : i32, i32
  }
  func.func @transform_13(%arg0: i32) -> (i32, i32) {
    %c0_i32 = arith.constant 0 : i32
    %c0_i32_0 = arith.constant 0 : i32
    return %arg0, %c0_i32 : i32, i32
  }
}

module attributes {stable_mosaic.version = 14 : i64} {
  func.func @_c_body(%arg0: i32, %arg1: memref<1000x128xf32, #tpu.memory_space<vmem>>, %arg2: memref<1000x64xf32, #tpu.memory_space<vmem>>, %arg3: memref<1000x64xf32, #tpu.memory_space<vmem>>, %arg4: memref<1000x64xf32, #tpu.memory_space<vmem>>, %arg5: memref<1000x64xf32, #tpu.memory_space<vmem>>, %arg6: memref<1000x128xf32, #tpu.memory_space<vmem>>, %arg7: memref<1x128xf32, #tpu.memory_space<vmem>>, %arg8: memref<1000x128xf32, #tpu.memory_space<vmem>>) attributes {dimension_semantics = [#tpu.dimension_semantics<arbitrary>], iteration_bounds = array<i64: 10>, scalar_prefetch = 0 : i64, scratch_operands = 0 : i64, tpu.core_type = #tpu.core_type<tc>, window_params = [{transform_indices = @transform_0, window_bounds = array<i64: 1000, 128>}, {transform_indices = @transform_1, window_bounds = array<i64: 1000, 64>}, {transform_indices = @transform_2, window_bounds = array<i64: 1000, 64>}, {transform_indices = @transform_3, window_bounds = array<i64: 1000, 64>}, {transform_indices = @transform_4, window_bounds = array<i64: 1000, 64>}, {transform_indices = @transform_5, window_bounds = array<i64: 1000, 128>}, {pipeline_mode = #tpu.pipeline_mode<synchronous>, transform_indices = @transform_6, window_bounds = array<i64: 1, 128>}, {transform_indices = @transform_7, window_bounds = array<i64: 1000, 128>}]} {
    %get3A = arith.constant 0 : index
    %get3A_0 = arith.constant 0 : index
    %get3A_1 = vector.load %arg2[%get3A, %get3A_0] : memref<1000x64xf32, #tpu.memory_space<vmem>>, vector<1000x64xf32>
    %get3A_2 = arith.constant 0 : index
    %get3A_3 = arith.constant 0 : index
    %get3A_4 = vector.load %arg3[%get3A_2, %get3A_3] : memref<1000x64xf32, #tpu.memory_space<vmem>>, vector<1000x64xf32>
    %add3A = arith.addf %get3A_1, %get3A_4 : vector<1000x64xf32>
    %get3A_5 = arith.constant 0 : index
    %get3A_6 = arith.constant 0 : index
    %get3A_7 = vector.load %arg4[%get3A_5, %get3A_6] : memref<1000x64xf32, #tpu.memory_space<vmem>>, vector<1000x64xf32>
    %get3A_8 = arith.constant 0 : index
    %get3A_9 = arith.constant 0 : index
    %get3A_10 = vector.load %arg5[%get3A_8, %get3A_9] : memref<1000x64xf32, #tpu.memory_space<vmem>>, vector<1000x64xf32>
    %add3A_11 = arith.addf %get3A_7, %get3A_10 : vector<1000x64xf32>
    %concatenate3A = tpu.concatenate %add3A, %add3A_11 in 1 : vector<1000x64xf32>, vector<1000x64xf32> -> vector<1000x128xf32>
    %get3A_12 = arith.constant 0 : index
    %get3A_13 = arith.constant 0 : index
    %get3A_14 = vector.load %arg6[%get3A_12, %get3A_13] : memref<1000x128xf32, #tpu.memory_space<vmem>>, vector<1000x128xf32>
    %add3A_15 = arith.addf %concatenate3A, %get3A_14 : vector<1000x128xf32>
    %get3A_16 = arith.constant 0 : index
    %get3A_17 = arith.constant 0 : index
    %get3A_18 = vector.load %arg1[%get3A_16, %get3A_17] : memref<1000x128xf32, #tpu.memory_space<vmem>>, vector<1000x128xf32>
    %mul3A = arith.constant 2.500000e-01 : f32
    %mul3A_19 = vector.broadcast %mul3A : f32 to vector<1000x128xf32>
    %mul3A_20 = arith.mulf %add3A_15, %mul3A_19 : vector<1000x128xf32>
    %add3A_21 = arith.addf %get3A_18, %mul3A_20 : vector<1000x128xf32>
    %get3A_22 = arith.constant 0 : index
    %get3A_23 = arith.constant 0 : index
    %get3A_24 = vector.load %arg7[%get3A_22, %get3A_23] : memref<1x128xf32, #tpu.memory_space<vmem>>, vector<1x128xf32>
    %add3A_25 = vector.broadcast %get3A_24 : vector<1x128xf32> to vector<1000x128xf32>
    %add3A_26 = arith.addf %add3A_21, %add3A_25 : vector<1000x128xf32>
    %swap3A = arith.constant 0 : index
    %swap3A_27 = arith.constant 0 : index
    %swap3A_28 = vector.load %arg8[%swap3A, %swap3A_27] : memref<1000x128xf32, #tpu.memory_space<vmem>>, vector<1000x128xf32>
    tpu.vector_store %arg8[%swap3A, %swap3A_27], %add3A_26 {strides = array<i32>} : memref<1000x128xf32, #tpu.memory_space<vmem>>, vector<1000x128xf32>,
    return
  }
  func.func @transform_0(%arg0: i32) -> (i32, i32) {
    %c0_i32 = arith.constant 0 : i32
    %c0_i32_0 = arith.constant 0 : i32
    return %arg0, %c0_i32 : i32, i32
  }
  func.func @transform_1(%arg0: i32) -> (i32, i32) {
    %c0_i32 = arith.constant 0 : i32
    %c0_i32_0 = arith.constant 0 : i32
    return %arg0, %c0_i32 : i32, i32
  }
  func.func @transform_2(%arg0: i32) -> (i32, i32) {
    %add3A = arith.constant 10 : i32
    %add3A_0 = arith.addi %arg0, %add3A : i32
    %c0_i32 = arith.constant 0 : i32
    %c0_i32_1 = arith.constant 0 : i32
    return %add3A_0, %c0_i32 : i32, i32
  }
  func.func @transform_3(%arg0: i32) -> (i32, i32) {
    %add3A = arith.constant 20 : i32
    %add3A_0 = arith.addi %arg0, %add3A : i32
    %c0_i32 = arith.constant 0 : i32
    %c0_i32_1 = arith.constant 0 : i32
    return %add3A_0, %c0_i32 : i32, i32
  }
  func.func @transform_4(%arg0: i32) -> (i32, i32) {
    %add3A = arith.constant 30 : i32
    %add3A_0 = arith.addi %arg0, %add3A : i32
    %c0_i32 = arith.constant 0 : i32
    %c0_i32_1 = arith.constant 0 : i32
    return %add3A_0, %c0_i32 : i32, i32
  }
  func.func @transform_5(%arg0: i32) -> (i32, i32) {
    %c0_i32 = arith.constant 0 : i32
    %c0_i32_0 = arith.constant 0 : i32
    return %arg0, %c0_i32 : i32, i32
  }
  func.func @transform_6(%arg0: i32) -> (i32, i32) {
    %c0_i32 = arith.constant 0 : i32
    %c0_i32_0 = arith.constant 0 : i32
    %c0_i32_1 = arith.constant 0 : i32
    return %c0_i32, %c0_i32_0 : i32, i32
  }
  func.func @transform_7(%arg0: i32) -> (i32, i32) {
    %c0_i32 = arith.constant 0 : i32
    %c0_i32_0 = arith.constant 0 : i32
    return %arg0, %c0_i32 : i32, i32
  }
}

</mosaic_0001>

<sc_bundles>
// kernel: kernel.11.cloned.1.call-start
scs
__scs_entry_jumppad:
0x0: {  	(pc) =	sbr.rel $0x88, $3  }
0x1: {  	(tag) =	ssettag $0x0;
	lr =	simm.s32 $0x1  }
0x2: {  	[smem:$0x3F98] =	sst lr;
	_ =	strace $0xD0000000  }
0x3: {  	_ = 	snop  }
0x4: {  	_ = 	snop  }
0x5: {  	_ = 	snop  }
0x6: {  	_ = 	snop  }
0x7: {  	_ = 	snop  }
__scs_overlays_trampoline_lowered:
0x8: {  	[smem:$0x3FA7] =	sst s0  }
0x9: {  	[smem:$0x3FA8] =	sst s1  }
0xa: {  	[smem:$0x3FA9] =	sst s2  }
0xb: {  	[smem:$0x3FAA] =	sst s3  }
0xc: {  	[smem:$0x3FAB] =	sst s4  }
0xd: {  	[smem:$0x3FAC] =	sst s5  }
0xe: {  	[smem:$0x3FAD] =	sst s6  }
0xf: {  	[smem:$0x3FAE] =	sst s7  }
0x10: {  	[smem:$0x3FAF] =	sst s8  }
0x11: {  	[smem:$0x3FB0] =	sst s9;
	s0 =	simm.s32 @!p0 $0x0  }
0x12: {  	s1 =	sld [smem:$0x3F96];
	s0 =	simm.s32 @p0 $0x1  }
0x13: {  	[smem:$0x3FB1] =	sst s0;
	s0 =	simm.s32 @!p1 $0x0  }
0x14: {  	s2 =	sld [smem:$0x3F95];
	s0 =	simm.s32 @p1 $0x1  }
0x15: {  	[smem:$0x3FB2] =	sst s0;
	s0 =	simm.s32 @!p2 $0x0  }
0x16: {  	s3 =	sld [smem:$0x3FDB];
	s0 =	simm.s32 @p2 $0x1  }
0x17: {  	s4 =	simm.s32 $0x1BF5;
	[smem:$0x3FB4] =	sst s0  }
0x18: {  	s0 =	sld [smem:$0x3F97];
	_ =	swait.ge [sflag:s4], $0x0  }
0x19: {  	s7 =	sld [smem:$0x3F98]  }
0x1a: {  	s8 =	sadd.s32 $0xFFFFE003, lr  }
0x1b: {  	s9 =	sadd.s32 $0xFFFFFEF7, lr;
	s5 =	simm.s32 $0xFFFFFFFF;
	p2 =	slt.u32 s8, $0xFFFFF086  }
0x1c: {  	p1 =	slt.u32 s9, $0xF7A;
	s5 =	simm.s32 @!p2 $0x0  }
0x1d: {  	s5 =	simm.s32 @p1 $0x1;
	p0 =	seq.s32 s7, s2  }
0x1e: {  	s7 =	smul.u32 @!p0 $0xF7A, s2;
	p2 =	seq.s32 @!p0 s5, $0x0  }
0x1f: {  	s9 =	smul.u32 $0xF7A, s1;
	s8 =	simm.s32 @!p0 $0x1BF5;
	p2 =	por !p2, p0  }
0x20: {  	[sflag:s8] =	ssyncset.s32 @!p0 $0xFFFFF086;
	s6 =	sadd.s32 @!p0 s3, s7;
	s7 =	simm.s32 @!p0 $0x108  }
0x21: {  	s3 =	sadd.s32 s3, s9;
	s6 =	sadd.s32 @!p0 $0x88, s6;
	s7 =	simm.s32 @p2 $0x1082  }
0x22: {  	[simem:s7], [sflag:s8] =	dma.local @!p0 [hbm:s6], $0xF7A  }
0x23: {  	s9 =	sor.u32 $0xD0000000, s2;
	s6 =	simm.s32 $0x108;
	_ =	swait.ge @!p0 [sflag:s8], $0x0  }
0x24: {  	s3 =	sadd.s32 $0x88, s3;
	s6 =	simm.s32 @!p1 $0x1082;
	[sflag:s4] =	ssyncset.s32 $0xFFFFF086  }
0x25: {  	[simem:s6], [sflag:s4] =	dma.local [hbm:s3], $0xF7A  }
0x26: {  	[smem:$0x3F98] =	sst s1;
	(tag) =	ssettag s2;
	_ =	strace s9  }
0x27: {  	s1 =	sld [smem:$0x3FA8]  }
0x28: {  	s2 =	sld [smem:$0x3FA9]  }
0x29: {  	s4 =	sld [smem:$0x3FAB]  }
0x2a: {  	p0 =	seq.s32 s5, $0x0;
	s5 =	sld [smem:$0x3FAC]  }
0x2b: {  	s6 =	sld [smem:$0x3FAD]  }
0x2c: {  	s7 =	sld [smem:$0x3FAE]  }
0x2d: {  	s3 =	simm.s32 $0x108;
	s8 =	sld [smem:$0x3FAF]  }
0x2e: {  	s3 =	simm.s32 @!p0 $0x1082;
	s9 =	sld [smem:$0x3FB0]  }
0x2f: {  	lr =	sadd.s32 s0, s3;
	s0 =	sld [smem:$0x3FA7]  }
0x30: {  	s3 =	sld [smem:$0x3FAA]  }
0x31: {  	[smem:$0x3FB3] =	sst s10  }
0x32: {  	s10 =	sld [smem:$0x3FB1];
	_ =	sdelay $0x3  }
0x33: {  	p0 =	seq.s32 s10, $0x1;
	s10 =	sld [smem:$0x3FB3];
	_ =	sdelay $0x3  }
0x34: {  	[smem:$0x3FB3] =	sst s10  }
0x35: {  	s10 =	sld [smem:$0x3FB2];
	_ =	sdelay $0x3  }
0x36: {  	p1 =	seq.s32 s10, $0x1;
	s10 =	sld [smem:$0x3FB3];
	_ =	sdelay $0x3  }
0x37: {  	[smem:$0x3FB3] =	sst s10  }
0x38: {  	s10 =	sld [smem:$0x3FB4]  }
0x39: {  	_ = 	snop;
	(pc) =	sbr.ind lr, $3  }
0x3a: {  	_ = 	snop  }
0x3b: {  	_ = 	snop  }
0x3c: {  	p2 =	seq.s32 s10, $0x1;
	s10 =	sld [smem:$0x3FB3]  }
0x3d: {  	_ =	shalt  }
0x3e: {  	_ =	shalt  }
0x3f: {  	_ =	shalt  }
0x40: {  	_ =	shalt  }
0x41: {  	_ =	shalt  }
0x42: {  	_ =	shalt  }
0x43: {  	_ =	shalt  }
0x44: {  	_ =	shalt  }
0x45: {  	_ =	shalt  }
0x46: {  	_ =	shalt  }
0x47: {  	_ =	shalt  }
0x48: {  	_ =	shalt  }
0x49: {  	_ =	shalt  }
0x4a: {  	_ =	shalt  }
0x4b: {  	_ =	shalt  }
0x4c: {  	_ =	shalt  }
0x4d: {  	_ =	shalt  }
0x4e: {  	_ =	shalt  }
0x4f: {  	_ =	shalt  }
0x50: {  	_ =	shalt  }
0x51: {  	_ =	shalt  }
0x52: {  	_ =	shalt  }
0x53: {  	_ =	shalt  }
0x54: {  	_ =	shalt  }
0x55: {  	_ =	shalt  }
0x56: {  	_ =	shalt  }
0x57: {  	_ =	shalt  }
0x58: {  	_ =	shalt  }
0x59: {  	_ =	shalt  }
0x5a: {  	_ =	shalt  }
0x5b: {  	_ =	shalt  }
0x5c: {  	_ =	shalt  }
0x5d: {  	_ =	shalt  }
0x5e: {  	_ =	shalt  }
0x5f: {  	_ =	shalt  }
0x60: {  	_ =	shalt  }
0x61: {  	_ =	shalt  }
0x62: {  	_ =	shalt  }
0x63: {  	_ =	shalt  }
0x64: {  	_ =	shalt  }
0x65: {  	_ =	shalt  }
0x66: {  	_ =	shalt  }
0x67: {  	_ =	shalt  }
0x68: {  	_ =	shalt  }
0x69: {  	_ =	shalt  }
0x6a: {  	_ =	shalt  }
0x6b: {  	_ =	shalt  }
0x6c: {  	_ =	shalt  }
0x6d: {  	_ =	shalt  }
0x6e: {  	_ =	shalt  }
0x6f: {  	_ =	shalt  }
0x70: {  	_ =	shalt  }
0x71: {  	_ =	shalt  }
0x72: {  	_ =	shalt  }
0x73: {  	_ =	shalt  }
0x74: {  	_ =	shalt  }
0x75: {  	_ =	shalt  }
0x76: {  	_ =	shalt  }
0x77: {  	_ =	shalt  }
0x78: {  	_ =	shalt  }
0x79: {  	_ =	shalt  }
0x7a: {  	_ =	shalt  }
0x7b: {  	_ =	shalt  }
0x7c: {  	_ =	shalt  }
0x7d: {  	_ =	shalt  }
0x7e: {  	_ =	shalt  }
0x7f: {  	_ =	shalt  }
0x80: {  	_ =	shalt  }
0x81: {  	_ =	shalt  }
0x82: {  	_ =	shalt  }
0x83: {  	_ =	shalt  }
0x84: {  	_ =	shalt  }
0x85: {  	_ =	shalt  }
0x86: {  	_ =	shalt  }
0x87: {  	_ =	shalt  }
.Lfunc_end0:
.L_simem_size_0:
called_computation.1_lowered:
.L_overlay_start_0:
0x88: {  	s2 =	sld [smem:$0x3FD9]  }
0x89: {  	s3 =	sld [smem:$0x3FFE];
	_ =	sdelay $0x1  }
0x8a: {  	s1 =	srdreg.scid  }
0x8b: {  	s0 =	sand.u32 $0x1, s1  }
0x8c: {  	s17 =	sshll.u32 s0, $0xA;
	s2 =	sadd.s32 s3, s2  }
0x8d: {  	s2 =	sadd.s32 s2, s17  }
0x8e: {  	[smem:$0x3FBF] =	sst s2  }
0x8f: {  	_ = 	snop  }
0x90: {  	s2 =	sld [smem:$0x3FD0];
	(tm) =	ssettm $0x1  }
0x91: {  	s18 =	sld [smem:$0x3FFB];
	_ =	sdelay $0x3  }
0x92: {  	_ =	strace s18  }
0x93: {  	s3 =	sld [smem:$0x3FFC];
	_ =	sdelay $0x3  }
0x94: {  	_ =	strace s3  }
0x95: {  	s3 =	sld [smem:$0x3FFD];
	_ =	sdelay $0x3  }
0x96: {  	_ =	strace s3  }
0x97: {  	_ =	strace $0x8FFFFFFF  }
0x98: {  	s19 =	sld [smem:$0x3FDB];
	_ =	sdelay $0x1  }
0x99: {  	s4 =	simm.s32 $_scs_section_size  }
0x9a: {  	s5 =	simm.s32 $_size__tile_overlayer_lowered;
	s6 =	simm.s32 $_tile_overlayer_lowered  }
0x9b: {  	s22 =	simm.s32 $0x1BFF;
	s21 =	sshll.u32 s6, $0x1;
	s3 =	sadd.s32 s4, s19  }
0x9c: {  	s7 =	simm.s32 $0x0;
	s20 =	sshll.u32 s5, $0x1;
	s5 =	sadd.s32 s21, s3  }
0x9d: {  	[timem:s7], [sflag:s22] =	dma.local [hbm:s5], s20  }
0x9e: {  	_ =	swait.ge [sflag:s22], s20  }
0x9f: {  	s4 =	ssub.s32 $0x0, s20;
	[sflag:s22] =	ssyncset.done $0x0  }
0xa0: {  	[sflag:s22] =	ssyncadd.s32 s4;
	_ =	sdelay $0x1  }
0xa1: {  	s23 =	simm.s32 $0x1B8B  }
0xa2: {  	_ =	swait.ge [sflag:s23], $0x1  }
0xa3: {  	[sflag:s23] =	ssyncset.done $0x0  }
0xa4: {  	s25 =	simm.s32 $0x1B8E;
	s24 =	sld [smem:$0x3FFE];
	[sflag:s23] =	ssyncadd.s32 $0xFFFFFFFF  }
0xa5: {  	s26 =	simm.s32 $execute0_lowered;
	[smem:$0x3FD2] =	sst s25  }
0xa6: {  	s5 =	sshll.u32 s26, $0x1;
	_ =	strace $0x80000049;
	[dreg:$0x1] =	wrdreg $0xFFFFFFFF  }
0xa7: {  	s28 =	simm.s32 $_size_execute0_lowered;
	s3 =	sadd.s32 s3, s5;
	[dreg:$0x0] =	wrdreg $0x0  }
0xa8: {  	s5 =	sshll.u32 s28, $0x1;
	[dreg:$0x2] =	wrdreg s3  }
0xa9: {  	[dreg:$0x3] =	wrdreg s5  }
0xaa: {  	[dreg:$0x4] =	wrdreg $0xC0  }
0xab: {  	_ =	task [dreg:s7], $0x5FFFF  }
0xac: {  	[dreg:$0x1] =	wrdreg $0xFFFFFFFF  }
0xad: {  	[dreg:$0x0] =	wrdreg $0x60  }
0xae: {  	[dreg:$0x2] =	wrdreg s24  }
0xaf: {  	[dreg:$0x3] =	wrdreg s2  }
0xb0: {  	[dreg:$0x4] =	wrdreg $0x10D600  }
0xb1: {  	[dreg:$0x5] =	wrdreg $0x9  }
0xb2: {  	_ =	task.clear_ibuf [dreg:s7], $0x6FFFF;
	_ =	strace $0x90000049  }
0xb3: {  	s29 =	simm.s32 $0x9;
	_ =	strace $0x8000004B  }
0xb4: {  	_ =	swait.ge [sflag:s29], $0x1  }
0xb5: {  	[sflag:s29] =	ssyncadd.s32 $0xFFFFFFFF  }
0xb6: {  	_ =	strace $0x9000004B  }
0xb7: {  	_ =	sfence  }
0xb8: {  	s30 =	sld [smem:$0x0];
	_ =	sdelay $0x2  }
0xb9: {  	s31 =	sshll.u32 s1, $0xD;
	s1 =	sshrl.u32 s1, $0x2  }
0xba: {  	s3 =	sand.u32 $0x4000, s31;
	s1 =	sadd.s32 s1, s30  }
0xbb: {  	s0 =	sor.u32 s3, s0;
	s1 =	sshll.u32 s1, $0x11  }
0xbc: {  	s0 =	sor.u32 s1, s0  }
0xbd: {  	s0 =	sadd.s32 $0x8F2B, s0  }
0xbe: {  	[sflag:s0] =	ssyncadd.remote.s32 $0x1  }
0xbf: {  	_ =	sfence.sel $0xFFFF  }
0xc0: {  	[dreg:$0x0] =	wrdreg $0xFFFFFFFF;
	(pc) =	sbr.abs _section_cstart, $3  }
0xc1: {  	[dreg:$0x1] =	wrdreg $0xFFFFFFFF  }
0xc2: {  	_ =	task.clear_ibuf [dreg:s7], $0x2FFFF;
	_ =	strace $0x9FFFFFFF  }
0xc3: {  	(tm) =	ssettm $0x7FFFFFFF  }
tec
execute0_lowered:
.L_overlay_start_1:
0x0: {  	(tag) =	ssettag $0x1  }
0x1: {  	s0 =	rddreg [dreg:$0x0]  }
0x2: {  	s1 =	rddreg [dreg:$0x1]  }
0x3: {  	s2 =	rddreg [dreg:$0x2];
	s3 =	simm.s32 $0x0;
	s4 =	srdreg.scid  }
0x4: {  	s11 =	stileid.u32;
	s28 =	simm.s32 $0x50;
	s29 =	simm.s32 $0x4E200  }
0x5: {  	s31 =	simm.s32 $0x4B0;
	s14 =	simm.s32 $0x7120;
	[smem:$0x7FF] =	sst s3  }
0x6: {  	s5 =	sadd.s32 $0x5E00, s0;
	s6 =	sadd.s32 $0x229C00, s0;
	s15 =	smul.u32 $0x3E800, s11  }
0x7: {  	s12 =	sand.u32 $0x1, s4;
	s8 =	sadd.s32 $0x389600, s0;
	s7 =	sadd.s32 $0x250E00, s0  }
0x8: {  	s10 =	sshll.u32 s11, $0x1;
	_ =	strace $0x8000004A;
	[dreg:$0x5] =	wrdreg s7  }
0x9: {  	s23 =	smul.u32 $0x3E8, s11;
	s24 =	sadd.s32 $0x251440, s0;
	[dreg:$0x4] =	wrdreg s12  }
0xa: {  	s25 =	sadd.s32 $0x251A80, s0;
	s26 =	sadd.s32 $0x2520C0, s0;
	[dreg:$0xd] =	wrdreg s24  }
0xb: {  	s0 =	sadd.s32 $0x252700, s0;
	p0 =	sgt.u32 s11, $0x9;
	[dreg:$0xe] =	wrdreg s25  }
0xc: {  	s11 =	simm.s32 $0x1E0;
	s16 =	ssub.s32 $0x2, s12;
	[dreg:$0x10] =	wrdreg s26  }
0xd: {  	s17 =	sor.u32 s12, s10;
	[dreg:$0x11] =	wrdreg s0;
	s26 =	simm.s32 $0x5  }
0xe: {  	s25 =	simm.s32 $0x370;
	s12 =	simm.s32 $0x59B0;
	s10 =	simm.s32 $0x2  }
0xf: {  	s9 =	sshrl.u32 s16, $0x1;
	s4 =	sshrl.u32 s15, $0x2;
	s13 =	smul.u32 $0x2710, s17  }
0x10: {  	s21 =	smul.u32 $0x1388, s17;
	[dreg:$0xb] =	wrdreg s23;
	s17 =	simm.s32 $0x31B0  }
0x11: {  	s23 =	simm.s32 $0x7260;
	s7 =	ssub.s32 s16, s9;
	s4 =	sadd.s32 s4, s2  }
0x12: {  	s18 =	sadd.s32 $0x3200, s4;
	s19 =	sadd.s32 $0x6400, s4;
	[dreg:$0x6] =	wrdreg s4  }
0x13: {  	s20 =	sadd.s32 $0x9600, s4;
	s4 =	sadd.s32 $0xC800, s4;
	[dreg:$0x7] =	wrdreg s18  }
0x14: {  	s22 =	sshrl.u32 s13, $0x3;
	s16 =	sadd.s32 $0xA0, s13;
	[dreg:$0x8] =	wrdreg s19  }
.Ltmp0:
0x15: {  	s30 =	smax.u32 s7, $0x1;
	[dreg:$0x9] =	wrdreg s20;
	(pc) =	sbr.rel .LBB2_1-.Ltmp0, $4  }
0x16: {  	s7 =	simm.s32 $0x1DB0;
	[dreg:$0xa] =	wrdreg s4;
	s9 =	sadd.s32 s5, s22  }
0x17: {  	v2 =	vlaneseq.u32;
	s4 =	sadd.s32 s6, s21;
	[dreg:$0x12] =	wrdreg s30;
	s18 =	simm.s32 $0x190  }
0x18: {  	v1 =	vshrl.u32 v2, $0x2;
	s19 =	simm.s32 $0x45B0;
	s22 =	simm.s32 $0x1;
	[dreg:$0xc] =	wrdreg s9  }
0x19: {  	v0 =	vimm.f32 $0.0e+00;
	v2 =	vand.u32 $0x3, v2;
	v1 =	vmul.u32 $0x10, v1;
	[dreg:$0xf] =	wrdreg s4;
	s9 =	simm.s32 $0x140;
	s4 =	simm.s32 $0x0  }
.LBB2_23:
0x1a: {  	s4 =	rddreg [dreg:$0x13]  }
0x1b: {  	s0 =	rddreg [dreg:$0x12];
	s4 =	sadd.s32 $0x1, s4  }
0x1c: {  	p1 =	sne.s32 s4, s0  }
.Ltmp1:
0x1d: {  	_ = 	snop;
	(pc) =	sbr.rel @!p1 .LBB2_24-.Ltmp1, $1  }
0x1e: {  	_ =	sdelay $0x3  }
.LBB2_1:
.Ltmp2:
0x1f: {  	(pc) =	sbr.rel .LBB2_2-.Ltmp2, $2  }
0x20: {  	_ =	sdelay $0x2  }
0x21: {  	[dreg:$0x13] =	wrdreg s4;
	p2 =	por $0x1, $0x1;
	s24 =	simm.s32 $0x0  }
.LBB2_22:
0x22: {  	s0 =	simm.s32 $0x3  }
0x23: {  	_ =	swait.ge [sflag:s0], $0x1400  }
0x24: {  	[sflag:s0] =	ssyncset.done $0x0  }
0x25: {  	s30 =	simm.s32 $0x4;
	[sflag:s0] =	ssyncadd.s32 $0xFFFFEC00  }
0x26: {  	_ =	swait.ge [sflag:s30], $0x1400  }
0x27: {  	[sflag:s30] =	ssyncset.done $0x0  }
0x28: {  	[sflag:s30] =	ssyncadd.s32 $0xFFFFEC00  }
0x29: {  	[bflag:$0x0] =	sbarrier.arrive $0xFFFF  }
0x2a: {  	s0 =	simm.s32 @!p0 $0xDB60;
	s4 =	rddreg [dreg:$0x6]  }
0x2b: {  	[tilespmem:s0], [sflag:$0x5] =	stream.linear.gather @!p0 [spmem:s4], $0x3200, $0x38;
	[tilespmem:$0x1A9A0] =	vst v63  }
0x2c: {  	s4 =	rddreg [dreg:$0x14]  }
0x2d: {  	s15 =	rddreg [dreg:$0x4];
	s4 =	sshll.u32 @!p0 s4, $0x1  }
0x2e: {  	s4 =	sor.u32 @!p0 s15, s4;
	s15 =	simm.s32 @!p0 $0x5  }
0x2f: {  	s4 =	smul.u32 @!p0 $0x2710, s4;
	_ =	swait.ge @!p0 [sflag:s15], $0x3200  }
0x30: {  	s20 =	rddreg [dreg:$0xb]  }
0x31: {  	s4 =	sadd.s32 @!p0 s20, s4  }
0x32: {  	[sflag:s15] =	ssyncset.done @!p0 $0x0;
	s20 =	rddreg [dreg:$0x5];
	s4 =	sshll.u32 @!p0 s4, $0x3  }
0x33: {  	s21 =	simm.s32 @!p0 $0x0;
	[sflag:s15] =	ssyncadd.s32 @!p0 $0xFFFFCE00;
	s20 =	sadd.s32 @!p0 s20, s4  }
0x34: {  	[hbm4b:s20+s21] =	stream.linear.scatter @!p0 [tilespmem:s0], [sflag:$0x5], $0x3200, $0x38;
	[tilespmem:$0x1A9A0] =	vst v63  }
0x35: {  	_ =	swait.ge @!p0 [sflag:s15], $0x3200  }
0x36: {  	[sflag:s15] =	ssyncset.done @!p0 $0x0  }
0x37: {  	s20 =	rddreg [dreg:$0x7];
	[sflag:s15] =	ssyncadd.s32 @!p0 $0xFFFFCE00  }
0x38: {  	[tilespmem:s0], [sflag:$0x5] =	stream.linear.gather @!p0 [spmem:s20], $0x3200, $0x38;
	[tilespmem:$0x1A9A0] =	vst v63  }
0x39: {  	_ =	swait.ge @!p0 [sflag:s15], $0x3200  }
0x3a: {  	[sflag:s15] =	ssyncset.done @!p0 $0x0;
	s20 =	rddreg [dreg:$0xd]  }
0x3b: {  	[sflag:s15] =	ssyncadd.s32 @!p0 $0xFFFFCE00;
	s20 =	sadd.s32 @!p0 s4, s20  }
0x3c: {  	[hbm4b:s20+s21] =	stream.linear.scatter @!p0 [tilespmem:s0], [sflag:$0x5], $0x3200, $0x38;
	[tilespmem:$0x1A9A0] =	vst v63  }
0x3d: {  	_ =	swait.ge @!p0 [sflag:s15], $0x3200  }
0x3e: {  	[sflag:s15] =	ssyncset.done @!p0 $0x0  }
0x3f: {  	s20 =	rddreg [dreg:$0x8];
	[sflag:s15] =	ssyncadd.s32 @!p0 $0xFFFFCE00  }
0x40: {  	[tilespmem:s0], [sflag:$0x5] =	stream.linear.gather @!p0 [spmem:s20], $0x3200, $0x38;
	[tilespmem:$0x1A9A0] =	vst v63  }
0x41: {  	_ =	swait.ge @!p0 [sflag:s15], $0x3200  }
0x42: {  	[sflag:s15] =	ssyncset.done @!p0 $0x0;
	s20 =	rddreg [dreg:$0xe]  }
0x43: {  	[sflag:s15] =	ssyncadd.s32 @!p0 $0xFFFFCE00;
	s20 =	sadd.s32 @!p0 s4, s20  }
0x44: {  	[hbm4b:s20+s21] =	stream.linear.scatter @!p0 [tilespmem:s0], [sflag:$0x5], $0x3200, $0x38;
	[tilespmem:$0x1A9A0] =	vst v63  }
0x45: {  	_ =	swait.ge @!p0 [sflag:s15], $0x3200  }
0x46: {  	[sflag:s15] =	ssyncset.done @!p0 $0x0  }
0x47: {  	s20 =	rddreg [dreg:$0x9];
	[sflag:s15] =	ssyncadd.s32 @!p0 $0xFFFFCE00  }
0x48: {  	[tilespmem:s0], [sflag:$0x5] =	stream.linear.gather @!p0 [spmem:s20], $0x3200, $0x38;
	[tilespmem:$0x1A9A0] =	vst v63  }
0x49: {  	_ =	swait.ge @!p0 [sflag:s15], $0x3200  }
0x4a: {  	[sflag:s15] =	ssyncset.done @!p0 $0x0;
	s20 =	rddreg [dreg:$0x10]  }
0x4b: {  	[sflag:s15] =	ssyncadd.s32 @!p0 $0xFFFFCE00;
	s20 =	sadd.s32 @!p0 s4, s20  }
0x4c: {  	[hbm4b:s20+s21] =	stream.linear.scatter @!p0 [tilespmem:s0], [sflag:$0x5], $0x3200, $0x38;
	[tilespmem:$0x1A9A0] =	vst v63  }
0x4d: {  	_ =	swait.ge @!p0 [sflag:s15], $0x3200  }
0x4e: {  	[sflag:s15] =	ssyncset.done @!p0 $0x0  }
0x4f: {  	s20 =	rddreg [dreg:$0xa];
	[sflag:s15] =	ssyncadd.s32 @!p0 $0xFFFFCE00  }
0x50: {  	[tilespmem:s0], [sflag:$0x5] =	stream.linear.gather @!p0 [spmem:s20], $0x3200, $0x38;
	[tilespmem:$0x1A9A0] =	vst v63  }
0x51: {  	_ =	swait.ge @!p0 [sflag:s15], $0x3200  }
0x52: {  	[sflag:s15] =	ssyncset.done @!p0 $0x0;
	s20 =	rddreg [dreg:$0x11]  }
0x53: {  	[sflag:s15] =	ssyncadd.s32 @!p0 $0xFFFFCE00;
	s4 =	sadd.s32 @!p0 s4, s20  }
0x54: {  	[hbm4b:s4+s21] =	stream.linear.scatter @!p0 [tilespmem:s0], [sflag:$0x5], $0x3200, $0x38;
	[tilespmem:$0x1A9A0] =	vst v63  }
.Ltmp3:
0x55: {  	_ =	swait.ge @!p0 [sflag:s15], $0x3200;
	(pc) =	sbr.rel @!p1 .LBB2_23-.Ltmp3, $4  }
0x56: {  	[sflag:s15] =	ssyncset.done @!p0 $0x0  }
0x57: {  	[sflag:s15] =	ssyncadd.s32 @!p0 $0xFFFFCE00  }
0x58: {  	[bflag:$0x0] =	sbarrier.arrive $0xFFFF  }
0x59: {  	s24 =	simm.s32 $0x1;
	p2 =	por $0x0, $0x0  }
.LBB2_2:
.Ltmp4:
0x5a: {  	(pc) =	sbr.rel @p0 .LBB2_6-.Ltmp4, $2  }
0x5b: {  	_ =	sdelay $0x2  }
0x5c: {  	p1 =	por p2, p2;
	s21 =	simm.s32 $0x0  }
0x5d: {  	s15 =	simm.s32 $0x100;
	s0 =	simm.s32 $0x0  }
.LBB2_4:
0x5e: {  	p2 =	sne.s32 s15, $0xC700;
	[tilespmem:s0+$0xDB90] =	vst v0;
	s20 =	smov.u32 s15;
	s15 =	sadd.s32 $0x100, s15  }
.Ltmp5:
0x5f: {  	[tilespmem:s0+$0xDB80] =	vst v0;
	(pc) =	sbr.rel @p2 .LBB2_4-.Ltmp5, $3  }
0x60: {  	[tilespmem:s0+$0xDB60] =	vst v0  }
0x61: {  	[tilespmem:s0+$0xDB70] =	vst v0;
	_ =	sdelay $0x1  }
0x62: {  	s0 =	sshra.s32 s20, $0x2  }
0x63: {  	[tilespmem:s0+$0xDB90] =	vst v0  }
0x64: {  	[tilespmem:s0+$0xDB80] =	vst v0  }
0x65: {  	[tilespmem:s0+$0xDB60] =	vst v0  }
0x66: {  	[tilespmem:s0+$0xDB70] =	vst v0;
	s20 =	rddreg [dreg:$0x6];
	s4 =	simm.s32 $0xDB60  }
0x67: {  	[spmem:s20] =	stream.linear.scatter [tilespmem:s4], [sflag:$0x5], $0x3200, $0x38;
	[tilespmem:$0x1A9A0] =	vst v63  }
0x68: {  	_ =	swait.ge [sflag:s26], $0x3200  }
0x69: {  	[sflag:s26] =	ssyncset.done $0x0  }
0x6a: {  	s30 =	rddreg [dreg:$0x7];
	[sflag:s26] =	ssyncadd.s32 $0xFFFFCE00  }
0x6b: {  	[spmem:s30] =	stream.linear.scatter [tilespmem:s4], [sflag:$0x5], $0x3200, $0x38;
	[tilespmem:$0x1A9A0] =	vst v63  }
0x6c: {  	_ =	swait.ge [sflag:s26], $0x3200  }
0x6d: {  	[sflag:s26] =	ssyncset.done $0x0  }
0x6e: {  	s15 =	rddreg [dreg:$0x8];
	[sflag:s26] =	ssyncadd.s32 $0xFFFFCE00  }
0x6f: {  	[spmem:s15] =	stream.linear.scatter [tilespmem:s4], [sflag:$0x5], $0x3200, $0x38;
	[tilespmem:$0x1A9A0] =	vst v63  }
0x70: {  	_ =	swait.ge [sflag:s26], $0x3200  }
0x71: {  	[sflag:s26] =	ssyncset.done $0x0  }
0x72: {  	s20 =	rddreg [dreg:$0x9];
	[sflag:s26] =	ssyncadd.s32 $0xFFFFCE00  }
0x73: {  	[spmem:s20] =	stream.linear.scatter [tilespmem:s4], [sflag:$0x5], $0x3200, $0x38;
	[tilespmem:$0x1A9A0] =	vst v63  }
0x74: {  	_ =	swait.ge [sflag:s26], $0x3200  }
0x75: {  	[sflag:s26] =	ssyncset.done $0x0  }
0x76: {  	s30 =	rddreg [dreg:$0xa];
	[sflag:s26] =	ssyncadd.s32 $0xFFFFCE00  }
0x77: {  	[spmem:s30] =	stream.linear.scatter [tilespmem:s4], [sflag:$0x5], $0x3200, $0x38;
	[tilespmem:$0x1A9A0] =	vst v63  }
0x78: {  	_ =	swait.ge [sflag:s26], $0x3200  }
0x79: {  	[sflag:s26] =	ssyncset.done $0x0  }
0x7a: {  	[sflag:s26] =	ssyncadd.s32 $0xFFFFCE00  }
.LBB2_6:
0x7b: {  	[bflag:$0x0] =	sbarrier.arrive $0xFFFF  }
0x7c: {  	s0 =	rddreg [dreg:$0xc]  }
0x7d: {  	[tilespmem:s21], [sflag:$0x5] =	stream.strided.gather [hbm4b:s0+s28], $0xA0, s29, s28, $0x38;
	[tilespmem:$0x1A9A0] =	vst v63  }
0x7e: {  	_ =	swait.ge [sflag:s26], $0xA0  }
0x7f: {  	[sflag:s26] =	ssyncset.done $0x0  }
0x80: {  	s4 =	simm.s32 $0x230;
	s30 =	rddreg [dreg:$0xf];
	[sflag:s26] =	ssyncadd.s32 $0xFFFFFF60  }
0x81: {  	[tilespmem:s4], [sflag:$0x5] =	stream.linear.gather [hbm4b:s30+s21], $0x140, $0x38;
	[tilespmem:$0x1A9A0] =	vst v63  }
0x82: {  	_ =	swait.ge [sflag:s26], $0x140  }
0x83: {  	[sflag:s26] =	ssyncset.done $0x0  }
0x84: {  	[sflag:s26] =	ssyncadd.s32 $0xFFFFFEC0  }
0x85: {  	[tilespmem:s31], [sflag:$0x1] =	stream.indirect.gather [hbm4b:s1+s28], $0x10, s28, s28, $0xb8;
	[tilespmem:$0x1A9A0] =	vst v63  }
0x86: {  	v3 =	vld [tilespmem:$0x0];
	_ =	sdelay $0x2  }
0x87: {  	s0 =	smul.u32 $0x2710, s24  }
0x88: {  	v4 =	vld [tilespmem:$0x10]  }
0x89: {  	s15 =	sadd.s32 $0x4E20, s0;
	v5 =	vadd.s32 s0, v3  }
0x8a: {  	s20 =	sadd.s32 $0x9C40, s0;
	[tilespmem:$0xA0] =	vst v5;
	v5 =	vadd.s32 s15, v3  }
0x8b: {  	s30 =	sadd.s32 $0xEA60, s0;
	[tilespmem:$0xF0] =	vst v5;
	v5 =	vadd.s32 s20, v3  }
0x8c: {  	v3 =	vadd.s32 s30, v3;
	[tilespmem:$0x140] =	vst v5;
	v5 =	vld [tilespmem:$0x20]  }
0x8d: {  	[tilespmem:$0x190] =	vst v3;
	v3 =	vadd.s32 s0, v4  }
0x8e: {  	[tilespmem:$0xB0] =	vst v3;
	v3 =	vadd.s32 s15, v4  }
0x8f: {  	[tilespmem:$0x100] =	vst v3;
	v3 =	vadd.s32 s20, v4  }
0x90: {  	[tilespmem:$0x150] =	vst v3;
	v3 =	vadd.s32 s30, v4;
	v4 =	vld [tilespmem:$0x30]  }
0x91: {  	[tilespmem:$0x1A0] =	vst v3;
	v3 =	vadd.s32 s0, v5  }
0x92: {  	[tilespmem:$0xC0] =	vst v3;
	v3 =	vadd.s32 s15, v5  }
0x93: {  	[tilespmem:$0x110] =	vst v3;
	v3 =	vadd.s32 s20, v5  }
0x94: {  	[tilespmem:$0x160] =	vst v3;
	v3 =	vadd.s32 s30, v5;
	v5 =	vld [tilespmem:$0x40]  }
0x95: {  	[tilespmem:$0x1B0] =	vst v3;
	v3 =	vadd.s32 s0, v4  }
0x96: {  	[tilespmem:$0xD0] =	vst v3;
	v3 =	vadd.s32 s15, v4  }
0x97: {  	[tilespmem:$0x120] =	vst v3;
	v3 =	vadd.s32 s20, v4  }
0x98: {  	[tilespmem:$0x170] =	vst v3;
	v3 =	vadd.s32 s30, v4  }
0x99: {  	[tilespmem:$0x1C0] =	vst v3;
	v3 =	vadd.s32 s0, v5  }
0x9a: {  	[tilespmem:$0xE0] =	vst v3;
	v3 =	vadd.s32 s15, v5  }
0x9b: {  	[tilespmem:$0x130] =	vst v3;
	v3 =	vadd.s32 s20, v5  }
0x9c: {  	[tilespmem:$0x180] =	vst v3;
	v3 =	vadd.s32 s30, v5  }
0x9d: {  	s4 =	simm.s32 $0xA0;
	[dreg:$0x14] =	wrdreg s24;
	s24 =	simm.s32 $0x9B0;
	[tilespmem:$0x1D0] =	vst v3  }
0x9e: {  	[tilespmem:s24], [sflag:$0x1] =	stream.indirect.gather [hbm4b:s8+s28], $0x40, s4, s28, $0xb8;
	[tilespmem:$0x1A9A0] =	vst v63  }
0x9f: {  	s24 =	simm.s32 $0xF0  }
0xa0: {  	[tilespmem:s7], [sflag:$0x1] =	stream.indirect.gather [hbm4b:s8+s28], $0x40, s24, s28, $0xb8;
	[tilespmem:$0x1A9A0] =	vst v63  }
.Ltmp6:
0xa1: {  	_ = 	snop;
	(pc) =	sbr.rel .LBB2_7-.Ltmp6, $4  }
0xa2: {  	_ = 	snop  }
0xa3: {  	[tilespmem:s17], [sflag:$0x1] =	stream.indirect.gather [hbm4b:s8+s28], $0x40, s9, s28, $0xb8;
	[tilespmem:$0x1A9A0] =	vst v63  }
0xa4: {  	v6 =	vmov s30;
	v4 =	vmov s15  }
0xa5: {  	v5 =	vmov s20;
	v3 =	vmov s0;
	[tilespmem:s19], [sflag:$0x1] =	stream.indirect.gather [hbm4b:s8+s28], $0x40, s18, s28, $0xb8;
	[tilespmem:$0x1A9A0] =	vst v63  }
.LBB2_20:
0xa6: {  	v22 =	vld [tilespmem:s30+$0x9F60];
	v19 =	vadd.f32 v20, v19;
	v14 =	vadd.f32 v16, v14;
	v13 =	vmul.f32 v13, v9  }
0xa7: {  	v39 =	vld [tilespmem:s30+$0x9F90];
	v15 =	vadd.f32 v21, v15;
	v12 =	vmul.f32 v12, v9;
	v17 =	vadd.f32 v18, v17  }
0xa8: {  	v40 =	vld [tilespmem:s30+$0x8B60];
	v10 =	vand.u32 $0xFFFFFFFD, v10;
	v43 =	vmul.f32 v11, v9;
	[tilespmem:s15+$0xC790] =	vst v19;
	v13 =	vadd.f32 v13, v14  }
0xa9: {  	v10 =	vbroadcast v10, $0x0;
	v44 =	vadd.f32 v12, v15;
	v41 =	vld [tilespmem:s30+$0x8B70]  }
0xaa: {  	s0 =	sadd.s32 $0x2, s20;
	v9 =	vadd.f32 v43, v17;
	v42 =	vld [tilespmem:s30+$0x7760];
	[tilespmem:s15+$0xC760] =	vst v13  }
0xab: {  	v45 =	vmov s0;
	v13 =	vld [tilespmem:s30+$0x7770];
	[tilespmem:s15+$0xC770] =	vst v44  }
0xac: {  	s20 =	sadd.s32 $0x3, s20;
	v12 =	vand.u32 $0xFFFFFFFE, v45;
	v47 =	vld [tilespmem:s30+$0x7780];
	[tilespmem:s15+$0xC780] =	vst v9  }
0xad: {  	v48 =	vmov s20;
	v46 =	vbroadcast v12, $0x0;
	v8 =	vld.idx.msk [tilespmem:v8+s14+$0x0], $0xffff  }
0xae: {  	v9 =	vld [tilespmem:s30+$0x7790]  }
0xaf: {  	v10 =	vld.idx.msk [tilespmem:v10+s14+$0x0], $0xffff  }
0xb0: {  	v49 =	vld [tilespmem:s30+$0x8B90]  }
0xb1: {  	v19 =	vld [tilespmem:s30+$0x8B80]  }
0xb2: {  	v15 =	vld.idx.msk [tilespmem:v48+s14+$0x0], $0xffff  }
0xb3: {  	v11 =	vld.idx.msk [tilespmem:v46+s14+$0x0], $0xffff;
	v9 =	vmul.f32 v9, v8;
	v18 =	vmul.f32 v42, v8  }
0xb4: {  	v50 =	vld [tilespmem:s30+$0x9F70];
	v13 =	vmul.f32 v13, v8;
	v8 =	vmul.f32 v47, v8  }
0xb5: {  	v52 =	vld [tilespmem:s30+$0x9F80];
	v51 =	vmul.f32 v49, v10;
	v16 =	vmul.f32 v40, v10  }
0xb6: {  	v23 =	vld [tilespmem:s30+$0xB360];
	v14 =	vmul.f32 v41, v10;
	v10 =	vmul.f32 v19, v10;
	v9 =	vadd.f32 $0.0e+00, v9  }
0xb7: {  	v55 =	vld [tilespmem:s30+$0xB380];
	v7 =	vmul.f32 v7, v15;
	v18 =	vadd.f32 $0.0e+00, v18;
	v13 =	vadd.f32 $0.0e+00, v13  }
0xb8: {  	v54 =	vld [tilespmem:s30+$0xB370];
	v53 =	vmul.f32 v39, v11;
	v8 =	vadd.f32 $0.0e+00, v8;
	v9 =	vadd.f32 v51, v9  }
0xb9: {  	v56 =	vmul.f32 v22, v11;
	v57 =	vmul.f32 v50, v11;
	v16 =	vadd.f32 v16, v18  }
0xba: {  	v11 =	vmul.f32 v52, v11;
	v8 =	vadd.f32 v10, v8;
	v9 =	vadd.f32 v53, v9  }
0xbb: {  	v59 =	vmul.f32 v23, v15;
	v13 =	vadd.f32 v14, v13;
	v58 =	vadd.f32 v56, v16  }
0xbc: {  	v63 =	vmul.f32 v55, v15;
	v8 =	vadd.f32 v11, v8;
	v7 =	vadd.f32 v7, v9  }
0xbd: {  	v61 =	vmul.f32 v54, v15;
	v60 =	vadd.f32 v57, v13;
	v62 =	vadd.f32 v59, v58  }
0xbe: {  	v8 =	vadd.f32 v63, v8;
	[tilespmem:s30+$0xC790] =	vst v7  }
0xbf: {  	v7 =	vadd.f32 v61, v60;
	[tilespmem:s30+$0xC760] =	vst v62  }
0xc0: {  	[tilespmem:s30+$0xC780] =	vst v8  }
0xc1: {  	s4 =	simm.s32 $0xC760;
	[tilespmem:s30+$0xC770] =	vst v7;
	s30 =	simm.s32 $0x6F90  }
0xc2: {  	[spmem:s2] =	stream.indirect.scatter.add.f32 [tilespmem:s4], [sflag:$0x4], $0x40, s30, s28, $0xb8;
	[tilespmem:$0x1A9A0] =	vst v63  }
.LBB2_21:
0xc3: {  	s21 =	sadd.s32 $0x1, s21  }
0xc4: {  	p2 =	sne.s32 s21, $0x3F  }
.Ltmp7:
0xc5: {  	_ = 	snop;
	(pc) =	sbr.rel @!p2 .LBB2_22-.Ltmp7, $1  }
0xc6: {  	_ =	sdelay $0x3  }
.LBB2_7:
0xc7: {  	s0 =	sshllo.u32 s21, $0x1  }
0xc8: {  	p2 =	sgt.u32 s0, $0x7C  }
.Ltmp8:
0xc9: {  	_ = 	snop;
	(pc) =	sbr.rel @p2 .LBB2_9-.Ltmp8, $1  }
0xca: {  	_ =	sdelay $0x3  }
0xcb: {  	s0 =	smul.u32 $0x50, s0;
	_ =	sdelay $0x1  }
0xcc: {  	s0 =	sadd.s32 s13, s0  }
0xcd: {  	s15 =	sshrl.u32 s0, $0x3  }
0xce: {  	s4 =	simm.s32 $0x6DB0;
	s15 =	sadd.s32 s5, s15  }
0xcf: {  	[tilespmem:s4], [sflag:$0x5] =	stream.strided.gather [hbm4b:s15+s28], $0xA0, s29, s28, $0x38;
	[tilespmem:$0x1A9A0] =	vst v63  }
0xd0: {  	_ =	swait.ge [sflag:s26], $0xA0  }
0xd1: {  	s0 =	sshrl.u32 s0, $0x1;
	[sflag:s26] =	ssyncset.done $0x0  }
0xd2: {  	s20 =	simm.s32 $0x6FE0;
	s0 =	sadd.s32 s6, s0;
	[sflag:s26] =	ssyncadd.s32 $0xFFFFFF60  }
0xd3: {  	[tilespmem:s20], [sflag:$0x5] =	stream.linear.gather [hbm4b:s0+s3], $0x140, $0x38;
	[tilespmem:$0x1A9A0] =	vst v63  }
0xd4: {  	_ =	swait.ge [sflag:s26], $0x140  }
0xd5: {  	[sflag:s26] =	ssyncset.done $0x0  }
0xd6: {  	s30 =	simm.s32 $0x6E00;
	[sflag:s26] =	ssyncadd.s32 $0xFFFFFEC0  }
0xd7: {  	[tilespmem:s23], [sflag:$0x2] =	stream.indirect.gather [hbm4b:s1+s28], $0x10, s30, s28, $0xb8;
	[tilespmem:$0x1A9A0] =	vst v63  }
0xd8: {  	v7 =	vld [tilespmem:$0x6DB0];
	_ =	sdelay $0x3  }
0xd9: {  	v8 =	vld [tilespmem:$0x6DC0]  }
0xda: {  	v9 =	vadd.s32 v3, v7  }
0xdb: {  	v60 =	vadd.s32 v4, v7;
	[tilespmem:$0x6E50] =	vst v9  }
0xdc: {  	v61 =	vadd.s32 v5, v7;
	[tilespmem:$0x6EA0] =	vst v60  }
0xdd: {  	v62 =	vld [tilespmem:$0x6DD0];
	v7 =	vadd.s32 v6, v7;
	[tilespmem:$0x6EF0] =	vst v61  }
0xde: {  	[tilespmem:$0x6F40] =	vst v7;
	v7 =	vadd.s32 v3, v8  }
0xdf: {  	[tilespmem:$0x6E60] =	vst v7;
	v7 =	vadd.s32 v4, v8  }
0xe0: {  	[tilespmem:$0x6EB0] =	vst v7;
	v7 =	vadd.s32 v5, v8  }
0xe1: {  	[tilespmem:$0x6F00] =	vst v7;
	v7 =	vadd.s32 v6, v8;
	v8 =	vld [tilespmem:$0x6DE0]  }
0xe2: {  	[tilespmem:$0x6F50] =	vst v7;
	v7 =	vadd.s32 v3, v62  }
0xe3: {  	[tilespmem:$0x6E70] =	vst v7;
	v7 =	vadd.s32 v4, v62  }
0xe4: {  	[tilespmem:$0x6EC0] =	vst v7;
	v7 =	vadd.s32 v5, v62  }
0xe5: {  	v63 =	vld [tilespmem:$0x6DF0];
	[tilespmem:$0x6F10] =	vst v7;
	v7 =	vadd.s32 v6, v62  }
0xe6: {  	[tilespmem:$0x6F60] =	vst v7;
	v7 =	vadd.s32 v3, v8  }
0xe7: {  	[tilespmem:$0x6E80] =	vst v7;
	v7 =	vadd.s32 v4, v8  }
0xe8: {  	[tilespmem:$0x6ED0] =	vst v7;
	v7 =	vadd.s32 v5, v8  }
0xe9: {  	[tilespmem:$0x6F20] =	vst v7;
	v7 =	vadd.s32 v6, v8  }
0xea: {  	[tilespmem:$0x6F70] =	vst v7;
	v7 =	vadd.s32 v3, v63  }
0xeb: {  	[tilespmem:$0x6E90] =	vst v7;
	v7 =	vadd.s32 v4, v63  }
0xec: {  	[tilespmem:$0x6EE0] =	vst v7;
	v7 =	vadd.s32 v5, v63  }
0xed: {  	[tilespmem:$0x6F30] =	vst v7;
	v7 =	vadd.s32 v6, v63  }
0xee: {  	s4 =	simm.s32 $0x6E50;
	s15 =	simm.s32 $0x7760;
	[tilespmem:$0x6F80] =	vst v7  }
0xef: {  	[tilespmem:s15], [sflag:$0x2] =	stream.indirect.gather [hbm4b:s8+s28], $0x40, s4, s28, $0xb8;
	[tilespmem:$0x1A9A0] =	vst v63  }
0xf0: {  	s20 =	simm.s32 $0x6EA0;
	s30 =	simm.s32 $0x8B60  }
0xf1: {  	[tilespmem:s30], [sflag:$0x2] =	stream.indirect.gather [hbm4b:s8+s28], $0x40, s20, s28, $0xb8;
	[tilespmem:$0x1A9A0] =	vst v63  }
0xf2: {  	s4 =	simm.s32 $0x6EF0;
	s15 =	simm.s32 $0x9F60  }
0xf3: {  	[tilespmem:s15], [sflag:$0x2] =	stream.indirect.gather [hbm4b:s8+s28], $0x40, s4, s28, $0xb8;
	[tilespmem:$0x1A9A0] =	vst v63  }
0xf4: {  	s20 =	simm.s32 $0x6F40;
	s30 =	simm.s32 $0xB360  }
0xf5: {  	[tilespmem:s30], [sflag:$0x2] =	stream.indirect.gather [hbm4b:s8+s28], $0x40, s20, s28, $0xb8;
	[tilespmem:$0x1A9A0] =	vst v63  }
.LBB2_9:
0xf6: {  	_ =	swait.ge [sflag:s22], $0x500  }
0xf7: {  	[sflag:s22] =	ssyncset.done $0x0  }
0xf8: {  	[sflag:s22] =	ssyncadd.s32 $0xFFFFFB00  }
0xf9: {  	_ =	swait.ge [sflag:s22], $0x1400  }
0xfa: {  	[sflag:s22] =	ssyncset.done $0x0  }
0xfb: {  	[sflag:s22] =	ssyncadd.s32 $0xFFFFEC00  }
0xfc: {  	s0 =	simm.s32 $0x0;
	_ =	swait.ge [sflag:s22], $0x1400  }
0xfd: {  	v7 =	vmov s0;
	[sflag:s22] =	ssyncset.done $0x0  }
0xfe: {  	v7 =	vshll.u32 v7, $0x4;
	[sflag:s22] =	ssyncadd.s32 $0xFFFFEC00  }
0xff: {  	v7 =	vor.u32 v1, v7;
	_ =	swait.ge [sflag:s22], $0x1400  }
0x100: {  	v7 =	vor.u32 v2, v7;
	[sflag:s22] =	ssyncset.done $0x0  }
0x101: {  	[sflag:s22] =	ssyncadd.s32 $0xFFFFEC00  }
0x102: {  	_ =	swait.ge [sflag:s22], $0x1400  }
0x103: {  	[sflag:s22] =	ssyncset.done $0x0  }
0x104: {  	[sflag:s22] =	ssyncadd.s32 $0xFFFFEC00  }
0x105: {  	s30 =	simm.s32 $0x230;
	s15 =	simm.s32 $0x4;
	v7 =	vld.idx.msk [tilespmem:v7+s31+$0x0], $0xffff  }
0x106: {  	v8 =	vmov s15;
	v9 =	vld [tilespmem:s30+$0x0]  }
0x107: {  	v8 =	vshll.u32 v8, $0x4  }
0x108: {  	v8 =	vor.u32 v1, v8  }
0x109: {  	v8 =	vor.u32 v2, v8;
	_ =	sdelay $0x1  }
0x10a: {  	v7 =	vmul.f32 v9, v7  }
0x10b: {  	s0 =	simm.s32 $0x370  }
0x10c: {  	[tilespmem:s0+$0x0] =	vst v7  }
0x10d: {  	s20 =	simm.s32 $0x8;
	s15 =	simm.s32 $0x240;
	v7 =	vld.idx.msk [tilespmem:v8+s31+$0x0], $0xffff  }
0x10e: {  	v9 =	vmov s20;
	s20 =	simm.s32 $0xC;
	v8 =	vld [tilespmem:s15+$0x0]  }
.LBB2_10:
0x10f: {  	p3 =	sne.s32 s20, $0x4C;
	v9 =	vshll.u32 v9, $0x4  }
0x110: {  	v9 =	vor.u32 v1, v9  }
0x111: {  	v9 =	vor.u32 v2, v9;
	_ =	sdelay $0x1  }
.Ltmp9:
0x112: {  	v7 =	vmul.f32 v8, v7;
	(pc) =	sbr.rel @p3 .LBB2_10-.Ltmp9, $4  }
0x113: {  	s0 =	sadd.s32 $0x10, s0  }
0x114: {  	[tilespmem:s0+$0x0] =	vst v7  }
0x115: {  	s15 =	sadd.s32 $0x10, s15;
	v7 =	vld.idx.msk [tilespmem:v9+s31+$0x0], $0xffff  }
0x116: {  	v9 =	vmov s20;
	s20 =	sadd.s32 $0x4, s20;
	v8 =	vld [tilespmem:s15+$0x0]  }
0x117: {  	v9 =	vshll.u32 v9, $0x4  }
0x118: {  	v9 =	vor.u32 v1, v9  }
0x119: {  	v9 =	vor.u32 v2, v9;
	_ =	sdelay $0x1  }
0x11a: {  	v7 =	vmul.f32 v8, v7  }
0x11b: {  	s0 =	sadd.s32 $0x10, s0  }
0x11c: {  	[tilespmem:s0+$0x0] =	vst v7  }
0x11d: {  	s15 =	sadd.s32 $0x10, s15;
	v7 =	vld.idx.msk [tilespmem:v9+s31+$0x0], $0xffff  }
0x11e: {  	v8 =	vld [tilespmem:s15+$0x0];
	_ =	sdelay $0x4  }
0x11f: {  	v7 =	vmul.f32 v8, v7  }
0x120: {  	p3 =	seq.s32 s21, $0x0;
	s0 =	sadd.s32 $0x10, s0  }
0x121: {  	[tilespmem:s0+$0x0] =	vst v7;
	s0 =	simm.s32 @!p3 $0x3  }
0x122: {  	_ =	swait.ge @!p3 [sflag:s0], $0x1400  }
0x123: {  	[sflag:s0] =	ssyncset.done @!p3 $0x0  }
0x124: {  	[sflag:s0] =	ssyncadd.s32 @!p3 $0xFFFFEC00  }
0x125: {  	v7 =	vld [tilespmem:$0x50]  }
0x126: {  	v8 =	vld [tilespmem:$0x60]  }
0x127: {  	v9 =	vld [tilespmem:$0x70]  }
0x128: {  	v10 =	vld [tilespmem:$0x80]  }
0x129: {  	v11 =	vld [tilespmem:$0x90]  }
0x12a: {  	[tilespmem:$0x1E0] =	vst v7  }
0x12b: {  	[tilespmem:$0x1F0] =	vst v8  }
0x12c: {  	[tilespmem:$0x200] =	vst v9  }
0x12d: {  	[tilespmem:$0x210] =	vst v10  }
0x12e: {  	s15 =	simm.s32 $0x0;
	[tilespmem:$0x220] =	vst v11  }
0x12f: {  	s4 =	simm.s32 $0x0;
	v17 =	vld [tilespmem:s15+$0x45E0]  }
0x130: {  	v7 =	vmov s4;
	v11 =	vld [tilespmem:s15+$0x31B0]  }
0x131: {  	s20 =	simm.s32 $0x1;
	v7 =	vand.u32 $0xFFFFFFFC, v7;
	v12 =	vld [tilespmem:s15+$0x31E0]  }
0x132: {  	v8 =	vmov s20;
	v13 =	vld [tilespmem:s15+$0x1DB0];
	v7 =	vbroadcast v7, $0x0  }
0x133: {  	s4 =	simm.s32 $0x2;
	v8 =	vand.u32 $0xFFFFFFFD, v8;
	v14 =	vld [tilespmem:s15+$0x1DC0]  }
0x134: {  	v9 =	vmov s4;
	v10 =	vld [tilespmem:s15+$0x9B0];
	v8 =	vbroadcast v8, $0x0  }
0x135: {  	v15 =	vld [tilespmem:s15+$0x9C0];
	v9 =	vand.u32 $0xFFFFFFFE, v9  }
0x136: {  	v16 =	vld [tilespmem:s15+$0x9D0];
	v9 =	vbroadcast v9, $0x0  }
0x137: {  	v18 =	vld [tilespmem:s15+$0x9E0]  }
0x138: {  	s20 =	simm.s32 $0x3;
	v7 =	vld.idx.msk [tilespmem:v7+s25+$0x0], $0xffff  }
0x139: {  	v19 =	vmov s20;
	s20 =	simm.s32 $0x4;
	v21 =	vld [tilespmem:s15+$0x1DE0]  }
0x13a: {  	v20 =	vld.idx.msk [tilespmem:v8+s25+$0x0], $0xffff;
	v8 =	vmov s20  }
0x13b: {  	v23 =	vld [tilespmem:s15+$0x1DD0];
	v8 =	vand.u32 $0xFFFFFFFC, v8  }
0x13c: {  	v22 =	vld.idx.msk [tilespmem:v9+s25+$0x0], $0xffff;
	v8 =	vbroadcast v8, $0x0  }
0x13d: {  	s4 =	simm.s32 $0x5;
	v25 =	vld [tilespmem:s15+$0x31C0];
	v24 =	vmul.f32 v10, v7;
	v18 =	vmul.f32 v18, v7  }
0x13e: {  	v9 =	vld.idx.msk [tilespmem:v19+s25+$0x0], $0xffff;
	v10 =	vmov s4;
	v15 =	vmul.f32 v15, v7;
	v7 =	vmul.f32 v16, v7  }
0x13f: {  	v63 =	vld [tilespmem:s15+$0x31D0];
	v19 =	vmul.f32 v21, v20;
	v26 =	vmul.f32 v14, v20;
	v18 =	vadd.f32 $0.0e+00, v18  }
0x140: {  	v16 =	vadd.f32 $0.0e+00, v24;
	v21 =	vadd.f32 $0.0e+00, v7;
	v7 =	vmul.f32 v13, v20;
	v13 =	vld [tilespmem:s15+$0x45B0]  }
0x141: {  	v15 =	vadd.f32 $0.0e+00, v15;
	v18 =	vadd.f32 v19, v18;
	v19 =	vmul.f32 v12, v22;
	v12 =	vld [tilespmem:s15+$0x45C0]  }
0x142: {  	v23 =	vmul.f32 v23, v20;
	v14 =	vadd.f32 v7, v16;
	v16 =	vmul.f32 v11, v22;
	v11 =	vld [tilespmem:s15+$0x45D0]  }
0x143: {  	s30 =	simm.s32 $0x40;
	v20 =	vmul.f32 v17, v9;
	v15 =	vadd.f32 v26, v15;
	v19 =	vadd.f32 v19, v18  }
0x144: {  	s0 =	simm.s32 $0x200;
	v7 =	vld [tilespmem:s30+$0x45E0];
	v17 =	vadd.f32 v23, v21;
	v21 =	vmul.f32 v25, v22;
	v18 =	vmul.f32 v63, v22  }
.LBB2_12:
0x145: {  	p4 =	sne.s32 s0, $0x4F00;
	v22 =	vld [tilespmem:s30+$0x31B0];
	v14 =	vadd.f32 v16, v14;
	v13 =	vmul.f32 v13, v9;
	v16 =	vadd.f32 v20, v19  }
0x146: {  	v19 =	vld [tilespmem:s30+$0x31E0];
	v15 =	vadd.f32 v21, v15;
	v17 =	vadd.f32 v18, v17;
	v12 =	vmul.f32 v12, v9  }
0x147: {  	v10 =	vand.u32 $0xFFFFFFFD, v10;
	s4 =	sadd.s32 $0x2, s20;
	v18 =	vld [tilespmem:s30+$0x1DB0];
	v13 =	vadd.f32 v13, v14;
	v9 =	vmul.f32 v11, v9;
	[tilespmem:s15+$0x59E0] =	vst v16  }
0x148: {  	v10 =	vbroadcast v10, $0x0;
	v14 =	vmov s4;
	v11 =	vld [tilespmem:s30+$0x1DC0];
	v12 =	vadd.f32 v12, v15  }
0x149: {  	v14 =	vand.u32 $0xFFFFFFFE, v14;
	v15 =	vld [tilespmem:s30+$0x9B0];
	v9 =	vadd.f32 v9, v17;
	[tilespmem:s15+$0x59B0] =	vst v13  }
0x14a: {  	v14 =	vbroadcast v14, $0x0;
	v13 =	vld [tilespmem:s30+$0x9C0];
	[tilespmem:s15+$0x59C0] =	vst v12  }
0x14b: {  	v12 =	vld [tilespmem:s30+$0x9D0];
	[tilespmem:s15+$0x59D0] =	vst v9;
	s15 =	smov.u32 s30  }
0x14c: {  	s4 =	sadd.s32 $0x3, s20;
	v16 =	vld.idx.msk [tilespmem:v8+s25+$0x0], $0xffff  }
0x14d: {  	v17 =	vmov s4;
	v9 =	vld [tilespmem:s15+$0x9E0]  }
0x14e: {  	s20 =	sadd.s32 $0x4, s20;
	v20 =	vld.idx.msk [tilespmem:v10+s25+$0x0], $0xffff  }
0x14f: {  	v8 =	vmov s20;
	v21 =	vld [tilespmem:s15+$0x1DE0]  }
0x150: {  	v8 =	vand.u32 $0xFFFFFFFC, v8;
	v23 =	vld.idx.msk [tilespmem:v14+s25+$0x0], $0xffff  }
0x151: {  	v8 =	vbroadcast v8, $0x0;
	v24 =	vld [tilespmem:s15+$0x1DD0]  }
0x152: {  	s4 =	sadd.s32 $0x1, s20;
	v14 =	vmul.f32 v15, v16;
	v15 =	vmul.f32 v9, v16;
	v9 =	vld.idx.msk [tilespmem:v17+s25+$0x0], $0xffff  }
0x153: {  	v10 =	vmov s4;
	v13 =	vmul.f32 v13, v16;
	v12 =	vmul.f32 v12, v16;
	v25 =	vld [tilespmem:s15+$0x31C0]  }
0x154: {  	v14 =	vadd.f32 $0.0e+00, v14;
	v15 =	vadd.f32 $0.0e+00, v15;
	v16 =	vmul.f32 v21, v20;
	v26 =	vld [tilespmem:s15+$0x31D0]  }
.Ltmp10:
0x155: {  	v17 =	vadd.f32 $0.0e+00, v13;
	v18 =	vmul.f32 v18, v20;
	v21 =	vadd.f32 $0.0e+00, v12;
	v13 =	vld [tilespmem:s15+$0x45B0];
	(pc) =	sbr.rel @p4 .LBB2_12-.Ltmp10, $4  }
0x156: {  	v27 =	vmul.f32 v11, v20;
	v19 =	vmul.f32 v19, v23;
	v28 =	vadd.f32 v16, v15;
	v12 =	vld [tilespmem:s15+$0x45C0]  }
0x157: {  	v14 =	vadd.f32 v18, v14;
	v18 =	vmul.f32 v24, v20;
	v16 =	vmul.f32 v22, v23;
	v11 =	vld [tilespmem:s15+$0x45D0]  }
0x158: {  	s30 =	sshra.s32 s0, $0x2;
	v15 =	vadd.f32 v27, v17;
	v20 =	vmul.f32 v7, v9;
	v19 =	vadd.f32 v19, v28  }
0x159: {  	s0 =	sadd.s32 $0x100, s0;
	v17 =	vadd.f32 v18, v21;
	v21 =	vmul.f32 v25, v23;
	v7 =	vld [tilespmem:s30+$0x45E0];
	v18 =	vmul.f32 v26, v23  }
0x15a: {  	v22 =	vld [tilespmem:s30+$0x31B0];
	v19 =	vadd.f32 v20, v19;
	v14 =	vadd.f32 v16, v14;
	v13 =	vmul.f32 v13, v9  }
0x15b: {  	v39 =	vld [tilespmem:s30+$0x31E0];
	v10 =	vand.u32 $0xFFFFFFFD, v10;
	v15 =	vadd.f32 v21, v15;
	v12 =	vmul.f32 v12, v9  }
0x15c: {  	v40 =	vld [tilespmem:s30+$0x1DB0];
	v17 =	vadd.f32 v18, v17;
	[tilespmem:s15+$0x59E0] =	vst v19;
	v13 =	vadd.f32 v13, v14;
	v43 =	vmul.f32 v11, v9  }
0x15d: {  	v10 =	vbroadcast v10, $0x0;
	v41 =	vld [tilespmem:s30+$0x1DC0];
	v44 =	vadd.f32 v12, v15  }
0x15e: {  	s0 =	sadd.s32 $0x2, s20;
	v42 =	vld [tilespmem:s30+$0x9B0];
	[tilespmem:s15+$0x59B0] =	vst v13;
	v9 =	vadd.f32 v43, v17  }
0x15f: {  	v45 =	vmov s0;
	v13 =	vld [tilespmem:s30+$0x9C0];
	[tilespmem:s15+$0x59C0] =	vst v44  }
0x160: {  	s20 =	sadd.s32 $0x3, s20;
	v12 =	vand.u32 $0xFFFFFFFE, v45;
	v47 =	vld [tilespmem:s30+$0x9D0];
	[tilespmem:s15+$0x59D0] =	vst v9  }
0x161: {  	v48 =	vmov s20;
	v46 =	vbroadcast v12, $0x0;
	v8 =	vld.idx.msk [tilespmem:v8+s25+$0x0], $0xffff  }
0x162: {  	v9 =	vld [tilespmem:s30+$0x9E0]  }
0x163: {  	v10 =	vld.idx.msk [tilespmem:v10+s25+$0x0], $0xffff  }
0x164: {  	v49 =	vld [tilespmem:s30+$0x1DE0]  }
0x165: {  	v19 =	vld [tilespmem:s30+$0x1DD0]  }
0x166: {  	v15 =	vld.idx.msk [tilespmem:v48+s25+$0x0], $0xffff  }
0x167: {  	v11 =	vld.idx.msk [tilespmem:v46+s25+$0x0], $0xffff;
	v9 =	vmul.f32 v9, v8;
	v18 =	vmul.f32 v42, v8  }
0x168: {  	v50 =	vld [tilespmem:s30+$0x31C0];
	v13 =	vmul.f32 v13, v8;
	v8 =	vmul.f32 v47, v8  }
0x169: {  	v52 =	vld [tilespmem:s30+$0x31D0];
	v51 =	vmul.f32 v49, v10;
	v16 =	vmul.f32 v40, v10  }
0x16a: {  	v23 =	vld [tilespmem:s30+$0x45B0];
	v14 =	vmul.f32 v41, v10;
	v10 =	vmul.f32 v19, v10;
	v9 =	vadd.f32 $0.0e+00, v9  }
0x16b: {  	v55 =	vld [tilespmem:s30+$0x45D0];
	v7 =	vmul.f32 v7, v15;
	v18 =	vadd.f32 $0.0e+00, v18;
	v13 =	vadd.f32 $0.0e+00, v13  }
0x16c: {  	v54 =	vld [tilespmem:s30+$0x45C0];
	v8 =	vadd.f32 $0.0e+00, v8;
	v53 =	vmul.f32 v39, v11;
	v9 =	vadd.f32 v51, v9  }
0x16d: {  	v56 =	vmul.f32 v22, v11;
	v57 =	vmul.f32 v50, v11;
	v16 =	vadd.f32 v16, v18  }
0x16e: {  	v11 =	vmul.f32 v52, v11;
	v8 =	vadd.f32 v10, v8;
	v9 =	vadd.f32 v53, v9  }
0x16f: {  	v59 =	vmul.f32 v23, v15;
	v13 =	vadd.f32 v14, v13;
	v58 =	vadd.f32 v56, v16  }
0x170: {  	v63 =	vmul.f32 v55, v15;
	v8 =	vadd.f32 v11, v8;
	v7 =	vadd.f32 v7, v9  }
0x171: {  	p4 =	seq.s32 s21, $0x3E;
	v61 =	vmul.f32 v54, v15;
	v60 =	vadd.f32 v57, v13;
	v62 =	vadd.f32 v59, v58  }
.Ltmp11:
0x172: {  	v8 =	vadd.f32 v63, v8;
	[tilespmem:s30+$0x59E0] =	vst v7;
	(pc) =	sbr.rel @p4 .LBB2_15-.Ltmp11, $4  }
0x173: {  	v7 =	vadd.f32 v61, v60;
	[tilespmem:s30+$0x59B0] =	vst v62  }
0x174: {  	[tilespmem:s30+$0x59D0] =	vst v8  }
0x175: {  	[tilespmem:s30+$0x59C0] =	vst v7  }
0x176: {  	[spmem:s2] =	stream.indirect.scatter.add.f32 [tilespmem:s12], [sflag:$0x3], $0x40, s11, s28, $0xb8;
	[tilespmem:$0x1A9A0] =	vst v63  }
0x177: {  	s0 =	smul.u32 $0xA0, s21;
	_ =	sdelay $0x1  }
0x178: {  	s0 =	sadd.s32 s0, s16  }
0x179: {  	s4 =	sshrl.u32 s0, $0x3  }
0x17a: {  	s4 =	sadd.s32 s5, s4  }
0x17b: {  	[tilespmem:s3], [sflag:$0x5] =	stream.strided.gather [hbm4b:s4+s28], $0xA0, s29, s28, $0x38;
	[tilespmem:$0x1A9A0] =	vst v63  }
0x17c: {  	s0 =	sshrl.u32 s0, $0x1;
	_ =	swait.ge [sflag:s26], $0xA0  }
0x17d: {  	s0 =	sand.u32 $0x1FFFFFF8, s0;
	[sflag:s26] =	ssyncset.done $0x0  }
0x17e: {  	s15 =	simm.s32 $0x230;
	s0 =	sadd.s32 s6, s0;
	[sflag:s26] =	ssyncadd.s32 $0xFFFFFF60  }
0x17f: {  	[tilespmem:s15], [sflag:$0x5] =	stream.linear.gather [hbm4b:s0+s3], $0x140, $0x38;
	[tilespmem:$0x1A9A0] =	vst v63  }
0x180: {  	_ =	swait.ge [sflag:s26], $0x140  }
0x181: {  	[sflag:s26] =	ssyncset.done $0x0  }
0x182: {  	[sflag:s26] =	ssyncadd.s32 $0xFFFFFEC0  }
0x183: {  	[tilespmem:s31], [sflag:$0x1] =	stream.indirect.gather [hbm4b:s1+s28], $0x10, s28, s28, $0xb8;
	[tilespmem:$0x1A9A0] =	vst v63  }
0x184: {  	v7 =	vld [tilespmem:$0x0];
	_ =	sdelay $0x3  }
0x185: {  	v8 =	vld [tilespmem:$0x10]  }
0x186: {  	v9 =	vadd.s32 v3, v7  }
0x187: {  	v60 =	vadd.s32 v4, v7;
	[tilespmem:$0xA0] =	vst v9  }
0x188: {  	v61 =	vadd.s32 v5, v7;
	[tilespmem:$0xF0] =	vst v60  }
0x189: {  	v62 =	vld [tilespmem:$0x20];
	v7 =	vadd.s32 v6, v7;
	[tilespmem:$0x140] =	vst v61  }
0x18a: {  	[tilespmem:$0x190] =	vst v7;
	v7 =	vadd.s32 v3, v8  }
0x18b: {  	[tilespmem:$0xB0] =	vst v7;
	v7 =	vadd.s32 v4, v8  }
0x18c: {  	[tilespmem:$0x100] =	vst v7;
	v7 =	vadd.s32 v5, v8  }
0x18d: {  	[tilespmem:$0x150] =	vst v7;
	v7 =	vadd.s32 v6, v8;
	v8 =	vld [tilespmem:$0x30]  }
0x18e: {  	[tilespmem:$0x1A0] =	vst v7;
	v7 =	vadd.s32 v3, v62  }
0x18f: {  	[tilespmem:$0xC0] =	vst v7;
	v7 =	vadd.s32 v4, v62  }
0x190: {  	[tilespmem:$0x110] =	vst v7;
	v7 =	vadd.s32 v5, v62  }
0x191: {  	v63 =	vld [tilespmem:$0x40];
	[tilespmem:$0x160] =	vst v7;
	v7 =	vadd.s32 v6, v62  }
0x192: {  	[tilespmem:$0x1B0] =	vst v7;
	v7 =	vadd.s32 v3, v8  }
0x193: {  	[tilespmem:$0xD0] =	vst v7;
	v7 =	vadd.s32 v4, v8  }
0x194: {  	[tilespmem:$0x120] =	vst v7;
	v7 =	vadd.s32 v5, v8  }
0x195: {  	[tilespmem:$0x170] =	vst v7;
	v7 =	vadd.s32 v6, v8  }
0x196: {  	[tilespmem:$0x1C0] =	vst v7;
	v7 =	vadd.s32 v3, v63  }
0x197: {  	[tilespmem:$0xE0] =	vst v7;
	v7 =	vadd.s32 v4, v63  }
0x198: {  	[tilespmem:$0x130] =	vst v7;
	v7 =	vadd.s32 v5, v63  }
0x199: {  	[tilespmem:$0x180] =	vst v7;
	v7 =	vadd.s32 v6, v63  }
0x19a: {  	s20 =	simm.s32 $0xA0;
	s30 =	simm.s32 $0x9B0;
	[tilespmem:$0x1D0] =	vst v7  }
0x19b: {  	[tilespmem:s30], [sflag:$0x1] =	stream.indirect.gather [hbm4b:s8+s28], $0x40, s20, s28, $0xb8;
	[tilespmem:$0x1A9A0] =	vst v63  }
0x19c: {  	_ = 	snop  }
0x19d: {  	[tilespmem:s7], [sflag:$0x1] =	stream.indirect.gather [hbm4b:s8+s28], $0x40, s24, s28, $0xb8;
	[tilespmem:$0x1A9A0] =	vst v63  }
0x19e: {  	_ = 	snop  }
0x19f: {  	[tilespmem:s17], [sflag:$0x1] =	stream.indirect.gather [hbm4b:s8+s28], $0x40, s9, s28, $0xb8;
	[tilespmem:$0x1A9A0] =	vst v63  }
0x1a0: {  	_ = 	snop  }
0x1a1: {  	[tilespmem:s19], [sflag:$0x1] =	stream.indirect.gather [hbm4b:s8+s28], $0x40, s18, s28, $0xb8;
	[tilespmem:$0x1A9A0] =	vst v63  }
.LBB2_15:
.Ltmp12:
0x1a2: {  	(pc) =	sbr.rel @p2 .LBB2_21-.Ltmp12, $1  }
0x1a3: {  	_ =	sdelay $0x3  }
0x1a4: {  	_ =	swait.ge [sflag:s10], $0x500  }
0x1a5: {  	[sflag:s10] =	ssyncset.done $0x0  }
0x1a6: {  	[sflag:s10] =	ssyncadd.s32 $0xFFFFFB00  }
0x1a7: {  	_ =	swait.ge [sflag:s10], $0x1400  }
0x1a8: {  	[sflag:s10] =	ssyncset.done $0x0  }
0x1a9: {  	[sflag:s10] =	ssyncadd.s32 $0xFFFFEC00  }
0x1aa: {  	s0 =	simm.s32 $0x0;
	_ =	swait.ge [sflag:s10], $0x1400  }
0x1ab: {  	v7 =	vmov s0;
	[sflag:s10] =	ssyncset.done $0x0  }
0x1ac: {  	v7 =	vshll.u32 v7, $0x4;
	[sflag:s10] =	ssyncadd.s32 $0xFFFFEC00  }
0x1ad: {  	v7 =	vor.u32 v1, v7;
	_ =	swait.ge [sflag:s10], $0x1400  }
0x1ae: {  	v7 =	vor.u32 v2, v7;
	[sflag:s10] =	ssyncset.done $0x0  }
0x1af: {  	[sflag:s10] =	ssyncadd.s32 $0xFFFFEC00  }
0x1b0: {  	_ =	swait.ge [sflag:s10], $0x1400  }
0x1b1: {  	[sflag:s10] =	ssyncset.done $0x0  }
0x1b2: {  	[sflag:s10] =	ssyncadd.s32 $0xFFFFEC00  }
0x1b3: {  	s20 =	simm.s32 $0x6FE0;
	s4 =	simm.s32 $0x4;
	v7 =	vld.idx.msk [tilespmem:v7+s23+$0x0], $0xffff  }
0x1b4: {  	v8 =	vmov s4;
	v9 =	vld [tilespmem:s20+$0x0]  }
0x1b5: {  	v8 =	vshll.u32 v8, $0x4  }
0x1b6: {  	v8 =	vor.u32 v1, v8  }
0x1b7: {  	v8 =	vor.u32 v2, v8;
	_ =	sdelay $0x1  }
0x1b8: {  	v7 =	vmul.f32 v9, v7  }
0x1b9: {  	s0 =	simm.s32 $0x7120  }
0x1ba: {  	[tilespmem:s0+$0x0] =	vst v7  }
0x1bb: {  	s30 =	simm.s32 $0x8;
	s15 =	simm.s32 $0x6FF0;
	v7 =	vld.idx.msk [tilespmem:v8+s23+$0x0], $0xffff  }
0x1bc: {  	s20 =	simm.s32 $0xC;
	v9 =	vmov s30;
	v8 =	vld [tilespmem:s15+$0x0]  }
.LBB2_17:
0x1bd: {  	p2 =	sne.s32 s20, $0x4C;
	v9 =	vshll.u32 v9, $0x4  }
0x1be: {  	v9 =	vor.u32 v1, v9  }
0x1bf: {  	v9 =	vor.u32 v2, v9;
	_ =	sdelay $0x1  }
.Ltmp13:
0x1c0: {  	v7 =	vmul.f32 v8, v7;
	(pc) =	sbr.rel @p2 .LBB2_17-.Ltmp13, $4  }
0x1c1: {  	s0 =	sadd.s32 $0x10, s0  }
0x1c2: {  	[tilespmem:s0+$0x0] =	vst v7  }
0x1c3: {  	s15 =	sadd.s32 $0x10, s15;
	v7 =	vld.idx.msk [tilespmem:v9+s23+$0x0], $0xffff  }
0x1c4: {  	v9 =	vmov s20;
	s20 =	sadd.s32 $0x4, s20;
	v8 =	vld [tilespmem:s15+$0x0]  }
0x1c5: {  	v9 =	vshll.u32 v9, $0x4  }
0x1c6: {  	v9 =	vor.u32 v1, v9  }
0x1c7: {  	v9 =	vor.u32 v2, v9;
	_ =	sdelay $0x1  }
0x1c8: {  	v7 =	vmul.f32 v8, v7  }
0x1c9: {  	s0 =	sadd.s32 $0x10, s0  }
0x1ca: {  	[tilespmem:s0+$0x0] =	vst v7  }
0x1cb: {  	s4 =	sadd.s32 $0x10, s15;
	v7 =	vld.idx.msk [tilespmem:v9+s23+$0x0], $0xffff  }
0x1cc: {  	v8 =	vld [tilespmem:s4+$0x0];
	_ =	sdelay $0x4  }
0x1cd: {  	v7 =	vmul.f32 v8, v7  }
0x1ce: {  	s0 =	sadd.s32 $0x10, s0  }
0x1cf: {  	[tilespmem:s0+$0x0] =	vst v7;
	s0 =	simm.s32 @!p3 $0x4  }
0x1d0: {  	_ =	swait.ge @!p3 [sflag:s0], $0x1400  }
0x1d1: {  	[sflag:s0] =	ssyncset.done @!p3 $0x0  }
0x1d2: {  	[sflag:s0] =	ssyncadd.s32 @!p3 $0xFFFFEC00  }
0x1d3: {  	v7 =	vld [tilespmem:$0x6E00]  }
0x1d4: {  	v8 =	vld [tilespmem:$0x6E10]  }
0x1d5: {  	v9 =	vld [tilespmem:$0x6E20]  }
0x1d6: {  	v10 =	vld [tilespmem:$0x6E30]  }
0x1d7: {  	v11 =	vld [tilespmem:$0x6E40]  }
0x1d8: {  	[tilespmem:$0x6F90] =	vst v7  }
0x1d9: {  	[tilespmem:$0x6FA0] =	vst v8  }
0x1da: {  	[tilespmem:$0x6FB0] =	vst v9  }
0x1db: {  	[tilespmem:$0x6FC0] =	vst v10  }
0x1dc: {  	s15 =	simm.s32 $0x0;
	[tilespmem:$0x6FD0] =	vst v11  }
0x1dd: {  	s4 =	simm.s32 $0x0;
	v17 =	vld [tilespmem:s15+$0xB390]  }
0x1de: {  	v7 =	vmov s4;
	v11 =	vld [tilespmem:s15+$0x9F60]  }
0x1df: {  	s20 =	simm.s32 $0x1;
	v7 =	vand.u32 $0xFFFFFFFC, v7;
	v12 =	vld [tilespmem:s15+$0x9F90]  }
0x1e0: {  	v8 =	vmov s20;
	v13 =	vld [tilespmem:s15+$0x8B60];
	v7 =	vbroadcast v7, $0x0  }
0x1e1: {  	s4 =	simm.s32 $0x2;
	v8 =	vand.u32 $0xFFFFFFFD, v8;
	v14 =	vld [tilespmem:s15+$0x8B70]  }
0x1e2: {  	v9 =	vmov s4;
	v10 =	vld [tilespmem:s15+$0x7760];
	v8 =	vbroadcast v8, $0x0  }
0x1e3: {  	v15 =	vld [tilespmem:s15+$0x7770];
	v9 =	vand.u32 $0xFFFFFFFE, v9  }
0x1e4: {  	v16 =	vld [tilespmem:s15+$0x7780];
	v9 =	vbroadcast v9, $0x0  }
0x1e5: {  	v18 =	vld [tilespmem:s15+$0x7790]  }
0x1e6: {  	s20 =	simm.s32 $0x3;
	v7 =	vld.idx.msk [tilespmem:v7+s14+$0x0], $0xffff  }
0x1e7: {  	v19 =	vmov s20;
	s20 =	simm.s32 $0x4;
	v21 =	vld [tilespmem:s15+$0x8B90]  }
0x1e8: {  	v20 =	vld.idx.msk [tilespmem:v8+s14+$0x0], $0xffff;
	v8 =	vmov s20  }
0x1e9: {  	v23 =	vld [tilespmem:s15+$0x8B80];
	v8 =	vand.u32 $0xFFFFFFFC, v8  }
0x1ea: {  	v22 =	vld.idx.msk [tilespmem:v9+s14+$0x0], $0xffff;
	v8 =	vbroadcast v8, $0x0  }
0x1eb: {  	s4 =	simm.s32 $0x5;
	v25 =	vld [tilespmem:s15+$0x9F70];
	v24 =	vmul.f32 v10, v7;
	v18 =	vmul.f32 v18, v7  }
0x1ec: {  	v9 =	vld.idx.msk [tilespmem:v19+s14+$0x0], $0xffff;
	v10 =	vmov s4;
	v15 =	vmul.f32 v15, v7;
	v7 =	vmul.f32 v16, v7  }
0x1ed: {  	v63 =	vld [tilespmem:s15+$0x9F80];
	v19 =	vmul.f32 v21, v20;
	v26 =	vmul.f32 v14, v20;
	v18 =	vadd.f32 $0.0e+00, v18  }
0x1ee: {  	v16 =	vadd.f32 $0.0e+00, v24;
	v21 =	vadd.f32 $0.0e+00, v7;
	v7 =	vmul.f32 v13, v20;
	v13 =	vld [tilespmem:s15+$0xB360]  }
0x1ef: {  	v15 =	vadd.f32 $0.0e+00, v15;
	v18 =	vadd.f32 v19, v18;
	v19 =	vmul.f32 v12, v22;
	v12 =	vld [tilespmem:s15+$0xB370]  }
0x1f0: {  	v23 =	vmul.f32 v23, v20;
	v14 =	vadd.f32 v7, v16;
	v16 =	vmul.f32 v11, v22;
	v11 =	vld [tilespmem:s15+$0xB380]  }
0x1f1: {  	s30 =	simm.s32 $0x40;
	v20 =	vmul.f32 v17, v9;
	v15 =	vadd.f32 v26, v15;
	v19 =	vadd.f32 v19, v18  }
0x1f2: {  	s0 =	simm.s32 $0x200;
	v7 =	vld [tilespmem:s30+$0xB390];
	v17 =	vadd.f32 v23, v21;
	v21 =	vmul.f32 v25, v22;
	v18 =	vmul.f32 v63, v22  }
.LBB2_19:
0x1f3: {  	p2 =	sne.s32 s0, $0x4F00;
	v22 =	vld [tilespmem:s30+$0x9F60];
	v14 =	vadd.f32 v16, v14;
	v13 =	vmul.f32 v13, v9;
	v16 =	vadd.f32 v20, v19  }
0x1f4: {  	v15 =	vadd.f32 v21, v15;
	v17 =	vadd.f32 v18, v17;
	v12 =	vmul.f32 v12, v9;
	v19 =	vld [tilespmem:s30+$0x9F90]  }
0x1f5: {  	v10 =	vand.u32 $0xFFFFFFFD, v10;
	s4 =	sadd.s32 $0x2, s20;
	v9 =	vmul.f32 v11, v9;
	v18 =	vld [tilespmem:s30+$0x8B60];
	v13 =	vadd.f32 v13, v14;
	[tilespmem:s15+$0xC790] =	vst v16  }
0x1f6: {  	v10 =	vbroadcast v10, $0x0;
	v14 =	vmov s4;
	v12 =	vadd.f32 v12, v15;
	v11 =	vld [tilespmem:s30+$0x8B70]  }
0x1f7: {  	v9 =	vadd.f32 v9, v17;
	v14 =	vand.u32 $0xFFFFFFFE, v14;
	v15 =	vld [tilespmem:s30+$0x7760];
	[tilespmem:s15+$0xC760] =	vst v13  }
0x1f8: {  	v14 =	vbroadcast v14, $0x0;
	v13 =	vld [tilespmem:s30+$0x7770];
	[tilespmem:s15+$0xC770] =	vst v12  }
0x1f9: {  	v12 =	vld [tilespmem:s30+$0x7780];
	[tilespmem:s15+$0xC780] =	vst v9;
	s15 =	smov.u32 s30  }
0x1fa: {  	s4 =	sadd.s32 $0x3, s20;
	v16 =	vld.idx.msk [tilespmem:v8+s14+$0x0], $0xffff  }
0x1fb: {  	v17 =	vmov s4;
	v9 =	vld [tilespmem:s15+$0x7790]  }
0x1fc: {  	s20 =	sadd.s32 $0x4, s20;
	v20 =	vld.idx.msk [tilespmem:v10+s14+$0x0], $0xffff  }
0x1fd: {  	v8 =	vmov s20;
	v21 =	vld [tilespmem:s15+$0x8B90]  }
0x1fe: {  	v8 =	vand.u32 $0xFFFFFFFC, v8;
	v23 =	vld.idx.msk [tilespmem:v14+s14+$0x0], $0xffff  }
0x1ff: {  	v8 =	vbroadcast v8, $0x0;
	v24 =	vld [tilespmem:s15+$0x8B80]  }
0x200: {  	s4 =	sadd.s32 $0x1, s20;
	v14 =	vmul.f32 v15, v16;
	v15 =	vmul.f32 v9, v16;
	v9 =	vld.idx.msk [tilespmem:v17+s14+$0x0], $0xffff  }
0x201: {  	v10 =	vmov s4;
	v13 =	vmul.f32 v13, v16;
	v12 =	vmul.f32 v12, v16;
	v25 =	vld [tilespmem:s15+$0x9F70]  }
0x202: {  	v14 =	vadd.f32 $0.0e+00, v14;
	v15 =	vadd.f32 $0.0e+00, v15;
	v16 =	vmul.f32 v21, v20;
	v26 =	vld [tilespmem:s15+$0x9F80]  }
.Ltmp14:
0x203: {  	v17 =	vadd.f32 $0.0e+00, v13;
	v18 =	vmul.f32 v18, v20;
	v21 =	vadd.f32 $0.0e+00, v12;
	v13 =	vld [tilespmem:s15+$0xB360];
	(pc) =	sbr.rel @p2 .LBB2_19-.Ltmp14, $4  }
0x204: {  	v27 =	vmul.f32 v11, v20;
	v19 =	vmul.f32 v19, v23;
	v28 =	vadd.f32 v16, v15;
	v12 =	vld [tilespmem:s15+$0xB370]  }
0x205: {  	v14 =	vadd.f32 v18, v14;
	v18 =	vmul.f32 v24, v20;
	v16 =	vmul.f32 v22, v23;
	v11 =	vld [tilespmem:s15+$0xB380]  }
0x206: {  	s30 =	sshra.s32 s0, $0x2;
	v15 =	vadd.f32 v27, v17;
	v20 =	vmul.f32 v7, v9;
	v19 =	vadd.f32 v19, v28  }
0x207: {  	s0 =	sadd.s32 $0x100, s0;
	v17 =	vadd.f32 v18, v21;
	v21 =	vmul.f32 v25, v23;
	v7 =	vld [tilespmem:s30+$0xB390];
	v18 =	vmul.f32 v26, v23  }
.Ltmp15:
0x208: {  	_ = 	snop;
	(pc) =	sbr.rel .LBB2_20-.Ltmp15, $1  }
0x209: {  	_ =	sdelay $0x3  }
.LBB2_24:
0x20a: {  	_ =	sfence.sel $0x180000  }
0x20b: {  	[bflag:$0x0] =	sbarrier.arrive $0xFFFF  }
0x20c: {  	_ =	strace $0x9000004A  }
0x20d: {  	s0 =	stileid.u32;
	[bflag:$0x2] =	sbarrier.arrive $0xFFFF  }
0x20e: {  	p0 =	sne.s32 s0, $0x0;
	s0 =	rddreg [dreg:$0x3]  }
0x20f: {  	s0 =	sadd.s32 @!p0 $0x100000, s0  }
0x210: {  	[sflag:s0] =	ssyncadd.tile.s32 @!p0 $0x1;
	_ =	shalt  }
.Lfunc_end2:
_tile_overlayer_lowered:
.L_overlay_start_2:
0x211: {  	(tag) =	ssettag $0x2  }
0x212: {  	s0 =	rddreg [dreg:$0x0];
	s2 =	stileid.u32  }
0x213: {  	s1 =	rddreg [dreg:$0x1];
	p0 =	sne.s32 s2, $0x0  }
0x214: {  	s3 =	rddreg [dreg:$0x2];
	[bflag:$0x3] =	sbarrier.arrive $0xFFFF;
	s2 =	simm.s32 @!p0 $0x1C05  }
0x215: {  	[timem:s3], [sflag:s2] =	dma.local @!p0 [hbm:s0], s1  }
0x216: {  	s0 =	simm.s32 @!p0 $0x5  }
0x217: {  	_ =	swait.ge @!p0 [sflag:s0], s1  }
0x218: {  	s1 =	ssub.s32 @!p0 $0x0, s1;
	[sflag:s0] =	ssyncset.done @!p0 $0x0  }
0x219: {  	[sflag:s0] =	ssyncadd.s32 @!p0 s1  }
0x21a: {  	[bflag:$0x3] =	sbarrier.arrive $0xFFFF  }
0x21b: {  	_ =	shalt  }

// kernel: kernel.8.cloned.1.call-start
scs
__scs_entry_jumppad:
0x0: {  	(pc) =	sbr.rel $0x88, $3  }
0x1: {  	(tag) =	ssettag $0x0;
	lr =	simm.s32 $0x1  }
0x2: {  	[smem:$0x3F98] =	sst lr;
	_ =	strace $0xD0000000  }
0x3: {  	_ = 	snop  }
0x4: {  	_ = 	snop  }
0x5: {  	_ = 	snop  }
0x6: {  	_ = 	snop  }
0x7: {  	_ = 	snop  }
__scs_overlays_trampoline_lowered:
0x8: {  	[smem:$0x3FA7] =	sst s0  }
0x9: {  	[smem:$0x3FA8] =	sst s1  }
0xa: {  	[smem:$0x3FA9] =	sst s2  }
0xb: {  	[smem:$0x3FAA] =	sst s3  }
0xc: {  	[smem:$0x3FAB] =	sst s4  }
0xd: {  	[smem:$0x3FAC] =	sst s5  }
0xe: {  	[smem:$0x3FAD] =	sst s6  }
0xf: {  	[smem:$0x3FAE] =	sst s7  }
0x10: {  	[smem:$0x3FAF] =	sst s8  }
0x11: {  	[smem:$0x3FB0] =	sst s9;
	s0 =	simm.s32 @!p0 $0x0  }
0x12: {  	s1 =	sld [smem:$0x3F96];
	s0 =	simm.s32 @p0 $0x1  }
0x13: {  	[smem:$0x3FB1] =	sst s0;
	s0 =	simm.s32 @!p1 $0x0  }
0x14: {  	s2 =	sld [smem:$0x3F95];
	s0 =	simm.s32 @p1 $0x1  }
0x15: {  	[smem:$0x3FB2] =	sst s0;
	s0 =	simm.s32 @!p2 $0x0  }
0x16: {  	s3 =	sld [smem:$0x3FDB];
	s0 =	simm.s32 @p2 $0x1  }
0x17: {  	s4 =	simm.s32 $0x1BF5;
	[smem:$0x3FB4] =	sst s0  }
0x18: {  	s0 =	sld [smem:$0x3F97];
	_ =	swait.ge [sflag:s4], $0x0  }
0x19: {  	s7 =	sld [smem:$0x3F98]  }
0x1a: {  	s8 =	sadd.s32 $0xFFFFE003, lr  }
0x1b: {  	s9 =	sadd.s32 $0xFFFFFEF7, lr;
	s5 =	simm.s32 $0xFFFFFFFF;
	p2 =	slt.u32 s8, $0xFFFFF086  }
0x1c: {  	p1 =	slt.u32 s9, $0xF7A;
	s5 =	simm.s32 @!p2 $0x0  }
0x1d: {  	s5 =	simm.s32 @p1 $0x1;
	p0 =	seq.s32 s7, s2  }
0x1e: {  	s7 =	smul.u32 @!p0 $0xF7A, s2;
	p2 =	seq.s32 @!p0 s5, $0x0  }
0x1f: {  	s9 =	smul.u32 $0xF7A, s1;
	s8 =	simm.s32 @!p0 $0x1BF5;
	p2 =	por !p2, p0  }
0x20: {  	[sflag:s8] =	ssyncset.s32 @!p0 $0xFFFFF086;
	s6 =	sadd.s32 @!p0 s3, s7;
	s7 =	simm.s32 @!p0 $0x108  }
0x21: {  	s3 =	sadd.s32 s3, s9;
	s6 =	sadd.s32 @!p0 $0x88, s6;
	s7 =	simm.s32 @p2 $0x1082  }
0x22: {  	[simem:s7], [sflag:s8] =	dma.local @!p0 [hbm:s6], $0xF7A  }
0x23: {  	s9 =	sor.u32 $0xD0000000, s2;
	s6 =	simm.s32 $0x108;
	_ =	swait.ge @!p0 [sflag:s8], $0x0  }
0x24: {  	s3 =	sadd.s32 $0x88, s3;
	s6 =	simm.s32 @!p1 $0x1082;
	[sflag:s4] =	ssyncset.s32 $0xFFFFF086  }
0x25: {  	[simem:s6], [sflag:s4] =	dma.local [hbm:s3], $0xF7A  }
0x26: {  	[smem:$0x3F98] =	sst s1;
	(tag) =	ssettag s2;
	_ =	strace s9  }
0x27: {  	s1 =	sld [smem:$0x3FA8]  }
0x28: {  	s2 =	sld [smem:$0x3FA9]  }
0x29: {  	s4 =	sld [smem:$0x3FAB]  }
0x2a: {  	p0 =	seq.s32 s5, $0x0;
	s5 =	sld [smem:$0x3FAC]  }
0x2b: {  	s6 =	sld [smem:$0x3FAD]  }
0x2c: {  	s7 =	sld [smem:$0x3FAE]  }
0x2d: {  	s3 =	simm.s32 $0x108;
	s8 =	sld [smem:$0x3FAF]  }
0x2e: {  	s3 =	simm.s32 @!p0 $0x1082;
	s9 =	sld [smem:$0x3FB0]  }
0x2f: {  	lr =	sadd.s32 s0, s3;
	s0 =	sld [smem:$0x3FA7]  }
0x30: {  	s3 =	sld [smem:$0x3FAA]  }
0x31: {  	[smem:$0x3FB3] =	sst s10  }
0x32: {  	s10 =	sld [smem:$0x3FB1];
	_ =	sdelay $0x3  }
0x33: {  	p0 =	seq.s32 s10, $0x1;
	s10 =	sld [smem:$0x3FB3];
	_ =	sdelay $0x3  }
0x34: {  	[smem:$0x3FB3] =	sst s10  }
0x35: {  	s10 =	sld [smem:$0x3FB2];
	_ =	sdelay $0x3  }
0x36: {  	p1 =	seq.s32 s10, $0x1;
	s10 =	sld [smem:$0x3FB3];
	_ =	sdelay $0x3  }
0x37: {  	[smem:$0x3FB3] =	sst s10  }
0x38: {  	s10 =	sld [smem:$0x3FB4]  }
0x39: {  	_ = 	snop;
	(pc) =	sbr.ind lr, $3  }
0x3a: {  	_ = 	snop  }
0x3b: {  	_ = 	snop  }
0x3c: {  	p2 =	seq.s32 s10, $0x1;
	s10 =	sld [smem:$0x3FB3]  }
0x3d: {  	_ =	shalt  }
0x3e: {  	_ =	shalt  }
0x3f: {  	_ =	shalt  }
0x40: {  	_ =	shalt  }
0x41: {  	_ =	shalt  }
0x42: {  	_ =	shalt  }
0x43: {  	_ =	shalt  }
0x44: {  	_ =	shalt  }
0x45: {  	_ =	shalt  }
0x46: {  	_ =	shalt  }
0x47: {  	_ =	shalt  }
0x48: {  	_ =	shalt  }
0x49: {  	_ =	shalt  }
0x4a: {  	_ =	shalt  }
0x4b: {  	_ =	shalt  }
0x4c: {  	_ =	shalt  }
0x4d: {  	_ =	shalt  }
0x4e: {  	_ =	shalt  }
0x4f: {  	_ =	shalt  }
0x50: {  	_ =	shalt  }
0x51: {  	_ =	shalt  }
0x52: {  	_ =	shalt  }
0x53: {  	_ =	shalt  }
0x54: {  	_ =	shalt  }
0x55: {  	_ =	shalt  }
0x56: {  	_ =	shalt  }
0x57: {  	_ =	shalt  }
0x58: {  	_ =	shalt  }
0x59: {  	_ =	shalt  }
0x5a: {  	_ =	shalt  }
0x5b: {  	_ =	shalt  }
0x5c: {  	_ =	shalt  }
0x5d: {  	_ =	shalt  }
0x5e: {  	_ =	shalt  }
0x5f: {  	_ =	shalt  }
0x60: {  	_ =	shalt  }
0x61: {  	_ =	shalt  }
0x62: {  	_ =	shalt  }
0x63: {  	_ =	shalt  }
0x64: {  	_ =	shalt  }
0x65: {  	_ =	shalt  }
0x66: {  	_ =	shalt  }
0x67: {  	_ =	shalt  }
0x68: {  	_ =	shalt  }
0x69: {  	_ =	shalt  }
0x6a: {  	_ =	shalt  }
0x6b: {  	_ =	shalt  }
0x6c: {  	_ =	shalt  }
0x6d: {  	_ =	shalt  }
0x6e: {  	_ =	shalt  }
0x6f: {  	_ =	shalt  }
0x70: {  	_ =	shalt  }
0x71: {  	_ =	shalt  }
0x72: {  	_ =	shalt  }
0x73: {  	_ =	shalt  }
0x74: {  	_ =	shalt  }
0x75: {  	_ =	shalt  }
0x76: {  	_ =	shalt  }
0x77: {  	_ =	shalt  }
0x78: {  	_ =	shalt  }
0x79: {  	_ =	shalt  }
0x7a: {  	_ =	shalt  }
0x7b: {  	_ =	shalt  }
0x7c: {  	_ =	shalt  }
0x7d: {  	_ =	shalt  }
0x7e: {  	_ =	shalt  }
0x7f: {  	_ =	shalt  }
0x80: {  	_ =	shalt  }
0x81: {  	_ =	shalt  }
0x82: {  	_ =	shalt  }
0x83: {  	_ =	shalt  }
0x84: {  	_ =	shalt  }
0x85: {  	_ =	shalt  }
0x86: {  	_ =	shalt  }
0x87: {  	_ =	shalt  }
.Lfunc_end0:
.L_simem_size_0:
called_computation_lowered:
.L_overlay_start_0:
0x88: {  	s2 =	sld [smem:$0x3FD9]  }
0x89: {  	s3 =	sld [smem:$0x3FFE];
	_ =	sdelay $0x1  }
0x8a: {  	s1 =	srdreg.scid  }
0x8b: {  	s0 =	sand.u32 $0x1, s1  }
0x8c: {  	s16 =	sshll.u32 s0, $0xA;
	s2 =	sadd.s32 s3, s2  }
0x8d: {  	s2 =	sadd.s32 s2, s16  }
0x8e: {  	[smem:$0x3FBF] =	sst s2  }
0x8f: {  	_ = 	snop  }
0x90: {  	(tm) =	ssettm $0x1  }
0x91: {  	s17 =	sld [smem:$0x3FFB];
	_ =	sdelay $0x3  }
0x92: {  	_ =	strace s17  }
0x93: {  	s2 =	sld [smem:$0x3FFC];
	_ =	sdelay $0x3  }
0x94: {  	_ =	strace s2  }
0x95: {  	s2 =	sld [smem:$0x3FFD];
	_ =	sdelay $0x3  }
0x96: {  	_ =	strace s2  }
0x97: {  	_ =	strace $0x8FFFFFFF  }
0x98: {  	s18 =	sld [smem:$0x3FDB];
	_ =	sdelay $0x1  }
0x99: {  	s19 =	simm.s32 $_scs_section_size  }
0x9a: {  	s4 =	simm.s32 $_size__tile_overlayer_lowered;
	s5 =	simm.s32 $_tile_overlayer_lowered  }
0x9b: {  	s22 =	simm.s32 $0x1BFF;
	s21 =	sshll.u32 s5, $0x1;
	s2 =	sadd.s32 s19, s18  }
0x9c: {  	s6 =	simm.s32 $0x0;
	s20 =	sshll.u32 s4, $0x1;
	s4 =	sadd.s32 s21, s2  }
0x9d: {  	[timem:s6], [sflag:s22] =	dma.local [hbm:s4], s20  }
0x9e: {  	_ =	swait.ge [sflag:s22], s20  }
0x9f: {  	s3 =	ssub.s32 $0x0, s20;
	[sflag:s22] =	ssyncset.done $0x0  }
0xa0: {  	[sflag:s22] =	ssyncadd.s32 s3;
	_ =	sdelay $0x1  }
0xa1: {  	s23 =	simm.s32 $0x1B8B  }
0xa2: {  	_ =	swait.ge [sflag:s23], $0x1  }
0xa3: {  	[sflag:s23] =	ssyncset.done $0x0  }
0xa4: {  	s25 =	simm.s32 $0x1B8E;
	s24 =	sld [smem:$0x3FFE];
	[sflag:s23] =	ssyncadd.s32 $0xFFFFFFFF  }
0xa5: {  	s26 =	simm.s32 $execute0_lowered;
	[smem:$0x3FD2] =	sst s25  }
0xa6: {  	s4 =	sshll.u32 s26, $0x1;
	_ =	strace $0x80000046;
	[dreg:$0x1] =	wrdreg $0xFFFFFFFF  }
0xa7: {  	s28 =	simm.s32 $_size_execute0_lowered;
	s2 =	sadd.s32 s2, s4;
	[dreg:$0x0] =	wrdreg $0x0  }
0xa8: {  	s4 =	sshll.u32 s28, $0x1;
	[dreg:$0x2] =	wrdreg s2  }
0xa9: {  	[dreg:$0x3] =	wrdreg s4  }
0xaa: {  	[dreg:$0x4] =	wrdreg $0xC0  }
0xab: {  	_ =	task [dreg:s6], $0x5FFFF  }
0xac: {  	[dreg:$0x1] =	wrdreg $0xFFFFFFFF  }
0xad: {  	[dreg:$0x0] =	wrdreg $0x60  }
0xae: {  	[dreg:$0x2] =	wrdreg s24  }
0xaf: {  	[dreg:$0x3] =	wrdreg $0x6AE00  }
0xb0: {  	[dreg:$0x4] =	wrdreg $0x9  }
0xb1: {  	_ =	task.clear_ibuf [dreg:s6], $0x5FFFF;
	_ =	strace $0x90000046  }
0xb2: {  	s29 =	simm.s32 $0x9;
	_ =	strace $0x80000048  }
0xb3: {  	_ =	swait.ge [sflag:s29], $0x1  }
0xb4: {  	[sflag:s29] =	ssyncadd.s32 $0xFFFFFFFF  }
0xb5: {  	_ =	strace $0x90000048  }
0xb6: {  	_ =	sfence  }
0xb7: {  	s30 =	sld [smem:$0x0];
	_ =	sdelay $0x2  }
0xb8: {  	s31 =	sshll.u32 s1, $0xD;
	s1 =	sshrl.u32 s1, $0x2  }
0xb9: {  	s3 =	sand.u32 $0x4000, s31;
	s1 =	sadd.s32 s1, s30  }
0xba: {  	s0 =	sor.u32 s3, s0;
	s1 =	sshll.u32 s1, $0x11  }
0xbb: {  	s0 =	sor.u32 s1, s0  }
0xbc: {  	s0 =	sadd.s32 $0x8F2B, s0  }
0xbd: {  	[sflag:s0] =	ssyncadd.remote.s32 $0x1  }
0xbe: {  	_ =	sfence.sel $0xFFFF  }
0xbf: {  	[dreg:$0x0] =	wrdreg $0xFFFFFFFF;
	(pc) =	sbr.abs _section_cstart, $3  }
0xc0: {  	[dreg:$0x1] =	wrdreg $0xFFFFFFFF  }
0xc1: {  	_ =	task.clear_ibuf [dreg:s6], $0x2FFFF;
	_ =	strace $0x9FFFFFFF  }
0xc2: {  	(tm) =	ssettm $0x7FFFFFFF  }
0xc3: {  	_ =	shalt  }
tec
execute0_lowered:
.L_overlay_start_1:
0x0: {  	(tag) =	ssettag $0x1  }
0x1: {  	s0 =	rddreg [dreg:$0x0]  }
0x2: {  	s1 =	rddreg [dreg:$0x1];
	s2 =	simm.s32 $0x0;
	s3 =	srdreg.scid  }
0x3: {  	s14 =	stileid.u32;
	s17 =	simm.s32 $0x7;
	s18 =	simm.s32 $0x50  }
0x4: {  	s28 =	simm.s32 $0x2;
	s29 =	simm.s32 $0x25D0;
	s30 =	simm.s32 $0x2AD0  }
0x5: {  	s31 =	simm.s32 $0x2C10;
	s19 =	simm.s32 $0x6;
	s20 =	simm.s32 $0x0  }
0x6: {  	[smem:$0x7FF] =	sst s2;
	s4 =	sadd.s32 $0x5E00, s0;
	s5 =	sadd.s32 $0x19800, s0  }
0x7: {  	s3 =	sand.u32 $0x1, s3;
	s6 =	sadd.s32 $0x215E00, s0;
	s10 =	smul.u32 $0x7D0, s14  }
0x8: {  	s7 =	sadd.s32 $0x21AE00, s0;
	s11 =	sshll.u32 s14, $0x1;
	s12 =	smul.u32 $0xFA00, s14  }
0x9: {  	s8 =	sadd.s32 $0x229C00, s0;
	p0 =	sgt.u32 s14, $0x9;
	s9 =	smul.u32 $0x4E20, s3  }
0xa: {  	_ =	strace $0x80000047;
	s11 =	sor.u32 s3, s11;
	s3 =	ssub.s32 $0x2, s3  }
0xb: {  	s21 =	sshrl.u32 s3, $0x1;
	s10 =	sadd.s32 s10, s9;
	s9 =	smul.u32 $0x2710, s11  }
0xc: {  	s22 =	sshrl.u32 s12, $0x2;
	s11 =	smul.u32 $0x4E20, s11;
	s3 =	ssub.s32 s3, s21  }
0xd: {  	s0 =	sadd.s32 s10, s0;
	s10 =	sadd.s32 s22, s1;
	s26 =	smax.u32 s3, $0x1  }
.Ltmp0:
0xe: {  	s23 =	sshrl.u32 s9, $0x3;
	[dreg:$0x3] =	wrdreg s10;
	(pc) =	sbr.rel .LBB2_1-.Ltmp0, $4  }
0xf: {  	s25 =	sadd.s32 s5, s11;
	s13 =	sadd.s32 $0xA0, s9;
	[dreg:$0x7] =	wrdreg s26  }
0x10: {  	v0 =	vimm.f32 $0.0e+00;
	vm0 =	vcmask $0x2320;
	v3 =	vlaneseq.u32;
	s0 =	sadd.s32 $0x21FE00, s0;
	s26 =	simm.s32 $0x15E0;
	[dreg:$0x5] =	wrdreg s25  }
0x11: {  	vm1 =	vmmov $0xf;
	v1 =	vsel vm0, $0x3F800000, v0;
	v2 =	vshrl.u32 v3, $0x2;
	s24 =	sadd.s32 s4, s23;
	[dreg:$0x6] =	wrdreg s0;
	s23 =	simm.s32 $0x1  }
0x12: {  	vm0 =	vcmask $0x1F10;
	v3 =	vand.u32 $0x3, v3;
	v2 =	vmul.u32 $0x10, v2;
	s25 =	simm.s32 $0x14A0;
	[dreg:$0x4] =	wrdreg s24;
	s24 =	simm.s32 $0xFA0  }
.LBB2_17:
0x13: {  	s0 =	simm.s32 $0x3  }
0x14: {  	_ =	swait.ge [sflag:s0], $0x140  }
0x15: {  	[sflag:s0] =	ssyncset.done $0x0  }
0x16: {  	s16 =	simm.s32 $0x5;
	[sflag:s0] =	ssyncadd.s32 $0xFFFFFEC0  }
0x17: {  	_ =	swait.ge [sflag:s16], $0x500  }
0x18: {  	[sflag:s16] =	ssyncset.done $0x0  }
0x19: {  	s21 =	simm.s32 $0x4;
	[sflag:s16] =	ssyncadd.s32 $0xFFFFFB00  }
0x1a: {  	_ =	swait.ge [sflag:s21], $0x140  }
0x1b: {  	[sflag:s21] =	ssyncset.done $0x0  }
0x1c: {  	[sflag:s21] =	ssyncadd.s32 $0xFFFFFEC0  }
0x1d: {  	_ =	swait.ge [sflag:s19], $0x500  }
0x1e: {  	[sflag:s19] =	ssyncset.done $0x0  }
0x1f: {  	[sflag:s19] =	ssyncadd.s32 $0xFFFFFB00  }
0x20: {  	[bflag:$0x0] =	sbarrier.arrive $0xFFFF  }
0x21: {  	s0 =	simm.s32 @!p0 $0x2C60;
	s3 =	rddreg [dreg:$0x3]  }
0x22: {  	[tilespmem:s0], [sflag:$0x7] =	stream.linear.gather @!p0 [spmem:s3], $0x3E80, $0x38;
	[tilespmem:$0x91F0] =	vst v63  }
0x23: {  	s3 =	simm.s32 @!p0 $0x7  }
0x24: {  	_ =	swait.ge @!p0 [sflag:s3], $0x3E80  }
0x25: {  	[sflag:s3] =	ssyncset.done @!p0 $0x0  }
0x26: {  	s10 =	simm.s32 @!p0 $0x0;
	s11 =	rddreg [dreg:$0x6];
	[sflag:s3] =	ssyncadd.s32 @!p0 $0xFFFFC180  }
0x27: {  	[hbm4b:s11+s10] =	stream.linear.scatter @!p0 [tilespmem:s0], [sflag:$0x7], $0x3E80, $0x38;
	[tilespmem:$0x91F0] =	vst v63  }
0x28: {  	_ =	swait.ge @!p0 [sflag:s3], $0x3E80  }
0x29: {  	s20 =	sadd.s32 $0x1, s20;
	s22 =	rddreg [dreg:$0x7]  }
0x2a: {  	p1 =	sne.s32 s20, s22  }
.Ltmp1:
0x2b: {  	_ = 	snop;
	(pc) =	sbr.rel @!p1 .LBB2_18-.Ltmp1, $3  }
0x2c: {  	_ =	sdelay $0x1  }
0x2d: {  	[sflag:s3] =	ssyncset.done @!p0 $0x0  }
0x2e: {  	[sflag:s3] =	ssyncadd.s32 @!p0 $0xFFFFC180  }
.LBB2_1:
.Ltmp2:
0x2f: {  	(pc) =	sbr.rel @p0 .LBB2_5-.Ltmp2, $1  }
0x30: {  	_ =	sdelay $0x3  }
0x31: {  	s0 =	simm.s32 $0x40;
	s3 =	simm.s32 $0x0  }
.LBB2_3:
0x32: {  	p1 =	sne.s32 s0, $0xF9C0;
	[tilespmem:s3+$0x2C60] =	vst v0;
	s3 =	smov.u32 s0;
	s0 =	sadd.s32 $0x40, s0  }
.Ltmp3:
0x33: {  	(pc) =	sbr.rel @p1 .LBB2_3-.Ltmp3, $2  }
0x34: {  	_ =	sdelay $0x2  }
0x35: {  	s3 =	sshra.s32 s3, $0x2  }
0x36: {  	[tilespmem:s3+$0x2C60] =	vst v0;
	s0 =	rddreg [dreg:$0x3];
	s22 =	simm.s32 $0x2C60  }
0x37: {  	[spmem:s0] =	stream.linear.scatter [tilespmem:s22], [sflag:$0x7], $0x3E80, $0x38;
	[tilespmem:$0x91F0] =	vst v63  }
0x38: {  	_ =	swait.ge [sflag:s17], $0x3E80  }
0x39: {  	[sflag:s17] =	ssyncset.done $0x0  }
0x3a: {  	[sflag:s17] =	ssyncadd.s32 $0xFFFFC180  }
.LBB2_5:
0x3b: {  	[bflag:$0x0] =	sbarrier.arrive $0xFFFF  }
0x3c: {  	s21 =	simm.s32 $0x0;
	s3 =	simm.s32 $0x4E200;
	s0 =	rddreg [dreg:$0x4]  }
0x3d: {  	[tilespmem:s21], [sflag:$0x7] =	stream.strided.gather [hbm4b:s0+s18], $0xA0, s3, s18, $0x38;
	[tilespmem:$0x91F0] =	vst v63  }
0x3e: {  	_ =	swait.ge [sflag:s17], $0xA0  }
0x3f: {  	[sflag:s17] =	ssyncset.done $0x0  }
0x40: {  	s15 =	simm.s32 $0xA0;
	s14 =	rddreg [dreg:$0x5];
	[sflag:s17] =	ssyncadd.s32 $0xFFFFFF60  }
0x41: {  	[tilespmem:s15], [sflag:$0x7] =	stream.linear.gather [hbm4b:s14+s21], $0x500, $0x38;
	[tilespmem:$0x91F0] =	vst v63  }
0x42: {  	_ =	swait.ge [sflag:s17], $0x500  }
.Ltmp4:
0x43: {  	[sflag:s17] =	ssyncset.done $0x0;
	(pc) =	sbr.rel .LBB2_6-.Ltmp4, $4  }
0x44: {  	s16 =	simm.s32 $0x5A0;
	[sflag:s17] =	ssyncadd.s32 $0xFFFFFB00  }
0x45: {  	[tilespmem:s16], [sflag:$0x1] =	stream.indirect.gather [hbm4b:s6+s18], $0x10, s21, s18, $0xb8;
	[tilespmem:$0x91F0] =	vst v63  }
0x46: {  	s22 =	simm.s32 $0xAA0  }
0x47: {  	[tilespmem:s22], [sflag:$0x1] =	stream.indirect.gather [hbm4b:s7+s18], $0x10, s18, s18, $0xb8;
	[tilespmem:$0x91F0] =	vst v63  }
.LBB2_16:
0x48: {  	s21 =	sadd.s32 $0x1, s21  }
0x49: {  	p1 =	sne.s32 s21, $0x3F  }
.Ltmp5:
0x4a: {  	_ = 	snop;
	(pc) =	sbr.rel @!p1 .LBB2_17-.Ltmp5, $1  }
0x4b: {  	_ =	sdelay $0x3  }
.LBB2_6:
0x4c: {  	s22 =	sshllo.u32 s21, $0x1  }
0x4d: {  	p1 =	sgt.u32 s22, $0x7C  }
0x4e: {  	s0 =	smul.u32 @!p1 $0x50, s22;
	_ =	sdelay $0x1  }
0x4f: {  	s0 =	sadd.s32 @!p1 s9, s0  }
0x50: {  	s10 =	simm.s32 @!p1 $0x50;
	s3 =	sshrl.u32 @!p1 s0, $0x3  }
0x51: {  	s11 =	simm.s32 @!p1 $0x4E200;
	s12 =	simm.s32 @!p1 $0x1630;
	s3 =	sadd.s32 @!p1 s4, s3  }
0x52: {  	[tilespmem:s12], [sflag:$0x7] =	stream.strided.gather @!p1 [hbm4b:s3+s10], $0xA0, s11, s10, $0x38;
	[tilespmem:$0x91F0] =	vst v63  }
0x53: {  	s3 =	simm.s32 @!p1 $0x7  }
0x54: {  	s0 =	sshll.u32 @!p1 s0, $0x1;
	_ =	swait.ge @!p1 [sflag:s3], $0xA0  }
0x55: {  	s14 =	simm.s32 @!p1 $0x16D0;
	s0 =	sand.u32 @!p1 $0x1FFFFFE0, s0;
	[sflag:s3] =	ssyncset.done @!p1 $0x0  }
0x56: {  	s0 =	sadd.s32 @!p1 s5, s0;
	s11 =	simm.s32 @!p1 $0x0;
	[sflag:s3] =	ssyncadd.s32 @!p1 $0xFFFFFF60  }
0x57: {  	[tilespmem:s14], [sflag:$0x7] =	stream.linear.gather @!p1 [hbm4b:s0+s11], $0x500, $0x38;
	[tilespmem:$0x91F0] =	vst v63  }
0x58: {  	_ =	swait.ge @!p1 [sflag:s3], $0x500  }
0x59: {  	[sflag:s3] =	ssyncset.done @!p1 $0x0  }
0x5a: {  	s0 =	simm.s32 @!p1 $0x1BD0;
	[sflag:s3] =	ssyncadd.s32 @!p1 $0xFFFFFB00  }
0x5b: {  	[tilespmem:s0], [sflag:$0x2] =	stream.indirect.gather @!p1 [hbm4b:s6+s10], $0x10, s12, s10, $0xb8;
	[tilespmem:$0x91F0] =	vst v63  }
0x5c: {  	s3 =	simm.s32 @!p1 $0x20D0;
	s0 =	simm.s32 @!p1 $0x1680  }
0x5d: {  	[tilespmem:s3], [sflag:$0x2] =	stream.indirect.gather @!p1 [hbm4b:s7+s10], $0x10, s0, s10, $0xb8;
	[tilespmem:$0x91F0] =	vst v63  }
0x5e: {  	_ =	swait.ge [sflag:s23], $0x500  }
0x5f: {  	[sflag:s23] =	ssyncset.done $0x0  }
0x60: {  	[sflag:s23] =	ssyncadd.s32 $0xFFFFFB00  }
0x61: {  	_ =	swait.ge [sflag:s23], $0x500  }
0x62: {  	p2 =	seq.s32 s21, $0x0;
	[sflag:s23] =	ssyncset.done $0x0  }
0x63: {  	s0 =	simm.s32 @!p2 $0x3;
	[sflag:s23] =	ssyncadd.s32 $0xFFFFFB00  }
0x64: {  	_ =	swait.ge @!p2 [sflag:s0], $0x140  }
0x65: {  	[sflag:s0] =	ssyncset.done @!p2 $0x0  }
0x66: {  	[sflag:s0] =	ssyncadd.s32 @!p2 $0xFFFFFEC0;
	s0 =	simm.s32 @!p2 $0x5  }
0x67: {  	_ =	swait.ge @!p2 [sflag:s0], $0x500  }
0x68: {  	[sflag:s0] =	ssyncset.done @!p2 $0x0  }
0x69: {  	[sflag:s0] =	ssyncadd.s32 @!p2 $0xFFFFFB00  }
0x6a: {  	v4 =	vld [tilespmem:$0x50]  }
0x6b: {  	v5 =	vld [tilespmem:$0x60]  }
0x6c: {  	v6 =	vld [tilespmem:$0x70]  }
0x6d: {  	v7 =	vld [tilespmem:$0x80]  }
0x6e: {  	v8 =	vld [tilespmem:$0x90]  }
0x6f: {  	[tilespmem:$0x15E0] =	vst v4  }
0x70: {  	[tilespmem:$0x15F0] =	vst v5  }
0x71: {  	[tilespmem:$0x1600] =	vst v6  }
0x72: {  	[tilespmem:$0x1610] =	vst v7  }
0x73: {  	s10 =	simm.s32 $0x0;
	[tilespmem:$0x1620] =	vst v8  }
0x74: {  	v5 =	vld [tilespmem:s10+$0x5A0]  }
0x75: {  	v7 =	vld [tilespmem:s10+$0xAA0];
	_ =	sdelay $0x1  }
0x76: {  	s14 =	simm.s32 $0x10;
	v6 =	vld [tilespmem:s10+$0xA0]  }
0x77: {  	v8 =	vld [tilespmem:s14+$0x5A0]  }
0x78: {  	v9 =	vld [tilespmem:s14+$0xAA0]  }
0x79: {  	v5 =	vadd.f32 v7, v5  }
0x7a: {  	v4 =	vld [tilespmem:s14+$0xA0]  }
0x7b: {  	v10 =	vadd.f32 v5, v6  }
0x7c: {  	s15 =	simm.s32 $0x20  }
0x7d: {  	v7 =	vld [tilespmem:s15+$0x5A0];
	v8 =	vadd.f32 v9, v8;
	v11 =	vmul.f32 $2.000000030e-01, v10  }
0x7e: {  	v9 =	vld [tilespmem:s15+$0xAA0];
	vm2 =	vge.f32 v10, $0.0e+00  }
0x7f: {  	v8 =	vadd.f32 v8, v4;
	v10 =	vsel vm2, v10, v11  }
0x80: {  	v10 =	vmul.f32 $1.442695020e+00, v10  }
0x81: {  	v12 =	vmul.f32 $2.000000030e-01, v8  }
0x82: {  	v5 =	vld [tilespmem:s15+$0xA0];
	vm2 =	vge.f32 v8, $0.0e+00;
	(erf) = vpow2.f32 v10  }
0x83: {  	v7 =	vadd.f32 v9, v7;
	v9 =	vsel vm2, v8, v12  }
0x84: {  	s0 =	simm.s32 $0x30;
	v11 =	vmul.f32 $1.442695020e+00, v9  }
0x85: {  	v8 =	vld [tilespmem:s0+$0x5A0]  }
0x86: {  	v10 =	vld [tilespmem:s0+$0xAA0];
	(erf) = vpow2.f32 v11  }
0x87: {  	s11 =	smul.u32 $0xA0, s21;
	v9 =	vadd.f32 v7, v5  }
0x88: {  	v7 =	vld [tilespmem:s0+$0xA0]  }
0x89: {  	s12 =	sadd.s32 s9, s11;
	s3 =	simm.s32 $0x100;
	v11 =	vmul.f32 $2.000000030e-01, v9  }
.LBB2_7:
0x8a: {  	s16 =	sshra.s32 s3, $0x2;
	vm2 =	vge.f32 v9, $0.0e+00;
	p3 =	sne.s32 s3, $0x13C0  }
.Ltmp6:
0x8b: {  	s3 =	sadd.s32 $0x40, s3;
	v14 =	vsel vm0, v6, v1;
	v12 =	vadd.f32 v10, v8;
	v8 =	vld [tilespmem:s16+$0x5A0];
	v9 =	vsel vm2, v9, v11;
	v11 =	vpop (erf);
	(pc) =	sbr.rel @p3 .LBB2_7-.Ltmp6, $4  }
0x8c: {  	v6 =	vmovc v4;
	v4 =	vmov v5;
	v10 =	vld [tilespmem:s16+$0xAA0];
	v13 =	vmul.f32 $1.442695020e+00, v9;
	v11 =	vsel vm1, v11, v14  }
0x8d: {  	v9 =	vadd.f32 v12, v7;
	[tilespmem:s10+$0xFA0] =	vst v11;
	v5 =	vmov v7;
	s10 =	smov.u32 s14;
	s14 =	smov.u32 s15;
	s15 =	smov.u32 s0  }
0x8e: {  	s0 =	smov.u32 s16;
	v7 =	vld [tilespmem:s16+$0xA0];
	(erf) = vpow2.f32 v13  }
0x8f: {  	v11 =	vmul.f32 $2.000000030e-01, v9  }
0x90: {  	_ = 	snop  }
0x91: {  	v8 =	vadd.f32 v10, v8;
	_ =	sdelay $0x1  }
0x92: {  	v8 =	vadd.f32 v8, v7;
	_ =	sdelay $0x1  }
0x93: {  	vm2 =	vge.f32 v9, $0.0e+00;
	v60 =	vmul.f32 $2.000000030e-01, v8  }
0x94: {  	v9 =	vsel vm2, v9, v11;
	vm2 =	vge.f32 v8, $0.0e+00  }
0x95: {  	v9 =	vmul.f32 $1.442695020e+00, v9;
	v8 =	vsel vm2, v8, v60  }
0x96: {  	v8 =	vmul.f32 $1.442695020e+00, v8  }
0x97: {  	(erf) = vpow2.f32 v9  }
0x98: {  	(erf) = vpow2.f32 v8;
	_ =	sdelay $0x3  }
0x99: {  	s3 =	simm.s32 $0x0;
	v62 =	vpop (erf);
	v6 =	vsel vm0, v6, v1  }
0x9a: {  	v61 =	vmov s3;
	v6 =	vsel vm1, v62, v6  }
0x9b: {  	v8 =	vshll.u32 v61, $0x4  }
0x9c: {  	v4 =	vsel vm0, v4, v1;
	v63 =	vpop (erf);
	v8 =	vor.u32 v2, v8  }
0x9d: {  	v5 =	vsel vm0, v5, v1;
	[tilespmem:s10+$0xFA0] =	vst v6;
	v4 =	vsel vm1, v63, v4;
	v8 =	vor.u32 v3, v8;
	v6 =	vpop (erf)  }
0x9e: {  	[tilespmem:s14+$0xFA0] =	vst v4;
	v4 =	vsel vm1, v6, v5;
	v5 =	vsel vm0, v7, v1;
	v6 =	vpop (erf)  }
0x9f: {  	[tilespmem:s15+$0xFA0] =	vst v4;
	s15 =	simm.s32 $0x4;
	v4 =	vsel vm1, v6, v5  }
0xa0: {  	[tilespmem:s0+$0xFA0] =	vst v4;
	v4 =	vmov s15  }
0xa1: {  	v4 =	vshll.u32 v4, $0x4  }
0xa2: {  	v6 =	vld.idx.msk [tilespmem:v8+s24+$0x0], $0xffff;
	v4 =	vor.u32 v2, v4  }
0xa3: {  	v4 =	vor.u32 v3, v4;
	_ =	sdelay $0x2  }
0xa4: {  	s16 =	simm.s32 $0x8;
	s0 =	simm.s32 $0x14A0  }
0xa5: {  	s3 =	simm.s32 $0xC;
	v5 =	vmov s16;
	[tilespmem:s0+$0x0] =	vst v6  }
.LBB2_9:
0xa6: {  	p3 =	sne.s32 s3, $0x4C;
	v5 =	vshll.u32 v5, $0x4;
	v6 =	vld.idx.msk [tilespmem:v4+s24+$0x0], $0xffff  }
0xa7: {  	v4 =	vor.u32 v2, v5  }
.Ltmp7:
0xa8: {  	v4 =	vor.u32 v3, v4;
	(pc) =	sbr.rel @p3 .LBB2_9-.Ltmp7, $3  }
0xa9: {  	_ =	sdelay $0x1  }
0xaa: {  	s0 =	sadd.s32 $0x10, s0  }
0xab: {  	v5 =	vmov s3;
	s3 =	sadd.s32 $0x4, s3;
	[tilespmem:s0+$0x0] =	vst v6  }
0xac: {  	_ =	sdelay $0x2  }
0xad: {  	v5 =	vshll.u32 v5, $0x4  }
0xae: {  	v4 =	vld.idx.msk [tilespmem:v4+s24+$0x0], $0xffff;
	v5 =	vor.u32 v2, v5  }
0xaf: {  	v5 =	vor.u32 v3, v5;
	_ =	sdelay $0x2  }
0xb0: {  	s0 =	sadd.s32 $0x10, s0  }
0xb1: {  	[tilespmem:s0+$0x0] =	vst v4  }
0xb2: {  	v4 =	vld.idx.msk [tilespmem:v5+s24+$0x0], $0xffff;
	_ =	sdelay $0x3  }
0xb3: {  	s3 =	sshrl.u32 s12, $0x1;
	p3 =	seq.s32 s21, $0x3E;
	s0 =	sadd.s32 $0x10, s0  }
0xb4: {  	s16 =	sadd.s32 s8, s3;
	[tilespmem:s0+$0x0] =	vst v4;
	s0 =	sadd.s32 @!p3 s11, s13  }
0xb5: {  	[hbm4b:s16+s2] =	stream.linear.scatter [tilespmem:s25], [sflag:$0x3], $0x140, $0x38;
	[tilespmem:$0x91F0] =	vst v63  }
0xb6: {  	s10 =	simm.s32 @!p3 $0x50;
	s3 =	sshrl.u32 @!p3 s0, $0x3  }
0xb7: {  	[spmem:s1] =	stream.indirect.scatter.add.f32 [tilespmem:s24], [sflag:$0x5], $0x10, s26, s18, $0xb8;
	[tilespmem:$0x91F0] =	vst v63  }
0xb8: {  	s12 =	simm.s32 @!p3 $0x0;
	s11 =	simm.s32 @!p3 $0x4E200;
	s3 =	sadd.s32 @!p3 s4, s3  }
0xb9: {  	[tilespmem:s12], [sflag:$0x7] =	stream.strided.gather @!p3 [hbm4b:s3+s10], $0xA0, s11, s10, $0x38;
	[tilespmem:$0x91F0] =	vst v63  }
0xba: {  	s3 =	simm.s32 @!p3 $0x7  }
0xbb: {  	s0 =	sshll.u32 @!p3 s0, $0x1;
	_ =	swait.ge @!p3 [sflag:s3], $0xA0  }
0xbc: {  	s0 =	sand.u32 @!p3 $0x1FFFFFE0, s0;
	[sflag:s3] =	ssyncset.done @!p3 $0x0  }
0xbd: {  	s0 =	sadd.s32 @!p3 s5, s0;
	s11 =	simm.s32 @!p3 $0xA0;
	[sflag:s3] =	ssyncadd.s32 @!p3 $0xFFFFFF60  }
0xbe: {  	[tilespmem:s11], [sflag:$0x7] =	stream.linear.gather @!p3 [hbm4b:s0+s12], $0x500, $0x38;
	[tilespmem:$0x91F0] =	vst v63  }
0xbf: {  	_ =	swait.ge @!p3 [sflag:s3], $0x500  }
.Ltmp8:
0xc0: {  	[sflag:s3] =	ssyncset.done @!p3 $0x0;
	(pc) =	sbr.rel @p1 .LBB2_16-.Ltmp8, $4  }
0xc1: {  	s0 =	simm.s32 @!p3 $0x5A0;
	[sflag:s3] =	ssyncadd.s32 @!p3 $0xFFFFFB00  }
0xc2: {  	[tilespmem:s0], [sflag:$0x1] =	stream.indirect.gather @!p3 [hbm4b:s6+s10], $0x10, s12, s10, $0xb8;
	[tilespmem:$0x91F0] =	vst v63  }
0xc3: {  	s0 =	simm.s32 @!p3 $0xAA0  }
0xc4: {  	[tilespmem:s0], [sflag:$0x1] =	stream.indirect.gather @!p3 [hbm4b:s7+s10], $0x10, s10, s10, $0xb8;
	[tilespmem:$0x91F0] =	vst v63  }
0xc5: {  	_ =	swait.ge [sflag:s28], $0x500  }
0xc6: {  	[sflag:s28] =	ssyncset.done $0x0  }
0xc7: {  	[sflag:s28] =	ssyncadd.s32 $0xFFFFFB00  }
0xc8: {  	_ =	swait.ge [sflag:s28], $0x500  }
0xc9: {  	[sflag:s28] =	ssyncset.done $0x0  }
0xca: {  	s0 =	simm.s32 @!p2 $0x4;
	[sflag:s28] =	ssyncadd.s32 $0xFFFFFB00  }
0xcb: {  	_ =	swait.ge @!p2 [sflag:s0], $0x140  }
0xcc: {  	[sflag:s0] =	ssyncset.done @!p2 $0x0  }
0xcd: {  	[sflag:s0] =	ssyncadd.s32 @!p2 $0xFFFFFEC0;
	s0 =	simm.s32 @!p2 $0x6  }
0xce: {  	_ =	swait.ge @!p2 [sflag:s0], $0x500  }
0xcf: {  	[sflag:s0] =	ssyncset.done @!p2 $0x0  }
0xd0: {  	[sflag:s0] =	ssyncadd.s32 @!p2 $0xFFFFFB00  }
0xd1: {  	v4 =	vld [tilespmem:$0x1680]  }
0xd2: {  	v5 =	vld [tilespmem:$0x1690]  }
0xd3: {  	v6 =	vld [tilespmem:$0x16A0]  }
0xd4: {  	v7 =	vld [tilespmem:$0x16B0]  }
0xd5: {  	v8 =	vld [tilespmem:$0x16C0]  }
0xd6: {  	[tilespmem:$0x2C10] =	vst v4  }
0xd7: {  	[tilespmem:$0x2C20] =	vst v5  }
0xd8: {  	[tilespmem:$0x2C30] =	vst v6  }
0xd9: {  	[tilespmem:$0x2C40] =	vst v7  }
0xda: {  	s10 =	simm.s32 $0x0;
	[tilespmem:$0x2C50] =	vst v8  }
0xdb: {  	v5 =	vld [tilespmem:s10+$0x1BD0]  }
0xdc: {  	v7 =	vld [tilespmem:s10+$0x20D0];
	_ =	sdelay $0x1  }
0xdd: {  	s12 =	simm.s32 $0x10;
	v6 =	vld [tilespmem:s10+$0x16D0]  }
0xde: {  	v8 =	vld [tilespmem:s12+$0x1BD0]  }
0xdf: {  	v9 =	vld [tilespmem:s12+$0x20D0]  }
0xe0: {  	v5 =	vadd.f32 v7, v5  }
0xe1: {  	v4 =	vld [tilespmem:s12+$0x16D0]  }
0xe2: {  	v10 =	vadd.f32 v5, v6  }
0xe3: {  	s14 =	simm.s32 $0x20  }
0xe4: {  	v7 =	vld [tilespmem:s14+$0x1BD0];
	v8 =	vadd.f32 v9, v8;
	v11 =	vmul.f32 $2.000000030e-01, v10  }
0xe5: {  	v9 =	vld [tilespmem:s14+$0x20D0];
	vm2 =	vge.f32 v10, $0.0e+00  }
0xe6: {  	v8 =	vadd.f32 v8, v4;
	v10 =	vsel vm2, v10, v11  }
0xe7: {  	v10 =	vmul.f32 $1.442695020e+00, v10  }
0xe8: {  	v12 =	vmul.f32 $2.000000030e-01, v8  }
0xe9: {  	v5 =	vld [tilespmem:s14+$0x16D0];
	vm2 =	vge.f32 v8, $0.0e+00;
	(erf) = vpow2.f32 v10  }
0xea: {  	v7 =	vadd.f32 v9, v7;
	v9 =	vsel vm2, v8, v12  }
0xeb: {  	s0 =	simm.s32 $0x30;
	v11 =	vmul.f32 $1.442695020e+00, v9  }
0xec: {  	v8 =	vld [tilespmem:s0+$0x1BD0]  }
0xed: {  	v10 =	vld [tilespmem:s0+$0x20D0];
	(erf) = vpow2.f32 v11  }
0xee: {  	s3 =	smul.u32 $0x50, s22;
	v9 =	vadd.f32 v7, v5  }
0xef: {  	v7 =	vld [tilespmem:s0+$0x16D0]  }
0xf0: {  	s15 =	simm.s32 $0x0;
	s11 =	sadd.s32 s9, s3;
	s3 =	simm.s32 $0x100;
	v11 =	vmul.f32 $2.000000030e-01, v9  }
.LBB2_12:
0xf1: {  	s16 =	sshra.s32 s3, $0x2;
	vm2 =	vge.f32 v9, $0.0e+00;
	p1 =	sne.s32 s3, $0x13C0  }
.Ltmp9:
0xf2: {  	s3 =	sadd.s32 $0x40, s3;
	v14 =	vsel vm0, v6, v1;
	v12 =	vadd.f32 v10, v8;
	v8 =	vld [tilespmem:s16+$0x1BD0];
	v9 =	vsel vm2, v9, v11;
	v11 =	vpop (erf);
	(pc) =	sbr.rel @p1 .LBB2_12-.Ltmp9, $4  }
0xf3: {  	v6 =	vmovc v4;
	v4 =	vmov v5;
	v10 =	vld [tilespmem:s16+$0x20D0];
	v13 =	vmul.f32 $1.442695020e+00, v9;
	v11 =	vsel vm1, v11, v14  }
0xf4: {  	v9 =	vadd.f32 v12, v7;
	[tilespmem:s10+$0x25D0] =	vst v11;
	v5 =	vmov v7;
	s10 =	smov.u32 s12;
	s12 =	smov.u32 s14;
	s14 =	smov.u32 s0  }
0xf5: {  	s0 =	smov.u32 s16;
	v7 =	vld [tilespmem:s16+$0x16D0];
	(erf) = vpow2.f32 v13  }
0xf6: {  	v11 =	vmul.f32 $2.000000030e-01, v9  }
0xf7: {  	_ = 	snop  }
0xf8: {  	v8 =	vadd.f32 v10, v8;
	_ =	sdelay $0x1  }
0xf9: {  	v8 =	vadd.f32 v8, v7;
	_ =	sdelay $0x1  }
0xfa: {  	vm2 =	vge.f32 v9, $0.0e+00;
	v60 =	vmul.f32 $2.000000030e-01, v8  }
0xfb: {  	v9 =	vsel vm2, v9, v11;
	vm2 =	vge.f32 v8, $0.0e+00  }
0xfc: {  	v9 =	vmul.f32 $1.442695020e+00, v9;
	v8 =	vsel vm2, v8, v60  }
0xfd: {  	v8 =	vmul.f32 $1.442695020e+00, v8  }
0xfe: {  	(erf) = vpow2.f32 v9  }
0xff: {  	(erf) = vpow2.f32 v8;
	_ =	sdelay $0x3  }
0x100: {  	v62 =	vpop (erf);
	v6 =	vsel vm0, v6, v1  }
0x101: {  	v61 =	vmov s15;
	v6 =	vsel vm1, v62, v6  }
0x102: {  	v8 =	vshll.u32 v61, $0x4  }
0x103: {  	v4 =	vsel vm0, v4, v1;
	v63 =	vpop (erf);
	v8 =	vor.u32 v2, v8  }
0x104: {  	v5 =	vsel vm0, v5, v1;
	[tilespmem:s10+$0x25D0] =	vst v6;
	v4 =	vsel vm1, v63, v4;
	v8 =	vor.u32 v3, v8;
	v6 =	vpop (erf)  }
0x105: {  	[tilespmem:s12+$0x25D0] =	vst v4;
	v4 =	vsel vm1, v6, v5;
	v5 =	vsel vm0, v7, v1;
	v6 =	vpop (erf)  }
0x106: {  	s22 =	simm.s32 $0x4;
	[tilespmem:s14+$0x25D0] =	vst v4;
	v4 =	vsel vm1, v6, v5  }
0x107: {  	[tilespmem:s0+$0x25D0] =	vst v4;
	v4 =	vmov s22  }
0x108: {  	v4 =	vshll.u32 v4, $0x4  }
0x109: {  	v6 =	vld.idx.msk [tilespmem:v8+s29+$0x0], $0xffff;
	v4 =	vor.u32 v2, v4  }
0x10a: {  	v4 =	vor.u32 v3, v4;
	_ =	sdelay $0x2  }
0x10b: {  	s3 =	simm.s32 $0x8;
	s0 =	simm.s32 $0x2AD0  }
0x10c: {  	v5 =	vmov s3;
	s3 =	simm.s32 $0xC;
	[tilespmem:s0+$0x0] =	vst v6  }
.LBB2_14:
0x10d: {  	p1 =	sne.s32 s3, $0x4C;
	v5 =	vshll.u32 v5, $0x4;
	v6 =	vld.idx.msk [tilespmem:v4+s29+$0x0], $0xffff  }
0x10e: {  	v4 =	vor.u32 v2, v5  }
.Ltmp10:
0x10f: {  	v4 =	vor.u32 v3, v4;
	(pc) =	sbr.rel @p1 .LBB2_14-.Ltmp10, $3  }
0x110: {  	_ =	sdelay $0x1  }
0x111: {  	s0 =	sadd.s32 $0x10, s0  }
0x112: {  	v5 =	vmov s3;
	s3 =	sadd.s32 $0x4, s3;
	[tilespmem:s0+$0x0] =	vst v6  }
0x113: {  	_ =	sdelay $0x2  }
0x114: {  	v5 =	vshll.u32 v5, $0x4  }
0x115: {  	v4 =	vld.idx.msk [tilespmem:v4+s29+$0x0], $0xffff;
	v5 =	vor.u32 v2, v5  }
0x116: {  	v5 =	vor.u32 v3, v5;
	_ =	sdelay $0x2  }
0x117: {  	s0 =	sadd.s32 $0x10, s0  }
0x118: {  	[tilespmem:s0+$0x0] =	vst v4  }
0x119: {  	v4 =	vld.idx.msk [tilespmem:v5+s29+$0x0], $0xffff;
	_ =	sdelay $0x3  }
.Ltmp11:
0x11a: {  	s3 =	sshrl.u32 s11, $0x1;
	s0 =	sadd.s32 $0x10, s0;
	(pc) =	sbr.rel .LBB2_16-.Ltmp11, $4  }
0x11b: {  	s22 =	sadd.s32 s8, s3;
	[tilespmem:s0+$0x0] =	vst v4  }
0x11c: {  	[hbm4b:s22+s2] =	stream.linear.scatter [tilespmem:s30], [sflag:$0x4], $0x140, $0x38;
	[tilespmem:$0x91F0] =	vst v63  }
0x11d: {  	_ = 	snop  }
0x11e: {  	[spmem:s1] =	stream.indirect.scatter.add.f32 [tilespmem:s29], [sflag:$0x6], $0x10, s31, s18, $0xb8;
	[tilespmem:$0x91F0] =	vst v63  }
.LBB2_18:
0x11f: {  	_ =	sfence.sel $0x180000  }
0x120: {  	[bflag:$0x0] =	sbarrier.arrive $0xFFFF  }
0x121: {  	_ =	strace $0x90000047  }
0x122: {  	s0 =	stileid.u32;
	[bflag:$0x2] =	sbarrier.arrive $0xFFFF  }
0x123: {  	p0 =	sne.s32 s0, $0x0;
	s0 =	rddreg [dreg:$0x2]  }
0x124: {  	s0 =	sadd.s32 @!p0 $0x100000, s0  }
0x125: {  	[sflag:s0] =	ssyncadd.tile.s32 @!p0 $0x1;
	_ =	shalt  }
.Lfunc_end2:
_tile_overlayer_lowered:
.L_overlay_start_2:
0x126: {  	(tag) =	ssettag $0x2  }
0x127: {  	s0 =	rddreg [dreg:$0x0];
	s2 =	stileid.u32  }
0x128: {  	s1 =	rddreg [dreg:$0x1];
	p0 =	sne.s32 s2, $0x0  }
0x129: {  	s3 =	rddreg [dreg:$0x2];
	[bflag:$0x3] =	sbarrier.arrive $0xFFFF;
	s2 =	simm.s32 @!p0 $0x1C07  }
0x12a: {  	[timem:s3], [sflag:s2] =	dma.local @!p0 [hbm:s0], s1  }
0x12b: {  	s0 =	simm.s32 @!p0 $0x7  }
0x12c: {  	_ =	swait.ge @!p0 [sflag:s0], s1  }
0x12d: {  	s1 =	ssub.s32 @!p0 $0x0, s1;
	[sflag:s0] =	ssyncset.done @!p0 $0x0  }
0x12e: {  	[sflag:s0] =	ssyncadd.s32 @!p0 s1  }
0x12f: {  	[bflag:$0x3] =	sbarrier.arrive $0xFFFF  }
0x130: {  	_ =	shalt  }

</sc_bundles>
